<compile_context>
chip_gen: v7x
topology: tpu7x:2x2x1
jax: 0.10.2.dev20260603
libtpu: 0.0.44.dev20260713+nightly
codegen_flags: <defaults>
</compile_context>

<pallas_src>
import functools

import jax
import jax.numpy as jnp
from jax import lax
from jax.experimental import pallas as pl
from jax.experimental.pallas import tpu as pltpu
from jax.experimental.pallas import tpu_sc as plsc

_B, _S, _D = 4, 2048, 1024
_NW = 32
_ROWS_PER_W = _S // _NW
_CH = 16
_CHW = _CH * _D
_LANES = 16
_RING = 4


def _tc_add_body(x_ref, pos_ref, out_ref):
    out_ref[...] = x_ref[...] + pos_ref[...][None, :, :]


def _tc_add(x, pos_table):
    B, S, D = x.shape
    S_BLK = 512
    return pl.pallas_call(
        _tc_add_body,
        grid=(S // S_BLK,),
        in_specs=[
            pl.BlockSpec((B, S_BLK, D), lambda i: (0, i, 0)),
            pl.BlockSpec((S_BLK, D), lambda i: (i, 0)),
        ],
        out_specs=pl.BlockSpec((B, S_BLK, D), lambda i: (0, i, 0)),
        out_shape=jax.ShapeDtypeStruct((B, S, D), x.dtype),
    )(x, pos_table)


def _sc_body(x_hbm, pos_hbm, out_hbm,
             pbuf0, pbuf1, xbuf0, xbuf1, xbuf2, xbuf3,
             psem0, psem1, lsem0, lsem1, lsem2, lsem3,
             ssem0, ssem1, ssem2, ssem3):
    wid = lax.axis_index("s") * 2 + lax.axis_index("c")
    pbufs, psems = [pbuf0, pbuf1], [psem0, psem1]
    xbufs = [xbuf0, xbuf1, xbuf2, xbuf3]
    lsems = [lsem0, lsem1, lsem2, lsem3]
    ssems = [ssem0, ssem1, ssem2, ssem3]
    n_ch = _ROWS_PER_W // _CH

    def seq0(c):
        return wid * _ROWS_PER_W + c * _CH

    jobs = [(c, b) for c in range(n_ch) for b in range(_B)]
    n = len(jobs)

    pos_h = [None] * n_ch
    pos_h[0] = pltpu.async_copy(
        pos_hbm.at[pl.ds(seq0(0), _CH), :], pbufs[0], psems[0])
    load_h = [None] * n
    store_h = [None] * n
    for i in range(min(_RING - 1, n)):
        c, b = jobs[i]
        load_h[i] = pltpu.async_copy(
            x_hbm.at[b, pl.ds(seq0(c), _CH), :],
            xbufs[i % _RING], lsems[i % _RING])

    for i in range(n):
        c, b = jobs[i]
        if b == 0:
            if c + 1 < n_ch:
                nc = c + 1
                pos_h[nc] = pltpu.async_copy(
                    pos_hbm.at[pl.ds(seq0(nc), _CH), :],
                    pbufs[nc % 2], psems[nc % 2])
            pos_h[c].wait()
        xb = xbufs[i % _RING]
        pb = pbufs[c % 2]
        load_h[i].wait()

        @plsc.parallel_loop(0, _CHW, step=_LANES, unroll=8)
        def _(k):
            r = k // _D
            sl = pl.ds(k % _D, _LANES)
            xb[r, sl] = xb[r, sl] + pb[r, sl]

        store_h[i] = pltpu.async_copy(
            xb, out_hbm.at[b, pl.ds(seq0(c), _CH), :], ssems[i % _RING])
        if i + _RING - 1 < n:
            j = i + _RING - 1
            if j >= _RING:
                store_h[j - _RING].wait()
            cj, bj = jobs[j]
            load_h[j] = pltpu.async_copy(
                x_hbm.at[bj, pl.ds(seq0(cj), _CH), :],
                xbufs[j % _RING], lsems[j % _RING])
    for i in range(max(0, n - _RING), n):
        store_h[i].wait()


def _sc_add(x, pos_table):
    mesh = plsc.VectorSubcoreMesh(core_axis_name="c", subcore_axis_name="s")
    call = functools.partial(
        pl.kernel,
        mesh=mesh,
        out_type=jax.ShapeDtypeStruct((_B, _S, _D), jnp.float32),
        scratch_types=(
            [pltpu.VMEM((_CH, _D), jnp.float32)] * 2
            + [pltpu.VMEM((_CH, _D), jnp.float32)] * _RING
            + [pltpu.SemaphoreType.DMA] * (2 + 2 * _RING)
        ),
    )(_sc_body)
    return call(x, pos_table)


def kernel(x, pos_table):
    return _sc_add(x, pos_table)

# --- scband reference (transcript-rebuilt; emitter-appended) ---
"""Pipeline reference for scband-ali-bi-positional-encoding-65309272703586 (READ-ONLY COPY).

The authoritative reference and input builder live on the scoring server;
editing this copy changes nothing except your own understanding.
"""

import jax, jax.numpy as jnp
import numpy as np


def setup_inputs(seed: int = 0) -> dict:
    key = jax.random.key(seed)
    k1, k2 = jax.random.split(key)
    x = jax.random.normal(k1, (4, 2048, 1024), dtype=jnp.float32)
    # learned parameter: nn.Embedding(block_size=2048, n_embd=1024) weight
    pos_table = jax.random.normal(k2, (2048, 1024), dtype=jnp.float32) * 0.02
    return {"x": x, "pos_table": pos_table}


def reference(x, pos_table):
    seq_length = x.shape[1]
    position_ids = jnp.arange(seq_length, dtype=jnp.int32)
    position_embeddings = jnp.take(pos_table, position_ids, axis=0)
    return x + position_embeddings

if __name__ == "__main__":
    import jax
    _d = setup_inputs()
    print(jax.jit(kernel)(*tuple(_d.values())))

</pallas_src>

<mosaic_0001>
#map = affine_map<(d0, d1) -> (0, 0, 0)>
#map1 = affine_map<(d0, d1) -> (0, 0)>
module attributes {stable_mosaic.version = 14 : i64} {
  func.func @_sc_body(%arg0: i32, %arg1: i32, %arg2: memref<4x2048x1024xf32, #tpu.memory_space<hbm>>, %arg3: memref<2048x1024xf32, #tpu.memory_space<hbm>>, %arg4: memref<4x2048x1024xf32, #tpu.memory_space<hbm>>, %arg5: memref<16x1024xf32, #tpu.memory_space<vmem>>, %arg6: memref<16x1024xf32, #tpu.memory_space<vmem>>, %arg7: memref<16x1024xf32, #tpu.memory_space<vmem>>, %arg8: memref<16x1024xf32, #tpu.memory_space<vmem>>, %arg9: memref<16x1024xf32, #tpu.memory_space<vmem>>, %arg10: memref<16x1024xf32, #tpu.memory_space<vmem>>, %arg11: memref<!tpu.dma_semaphore, #tpu.memory_space<semaphore_mem>>, %arg12: memref<!tpu.dma_semaphore, #tpu.memory_space<semaphore_mem>>, %arg13: memref<!tpu.dma_semaphore, #tpu.memory_space<semaphore_mem>>, %arg14: memref<!tpu.dma_semaphore, #tpu.memory_space<semaphore_mem>>, %arg15: memref<!tpu.dma_semaphore, #tpu.memory_space<semaphore_mem>>, %arg16: memref<!tpu.dma_semaphore, #tpu.memory_space<semaphore_mem>>, %arg17: memref<!tpu.dma_semaphore, #tpu.memory_space<semaphore_mem>>, %arg18: memref<!tpu.dma_semaphore, #tpu.memory_space<semaphore_mem>>, %arg19: memref<!tpu.dma_semaphore, #tpu.memory_space<semaphore_mem>>, %arg20: memref<!tpu.dma_semaphore, #tpu.memory_space<semaphore_mem>>) attributes {dimension_semantics = [#tpu.dimension_semantics<core_parallel>, #tpu.dimension_semantics<subcore_parallel>], iteration_bounds = array<i64: 2, 16>, scalar_prefetch = 0 : i64, scratch_operands = 16 : i64, tpu.core_type = #tpu.core_type<sc_vector_subcore>, window_params = [{transform_indices = #map}, {transform_indices = #map1}, {transform_indices = #map}]} {
    %mul3A = arith.constant 2 : i32
    %mul3A_0 = arith.muli %arg1, %mul3A : i32
    %add3A = arith.addi %mul3A_0, %arg0 : i32
    %mul3A_1 = arith.constant 64 : i32
    %mul3A_2 = arith.muli %add3A, %mul3A_1 : i32
    %add3A_3 = arith.constant 0 : i32
    %add3A_4 = arith.addi %mul3A_2, %add3A_3 : i32
    %dma_start3A = arith.constant 0 : i32
    %dma_start3A_5 = tpu.memref_slice %arg3[%add3A_4, %dma_start3A] : memref<2048x1024xf32, #tpu.memory_space<hbm>> -> memref<16x1024xf32, #tpu.memory_space<hbm>>
    %dma_start3A_6 = arith.constant 0 : i32
    %dma_start3A_7 = tpu.memref_slice %arg3[%add3A_4, %dma_start3A_6] : memref<2048x1024xf32, #tpu.memory_space<hbm>> -> memref<16x1024xf32, #tpu.memory_space<hbm>>
    tpu.enqueue_dma source(%dma_start3A_7 : memref<16x1024xf32, #tpu.memory_space<hbm>>) target(%arg5 : memref<16x1024xf32, #tpu.memory_space<vmem>>) target_semaphore(%arg11 : memref<!tpu.dma_semaphore, #tpu.memory_space<semaphore_mem>>)
    %mul3A_8 = arith.constant 64 : i32
    %mul3A_9 = arith.muli %add3A, %mul3A_8 : i32
    %add3A_10 = arith.constant 0 : i32
    %add3A_11 = arith.addi %mul3A_9, %add3A_10 : i32
    %dma_start3A_12 = arith.constant 0 : i32
    %dma_start3A_13 = arith.constant 0 : i32
    %dma_start3A_14 = tpu.memref_slice %arg2[%dma_start3A_12, %add3A_11, %dma_start3A_13] : memref<4x2048x1024xf32, #tpu.memory_space<hbm>> -> memref<1x16x1024xf32, #tpu.memory_space<hbm>>
    %dma_start3A_15 = tpu.memref_squeeze %dma_start3A_14 : memref<1x16x1024xf32, #tpu.memory_space<hbm>> -> memref<16x1024xf32, #tpu.memory_space<hbm>>
    %dma_start3A_16 = arith.constant 0 : i32
    %dma_start3A_17 = tpu.memref_slice %arg2[%dma_start3A_12, %add3A_11, %dma_start3A_16] : memref<4x2048x1024xf32, #tpu.memory_space<hbm>> -> memref<1x16x1024xf32, #tpu.memory_space<hbm>>
    %dma_start3A_18 = tpu.memref_squeeze %dma_start3A_17 : memref<1x16x1024xf32, #tpu.memory_space<hbm>> -> memref<16x1024xf32, #tpu.memory_space<hbm>>
    tpu.enqueue_dma source(%dma_start3A_18 : memref<16x1024xf32, #tpu.memory_space<hbm>>) target(%arg7 : memref<16x1024xf32, #tpu.memory_space<vmem>>) target_semaphore(%arg13 : memref<!tpu.dma_semaphore, #tpu.memory_space<semaphore_mem>>)
    %mul3A_19 = arith.constant 64 : i32
    %mul3A_20 = arith.muli %add3A, %mul3A_19 : i32
    %add3A_21 = arith.constant 0 : i32
    %add3A_22 = arith.addi %mul3A_20, %add3A_21 : i32
    %dma_start3A_23 = arith.constant 1 : i32
    %dma_start3A_24 = arith.constant 0 : i32
    %dma_start3A_25 = tpu.memref_slice %arg2[%dma_start3A_23, %add3A_22, %dma_start3A_24] : memref<4x2048x1024xf32, #tpu.memory_space<hbm>> -> memref<1x16x1024xf32, #tpu.memory_space<hbm>>
    %dma_start3A_26 = tpu.memref_squeeze %dma_start3A_25 : memref<1x16x1024xf32, #tpu.memory_space<hbm>> -> memref<16x1024xf32, #tpu.memory_space<hbm>>
    %dma_start3A_27 = arith.constant 0 : i32
    %dma_start3A_28 = tpu.memref_slice %arg2[%dma_start3A_23, %add3A_22, %dma_start3A_27] : memref<4x2048x1024xf32, #tpu.memory_space<hbm>> -> memref<1x16x1024xf32, #tpu.memory_space<hbm>>
    %dma_start3A_29 = tpu.memref_squeeze %dma_start3A_28 : memref<1x16x1024xf32, #tpu.memory_space<hbm>> -> memref<16x1024xf32, #tpu.memory_space<hbm>>
    tpu.enqueue_dma source(%dma_start3A_29 : memref<16x1024xf32, #tpu.memory_space<hbm>>) target(%arg8 : memref<16x1024xf32, #tpu.memory_space<vmem>>) target_semaphore(%arg14 : memref<!tpu.dma_semaphore, #tpu.memory_space<semaphore_mem>>)
    %mul3A_30 = arith.constant 64 : i32
    %mul3A_31 = arith.muli %add3A, %mul3A_30 : i32
    %add3A_32 = arith.constant 0 : i32
    %add3A_33 = arith.addi %mul3A_31, %add3A_32 : i32
    %dma_start3A_34 = arith.constant 2 : i32
    %dma_start3A_35 = arith.constant 0 : i32
    %dma_start3A_36 = tpu.memref_slice %arg2[%dma_start3A_34, %add3A_33, %dma_start3A_35] : memref<4x2048x1024xf32, #tpu.memory_space<hbm>> -> memref<1x16x1024xf32, #tpu.memory_space<hbm>>
    %dma_start3A_37 = tpu.memref_squeeze %dma_start3A_36 : memref<1x16x1024xf32, #tpu.memory_space<hbm>> -> memref<16x1024xf32, #tpu.memory_space<hbm>>
    %dma_start3A_38 = arith.constant 0 : i32
    %dma_start3A_39 = tpu.memref_slice %arg2[%dma_start3A_34, %add3A_33, %dma_start3A_38] : memref<4x2048x1024xf32, #tpu.memory_space<hbm>> -> memref<1x16x1024xf32, #tpu.memory_space<hbm>>
    %dma_start3A_40 = tpu.memref_squeeze %dma_start3A_39 : memref<1x16x1024xf32, #tpu.memory_space<hbm>> -> memref<16x1024xf32, #tpu.memory_space<hbm>>
    tpu.enqueue_dma source(%dma_start3A_40 : memref<16x1024xf32, #tpu.memory_space<hbm>>) target(%arg9 : memref<16x1024xf32, #tpu.memory_space<vmem>>) target_semaphore(%arg15 : memref<!tpu.dma_semaphore, #tpu.memory_space<semaphore_mem>>)
    %mul3A_41 = arith.constant 64 : i32
    %mul3A_42 = arith.muli %add3A, %mul3A_41 : i32
    %add3A_43 = arith.constant 16 : i32
    %add3A_44 = arith.addi %mul3A_42, %add3A_43 : i32
    %dma_start3A_45 = arith.constant 0 : i32
    %dma_start3A_46 = tpu.memref_slice %arg3[%add3A_44, %dma_start3A_45] : memref<2048x1024xf32, #tpu.memory_space<hbm>> -> memref<16x1024xf32, #tpu.memory_space<hbm>>
    %dma_start3A_47 = arith.constant 0 : i32
    %dma_start3A_48 = tpu.memref_slice %arg3[%add3A_44, %dma_start3A_47] : memref<2048x1024xf32, #tpu.memory_space<hbm>> -> memref<16x1024xf32, #tpu.memory_space<hbm>>
    tpu.enqueue_dma source(%dma_start3A_48 : memref<16x1024xf32, #tpu.memory_space<hbm>>) target(%arg6 : memref<16x1024xf32, #tpu.memory_space<vmem>>) target_semaphore(%arg12 : memref<!tpu.dma_semaphore, #tpu.memory_space<semaphore_mem>>)
    %dma_wait3A = arith.constant 0 : i32
    %dma_wait3A_49 = tpu.memref_slice %arg3[%add3A_4, %dma_wait3A] : memref<2048x1024xf32, #tpu.memory_space<hbm>> -> memref<16x1024xf32, #tpu.memory_space<hbm>>
    %dma_wait3A_50 = arith.constant 0 : i32
    %dma_wait3A_51 = tpu.memref_slice %arg3[%add3A_4, %dma_wait3A_50] : memref<2048x1024xf32, #tpu.memory_space<hbm>> -> memref<16x1024xf32, #tpu.memory_space<hbm>>
    tpu.wait_dma2 semaphore(%arg11 : memref<!tpu.dma_semaphore, #tpu.memory_space<semaphore_mem>>) src(%dma_wait3A_51 : memref<16x1024xf32, #tpu.memory_space<hbm>>) dst(%arg5 : memref<16x1024xf32, #tpu.memory_space<vmem>>)
    %dma_wait3A_52 = arith.constant 0 : i32
    %dma_wait3A_53 = arith.constant 0 : i32
    %dma_wait3A_54 = tpu.memref_slice %arg2[%dma_wait3A_52, %add3A_11, %dma_wait3A_53] : memref<4x2048x1024xf32, #tpu.memory_space<hbm>> -> memref<1x16x1024xf32, #tpu.memory_space<hbm>>
    %dma_wait3A_55 = tpu.memref_squeeze %dma_wait3A_54 : memref<1x16x1024xf32, #tpu.memory_space<hbm>> -> memref<16x1024xf32, #tpu.memory_space<hbm>>
    %dma_wait3A_56 = arith.constant 0 : i32
    %dma_wait3A_57 = tpu.memref_slice %arg2[%dma_wait3A_52, %add3A_11, %dma_wait3A_56] : memref<4x2048x1024xf32, #tpu.memory_space<hbm>> -> memref<1x16x1024xf32, #tpu.memory_space<hbm>>
    %dma_wait3A_58 = tpu.memref_squeeze %dma_wait3A_57 : memref<1x16x1024xf32, #tpu.memory_space<hbm>> -> memref<16x1024xf32, #tpu.memory_space<hbm>>
    tpu.wait_dma2 semaphore(%arg13 : memref<!tpu.dma_semaphore, #tpu.memory_space<semaphore_mem>>) src(%dma_wait3A_58 : memref<16x1024xf32, #tpu.memory_space<hbm>>) dst(%arg7 : memref<16x1024xf32, #tpu.memory_space<vmem>>)
    %parallel_loop3A = arith.constant 0 : i32
    %parallel_loop3A_59 = arith.constant 16384 : i32
    %parallel_loop3A_60 = arith.constant 16 : i32
    scf.for %parallel_loop3A_670 = %parallel_loop3A to %parallel_loop3A_59 step %parallel_loop3A_60  : i32 {
      %parallel_loop3A_671 = arith.constant 1024 : i32
      %parallel_loop3A_672 = arith.divsi %parallel_loop3A_670, %parallel_loop3A_671 : i32
      %parallel_loop3A_673 = arith.constant 0 : i32
      %parallel_loop3A_674 = arith.cmpi sgt, %parallel_loop3A_670, %parallel_loop3A_673 : i32
      %parallel_loop3A_675 = arith.extui %parallel_loop3A_674 : i1 to i32
      %parallel_loop3A_676 = arith.constant 0 : i32
      %parallel_loop3A_677 = arith.cmpi slt, %parallel_loop3A_670, %parallel_loop3A_676 : i32
      %parallel_loop3A_678 = arith.extui %parallel_loop3A_677 : i1 to i32
      %parallel_loop3A_679 = arith.subi %parallel_loop3A_675, %parallel_loop3A_678 : i32
      %parallel_loop3A_680 = arith.constant 0 : i32
      %parallel_loop3A_681 = arith.cmpi sgt, %parallel_loop3A_671, %parallel_loop3A_680 : i32
      %parallel_loop3A_682 = arith.extui %parallel_loop3A_681 : i1 to i32
      %parallel_loop3A_683 = arith.constant 0 : i32
      %parallel_loop3A_684 = arith.cmpi slt, %parallel_loop3A_671, %parallel_loop3A_683 : i32
      %parallel_loop3A_685 = arith.extui %parallel_loop3A_684 : i1 to i32
      %parallel_loop3A_686 = arith.subi %parallel_loop3A_682, %parallel_loop3A_685 : i32
      %parallel_loop3A_687 = arith.cmpi ne, %parallel_loop3A_679, %parallel_loop3A_686 : i32
      %parallel_loop3A_688 = arith.remsi %parallel_loop3A_670, %parallel_loop3A_671 : i32
      %parallel_loop3A_689 = arith.constant 0 : i32
      %parallel_loop3A_690 = arith.cmpi ne, %parallel_loop3A_688, %parallel_loop3A_689 : i32
      %parallel_loop3A_691 = arith.andi %parallel_loop3A_687, %parallel_loop3A_690 : i1
      %parallel_loop3A_692 = arith.constant 1 : i32
      %parallel_loop3A_693 = arith.subi %parallel_loop3A_672, %parallel_loop3A_692 : i32
      %parallel_loop3A_694 = arith.select %parallel_loop3A_691, %parallel_loop3A_693, %parallel_loop3A_672 : i32
      %parallel_loop3A_695 = arith.constant 1024 : i32
      %parallel_loop3A_696 = arith.constant 0 : i32
      %parallel_loop3A_697 = arith.cmpi eq, %parallel_loop3A_695, %parallel_loop3A_696 : i32
      %parallel_loop3A_698 = arith.constant 1 : i32
      %parallel_loop3A_699 = arith.select %parallel_loop3A_697, %parallel_loop3A_698, %parallel_loop3A_695 : i32
      %parallel_loop3A_700 = arith.remsi %parallel_loop3A_670, %parallel_loop3A_699 : i32
      %parallel_loop3A_701 = arith.constant 0 : i32
      %parallel_loop3A_702 = arith.cmpi ne, %parallel_loop3A_700, %parallel_loop3A_701 : i32
      %parallel_loop3A_703 = arith.constant 0 : i32
      %parallel_loop3A_704 = arith.cmpi slt, %parallel_loop3A_700, %parallel_loop3A_703 : i32
      %parallel_loop3A_705 = arith.constant 0 : i32
      %parallel_loop3A_706 = arith.cmpi slt, %parallel_loop3A_699, %parallel_loop3A_705 : i32
      %parallel_loop3A_707 = arith.xori %parallel_loop3A_704, %parallel_loop3A_706 : i1
      %parallel_loop3A_708 = arith.andi %parallel_loop3A_707, %parallel_loop3A_702 : i1
      %parallel_loop3A_709 = arith.addi %parallel_loop3A_700, %parallel_loop3A_699 : i32
      %parallel_loop3A_710 = arith.select %parallel_loop3A_708, %parallel_loop3A_709, %parallel_loop3A_700 : i32
      %parallel_loop3A_711 = arith.index_cast %parallel_loop3A_694 : i32 to index
      %parallel_loop3A_712 = arith.index_cast %parallel_loop3A_710 : i32 to index
      %parallel_loop3A_713 = tpu.vector_load %arg7[%parallel_loop3A_711, %parallel_loop3A_712] {strides = array<i32>} : memref<16x1024xf32, #tpu.memory_space<vmem>>, vector<1x16xf32>,
      %parallel_loop3A_714 = vector.shape_cast %parallel_loop3A_713 : vector<1x16xf32> to vector<16xf32>
      %parallel_loop3A_715 = arith.index_cast %parallel_loop3A_694 : i32 to index
      %parallel_loop3A_716 = arith.index_cast %parallel_loop3A_710 : i32 to index
      %parallel_loop3A_717 = tpu.vector_load %arg5[%parallel_loop3A_715, %parallel_loop3A_716] {strides = array<i32>} : memref<16x1024xf32, #tpu.memory_space<vmem>>, vector<1x16xf32>,
      %parallel_loop3A_718 = vector.shape_cast %parallel_loop3A_717 : vector<1x16xf32> to vector<16xf32>
      %parallel_loop3A_719 = arith.addf %parallel_loop3A_714, %parallel_loop3A_718 : vector<16xf32>
      %parallel_loop3A_720 = arith.index_cast %parallel_loop3A_694 : i32 to index
      %parallel_loop3A_721 = arith.index_cast %parallel_loop3A_710 : i32 to index
      %parallel_loop3A_722 = tpu.vector_load %arg7[%parallel_loop3A_720, %parallel_loop3A_721] {strides = array<i32>} : memref<16x1024xf32, #tpu.memory_space<vmem>>, vector<1x16xf32>,
      %parallel_loop3A_723 = vector.shape_cast %parallel_loop3A_722 : vector<1x16xf32> to vector<16xf32>
      %parallel_loop3A_724 = vector.shape_cast %parallel_loop3A_719 : vector<16xf32> to vector<1x16xf32>
      tpu.vector_store %arg7[%parallel_loop3A_720, %parallel_loop3A_721], %parallel_loop3A_724 {strides = array<i32>} : memref<16x1024xf32, #tpu.memory_space<vmem>>, vector<1x16xf32>,
    } {sc.loop_unroll_factor = 8 : i64, sc.parallel_access}
    %mul3A_61 = arith.constant 64 : i32
    %mul3A_62 = arith.muli %add3A, %mul3A_61 : i32
    %add3A_63 = arith.constant 0 : i32
    %add3A_64 = arith.addi %mul3A_62, %add3A_63 : i32
    %dma_start3A_65 = arith.constant 0 : i32
    %dma_start3A_66 = arith.constant 0 : i32
    %dma_start3A_67 = tpu.memref_slice %arg4[%dma_start3A_65, %add3A_64, %dma_start3A_66] : memref<4x2048x1024xf32, #tpu.memory_space<hbm>> -> memref<1x16x1024xf32, #tpu.memory_space<hbm>>
    %dma_start3A_68 = tpu.memref_squeeze %dma_start3A_67 : memref<1x16x1024xf32, #tpu.memory_space<hbm>> -> memref<16x1024xf32, #tpu.memory_space<hbm>>
    %dma_start3A_69 = arith.constant 0 : i32
    %dma_start3A_70 = tpu.memref_slice %arg4[%dma_start3A_65, %add3A_64, %dma_start3A_69] : memref<4x2048x1024xf32, #tpu.memory_space<hbm>> -> memref<1x16x1024xf32, #tpu.memory_space<hbm>>
    %dma_start3A_71 = tpu.memref_squeeze %dma_start3A_70 : memref<1x16x1024xf32, #tpu.memory_space<hbm>> -> memref<16x1024xf32, #tpu.memory_space<hbm>>
    tpu.enqueue_dma source(%arg7 : memref<16x1024xf32, #tpu.memory_space<vmem>>) target(%dma_start3A_71 : memref<16x1024xf32, #tpu.memory_space<hbm>>) target_semaphore(%arg17 : memref<!tpu.dma_semaphore, #tpu.memory_space<semaphore_mem>>)
    %mul3A_72 = arith.constant 64 : i32
    %mul3A_73 = arith.muli %add3A, %mul3A_72 : i32
    %add3A_74 = arith.constant 0 : i32
    %add3A_75 = arith.addi %mul3A_73, %add3A_74 : i32
    %dma_start3A_76 = arith.constant 3 : i32
    %dma_start3A_77 = arith.constant 0 : i32
    %dma_start3A_78 = tpu.memref_slice %arg2[%dma_start3A_76, %add3A_75, %dma_start3A_77] : memref<4x2048x1024xf32, #tpu.memory_space<hbm>> -> memref<1x16x1024xf32, #tpu.memory_space<hbm>>
    %dma_start3A_79 = tpu.memref_squeeze %dma_start3A_78 : memref<1x16x1024xf32, #tpu.memory_space<hbm>> -> memref<16x1024xf32, #tpu.memory_space<hbm>>
    %dma_start3A_80 = arith.constant 0 : i32
    %dma_start3A_81 = tpu.memref_slice %arg2[%dma_start3A_76, %add3A_75, %dma_start3A_80] : memref<4x2048x1024xf32, #tpu.memory_space<hbm>> -> memref<1x16x1024xf32, #tpu.memory_space<hbm>>
    %dma_start3A_82 = tpu.memref_squeeze %dma_start3A_81 : memref<1x16x1024xf32, #tpu.memory_space<hbm>> -> memref<16x1024xf32, #tpu.memory_space<hbm>>
    tpu.enqueue_dma source(%dma_start3A_82 : memref<16x1024xf32, #tpu.memory_space<hbm>>) target(%arg10 : memref<16x1024xf32, #tpu.memory_space<vmem>>) target_semaphore(%arg16 : memref<!tpu.dma_semaphore, #tpu.memory_space<semaphore_mem>>)
    %dma_wait3A_83 = arith.constant 1 : i32
    %dma_wait3A_84 = arith.constant 0 : i32
    %dma_wait3A_85 = tpu.memref_slice %arg2[%dma_wait3A_83, %add3A_22, %dma_wait3A_84] : memref<4x2048x1024xf32, #tpu.memory_space<hbm>> -> memref<1x16x1024xf32, #tpu.memory_space<hbm>>
    %dma_wait3A_86 = tpu.memref_squeeze %dma_wait3A_85 : memref<1x16x1024xf32, #tpu.memory_space<hbm>> -> memref<16x1024xf32, #tpu.memory_space<hbm>>
    %dma_wait3A_87 = arith.constant 0 : i32
    %dma_wait3A_88 = tpu.memref_slice %arg2[%dma_wait3A_83, %add3A_22, %dma_wait3A_87] : memref<4x2048x1024xf32, #tpu.memory_space<hbm>> -> memref<1x16x1024xf32, #tpu.memory_space<hbm>>
    %dma_wait3A_89 = tpu.memref_squeeze %dma_wait3A_88 : memref<1x16x1024xf32, #tpu.memory_space<hbm>> -> memref<16x1024xf32, #tpu.memory_space<hbm>>
    tpu.wait_dma2 semaphore(%arg14 : memref<!tpu.dma_semaphore, #tpu.memory_space<semaphore_mem>>) src(%dma_wait3A_89 : memref<16x1024xf32, #tpu.memory_space<hbm>>) dst(%arg8 : memref<16x1024xf32, #tpu.memory_space<vmem>>)
    %parallel_loop3A_90 = arith.constant 0 : i32
    %parallel_loop3A_91 = arith.constant 16384 : i32
    %parallel_loop3A_92 = arith.constant 16 : i32
    scf.for %parallel_loop3A_670 = %parallel_loop3A_90 to %parallel_loop3A_91 step %parallel_loop3A_92  : i32 {
      %parallel_loop3A_671 = arith.constant 1024 : i32
      %parallel_loop3A_672 = arith.divsi %parallel_loop3A_670, %parallel_loop3A_671 : i32
      %parallel_loop3A_673 = arith.constant 0 : i32
      %parallel_loop3A_674 = arith.cmpi sgt, %parallel_loop3A_670, %parallel_loop3A_673 : i32
      %parallel_loop3A_675 = arith.extui %parallel_loop3A_674 : i1 to i32
      %parallel_loop3A_676 = arith.constant 0 : i32
      %parallel_loop3A_677 = arith.cmpi slt, %parallel_loop3A_670, %parallel_loop3A_676 : i32
      %parallel_loop3A_678 = arith.extui %parallel_loop3A_677 : i1 to i32
      %parallel_loop3A_679 = arith.subi %parallel_loop3A_675, %parallel_loop3A_678 : i32
      %parallel_loop3A_680 = arith.constant 0 : i32
      %parallel_loop3A_681 = arith.cmpi sgt, %parallel_loop3A_671, %parallel_loop3A_680 : i32
      %parallel_loop3A_682 = arith.extui %parallel_loop3A_681 : i1 to i32
      %parallel_loop3A_683 = arith.constant 0 : i32
      %parallel_loop3A_684 = arith.cmpi slt, %parallel_loop3A_671, %parallel_loop3A_683 : i32
      %parallel_loop3A_685 = arith.extui %parallel_loop3A_684 : i1 to i32
      %parallel_loop3A_686 = arith.subi %parallel_loop3A_682, %parallel_loop3A_685 : i32
      %parallel_loop3A_687 = arith.cmpi ne, %parallel_loop3A_679, %parallel_loop3A_686 : i32
      %parallel_loop3A_688 = arith.remsi %parallel_loop3A_670, %parallel_loop3A_671 : i32
      %parallel_loop3A_689 = arith.constant 0 : i32
      %parallel_loop3A_690 = arith.cmpi ne, %parallel_loop3A_688, %parallel_loop3A_689 : i32
      %parallel_loop3A_691 = arith.andi %parallel_loop3A_687, %parallel_loop3A_690 : i1
      %parallel_loop3A_692 = arith.constant 1 : i32
      %parallel_loop3A_693 = arith.subi %parallel_loop3A_672, %parallel_loop3A_692 : i32
      %parallel_loop3A_694 = arith.select %parallel_loop3A_691, %parallel_loop3A_693, %parallel_loop3A_672 : i32
      %parallel_loop3A_695 = arith.constant 1024 : i32
      %parallel_loop3A_696 = arith.constant 0 : i32
      %parallel_loop3A_697 = arith.cmpi eq, %parallel_loop3A_695, %parallel_loop3A_696 : i32
      %parallel_loop3A_698 = arith.constant 1 : i32
      %parallel_loop3A_699 = arith.select %parallel_loop3A_697, %parallel_loop3A_698, %parallel_loop3A_695 : i32
      %parallel_loop3A_700 = arith.remsi %parallel_loop3A_670, %parallel_loop3A_699 : i32
      %parallel_loop3A_701 = arith.constant 0 : i32
      %parallel_loop3A_702 = arith.cmpi ne, %parallel_loop3A_700, %parallel_loop3A_701 : i32
      %parallel_loop3A_703 = arith.constant 0 : i32
      %parallel_loop3A_704 = arith.cmpi slt, %parallel_loop3A_700, %parallel_loop3A_703 : i32
      %parallel_loop3A_705 = arith.constant 0 : i32
      %parallel_loop3A_706 = arith.cmpi slt, %parallel_loop3A_699, %parallel_loop3A_705 : i32
      %parallel_loop3A_707 = arith.xori %parallel_loop3A_704, %parallel_loop3A_706 : i1
      %parallel_loop3A_708 = arith.andi %parallel_loop3A_707, %parallel_loop3A_702 : i1
      %parallel_loop3A_709 = arith.addi %parallel_loop3A_700, %parallel_loop3A_699 : i32
      %parallel_loop3A_710 = arith.select %parallel_loop3A_708, %parallel_loop3A_709, %parallel_loop3A_700 : i32
      %parallel_loop3A_711 = arith.index_cast %parallel_loop3A_694 : i32 to index
      %parallel_loop3A_712 = arith.index_cast %parallel_loop3A_710 : i32 to index
      %parallel_loop3A_713 = tpu.vector_load %arg8[%parallel_loop3A_711, %parallel_loop3A_712] {strides = array<i32>} : memref<16x1024xf32, #tpu.memory_space<vmem>>, vector<1x16xf32>,
      %parallel_loop3A_714 = vector.shape_cast %parallel_loop3A_713 : vector<1x16xf32> to vector<16xf32>
      %parallel_loop3A_715 = arith.index_cast %parallel_loop3A_694 : i32 to index
      %parallel_loop3A_716 = arith.index_cast %parallel_loop3A_710 : i32 to index
      %parallel_loop3A_717 = tpu.vector_load %arg5[%parallel_loop3A_715, %parallel_loop3A_716] {strides = array<i32>} : memref<16x1024xf32, #tpu.memory_space<vmem>>, vector<1x16xf32>,
      %parallel_loop3A_718 = vector.shape_cast %parallel_loop3A_717 : vector<1x16xf32> to vector<16xf32>
      %parallel_loop3A_719 = arith.addf %parallel_loop3A_714, %parallel_loop3A_718 : vector<16xf32>
      %parallel_loop3A_720 = arith.index_cast %parallel_loop3A_694 : i32 to index
      %parallel_loop3A_721 = arith.index_cast %parallel_loop3A_710 : i32 to index
      %parallel_loop3A_722 = tpu.vector_load %arg8[%parallel_loop3A_720, %parallel_loop3A_721] {strides = array<i32>} : memref<16x1024xf32, #tpu.memory_space<vmem>>, vector<1x16xf32>,
      %parallel_loop3A_723 = vector.shape_cast %parallel_loop3A_722 : vector<1x16xf32> to vector<16xf32>
      %parallel_loop3A_724 = vector.shape_cast %parallel_loop3A_719 : vector<16xf32> to vector<1x16xf32>
      tpu.vector_store %arg8[%parallel_loop3A_720, %parallel_loop3A_721], %parallel_loop3A_724 {strides = array<i32>} : memref<16x1024xf32, #tpu.memory_space<vmem>>, vector<1x16xf32>,
    } {sc.loop_unroll_factor = 8 : i64, sc.parallel_access}
    %mul3A_93 = arith.constant 64 : i32
    %mul3A_94 = arith.muli %add3A, %mul3A_93 : i32
    %add3A_95 = arith.constant 0 : i32
    %add3A_96 = arith.addi %mul3A_94, %add3A_95 : i32
    %dma_start3A_97 = arith.constant 1 : i32
    %dma_start3A_98 = arith.constant 0 : i32
    %dma_start3A_99 = tpu.memref_slice %arg4[%dma_start3A_97, %add3A_96, %dma_start3A_98] : memref<4x2048x1024xf32, #tpu.memory_space<hbm>> -> memref<1x16x1024xf32, #tpu.memory_space<hbm>>
    %dma_start3A_100 = tpu.memref_squeeze %dma_start3A_99 : memref<1x16x1024xf32, #tpu.memory_space<hbm>> -> memref<16x1024xf32, #tpu.memory_space<hbm>>
    %dma_start3A_101 = arith.constant 0 : i32
    %dma_start3A_102 = tpu.memref_slice %arg4[%dma_start3A_97, %add3A_96, %dma_start3A_101] : memref<4x2048x1024xf32, #tpu.memory_space<hbm>> -> memref<1x16x1024xf32, #tpu.memory_space<hbm>>
    %dma_start3A_103 = tpu.memref_squeeze %dma_start3A_102 : memref<1x16x1024xf32, #tpu.memory_space<hbm>> -> memref<16x1024xf32, #tpu.memory_space<hbm>>
    tpu.enqueue_dma source(%arg8 : memref<16x1024xf32, #tpu.memory_space<vmem>>) target(%dma_start3A_103 : memref<16x1024xf32, #tpu.memory_space<hbm>>) target_semaphore(%arg18 : memref<!tpu.dma_semaphore, #tpu.memory_space<semaphore_mem>>)
    %dma_wait3A_104 = arith.constant 0 : i32
    %dma_wait3A_105 = arith.constant 0 : i32
    %dma_wait3A_106 = tpu.memref_slice %arg4[%dma_wait3A_104, %add3A_64, %dma_wait3A_105] : memref<4x2048x1024xf32, #tpu.memory_space<hbm>> -> memref<1x16x1024xf32, #tpu.memory_space<hbm>>
    %dma_wait3A_107 = tpu.memref_squeeze %dma_wait3A_106 : memref<1x16x1024xf32, #tpu.memory_space<hbm>> -> memref<16x1024xf32, #tpu.memory_space<hbm>>
    %dma_wait3A_108 = arith.constant 0 : i32
    %dma_wait3A_109 = tpu.memref_slice %arg4[%dma_wait3A_104, %add3A_64, %dma_wait3A_108] : memref<4x2048x1024xf32, #tpu.memory_space<hbm>> -> memref<1x16x1024xf32, #tpu.memory_space<hbm>>
    %dma_wait3A_110 = tpu.memref_squeeze %dma_wait3A_109 : memref<1x16x1024xf32, #tpu.memory_space<hbm>> -> memref<16x1024xf32, #tpu.memory_space<hbm>>
    tpu.wait_dma2 semaphore(%arg17 : memref<!tpu.dma_semaphore, #tpu.memory_space<semaphore_mem>>) src(%arg7 : memref<16x1024xf32, #tpu.memory_space<vmem>>) dst(%dma_wait3A_110 : memref<16x1024xf32, #tpu.memory_space<hbm>>)
    %mul3A_111 = arith.constant 64 : i32
    %mul3A_112 = arith.muli %add3A, %mul3A_111 : i32
    %add3A_113 = arith.constant 16 : i32
    %add3A_114 = arith.addi %mul3A_112, %add3A_113 : i32
    %dma_start3A_115 = arith.constant 0 : i32
    %dma_start3A_116 = arith.constant 0 : i32
    %dma_start3A_117 = tpu.memref_slice %arg2[%dma_start3A_115, %add3A_114, %dma_start3A_116] : memref<4x2048x1024xf32, #tpu.memory_space<hbm>> -> memref<1x16x1024xf32, #tpu.memory_space<hbm>>
    %dma_start3A_118 = tpu.memref_squeeze %dma_start3A_117 : memref<1x16x1024xf32, #tpu.memory_space<hbm>> -> memref<16x1024xf32, #tpu.memory_space<hbm>>
    %dma_start3A_119 = arith.constant 0 : i32
    %dma_start3A_120 = tpu.memref_slice %arg2[%dma_start3A_115, %add3A_114, %dma_start3A_119] : memref<4x2048x1024xf32, #tpu.memory_space<hbm>> -> memref<1x16x1024xf32, #tpu.memory_space<hbm>>
    %dma_start3A_121 = tpu.memref_squeeze %dma_start3A_120 : memref<1x16x1024xf32, #tpu.memory_space<hbm>> -> memref<16x1024xf32, #tpu.memory_space<hbm>>
    tpu.enqueue_dma source(%dma_start3A_121 : memref<16x1024xf32, #tpu.memory_space<hbm>>) target(%arg7 : memref<16x1024xf32, #tpu.memory_space<vmem>>) target_semaphore(%arg13 : memref<!tpu.dma_semaphore, #tpu.memory_space<semaphore_mem>>)
    %dma_wait3A_122 = arith.constant 2 : i32
    %dma_wait3A_123 = arith.constant 0 : i32
    %dma_wait3A_124 = tpu.memref_slice %arg2[%dma_wait3A_122, %add3A_33, %dma_wait3A_123] : memref<4x2048x1024xf32, #tpu.memory_space<hbm>> -> memref<1x16x1024xf32, #tpu.memory_space<hbm>>
    %dma_wait3A_125 = tpu.memref_squeeze %dma_wait3A_124 : memref<1x16x1024xf32, #tpu.memory_space<hbm>> -> memref<16x1024xf32, #tpu.memory_space<hbm>>
    %dma_wait3A_126 = arith.constant 0 : i32
    %dma_wait3A_127 = tpu.memref_slice %arg2[%dma_wait3A_122, %add3A_33, %dma_wait3A_126] : memref<4x2048x1024xf32, #tpu.memory_space<hbm>> -> memref<1x16x1024xf32, #tpu.memory_space<hbm>>
    %dma_wait3A_128 = tpu.memref_squeeze %dma_wait3A_127 : memref<1x16x1024xf32, #tpu.memory_space<hbm>> -> memref<16x1024xf32, #tpu.memory_space<hbm>>
    tpu.wait_dma2 semaphore(%arg15 : memref<!tpu.dma_semaphore, #tpu.memory_space<semaphore_mem>>) src(%dma_wait3A_128 : memref<16x1024xf32, #tpu.memory_space<hbm>>) dst(%arg9 : memref<16x1024xf32, #tpu.memory_space<vmem>>)
    %parallel_loop3A_129 = arith.constant 0 : i32
    %parallel_loop3A_130 = arith.constant 16384 : i32
    %parallel_loop3A_131 = arith.constant 16 : i32
    scf.for %parallel_loop3A_670 = %parallel_loop3A_129 to %parallel_loop3A_130 step %parallel_loop3A_131  : i32 {
      %parallel_loop3A_671 = arith.constant 1024 : i32
      %parallel_loop3A_672 = arith.divsi %parallel_loop3A_670, %parallel_loop3A_671 : i32
      %parallel_loop3A_673 = arith.constant 0 : i32
      %parallel_loop3A_674 = arith.cmpi sgt, %parallel_loop3A_670, %parallel_loop3A_673 : i32
      %parallel_loop3A_675 = arith.extui %parallel_loop3A_674 : i1 to i32
      %parallel_loop3A_676 = arith.constant 0 : i32
      %parallel_loop3A_677 = arith.cmpi slt, %parallel_loop3A_670, %parallel_loop3A_676 : i32
      %parallel_loop3A_678 = arith.extui %parallel_loop3A_677 : i1 to i32
      %parallel_loop3A_679 = arith.subi %parallel_loop3A_675, %parallel_loop3A_678 : i32
      %parallel_loop3A_680 = arith.constant 0 : i32
      %parallel_loop3A_681 = arith.cmpi sgt, %parallel_loop3A_671, %parallel_loop3A_680 : i32
      %parallel_loop3A_682 = arith.extui %parallel_loop3A_681 : i1 to i32
      %parallel_loop3A_683 = arith.constant 0 : i32
      %parallel_loop3A_684 = arith.cmpi slt, %parallel_loop3A_671, %parallel_loop3A_683 : i32
      %parallel_loop3A_685 = arith.extui %parallel_loop3A_684 : i1 to i32
      %parallel_loop3A_686 = arith.subi %parallel_loop3A_682, %parallel_loop3A_685 : i32
      %parallel_loop3A_687 = arith.cmpi ne, %parallel_loop3A_679, %parallel_loop3A_686 : i32
      %parallel_loop3A_688 = arith.remsi %parallel_loop3A_670, %parallel_loop3A_671 : i32
      %parallel_loop3A_689 = arith.constant 0 : i32
      %parallel_loop3A_690 = arith.cmpi ne, %parallel_loop3A_688, %parallel_loop3A_689 : i32
      %parallel_loop3A_691 = arith.andi %parallel_loop3A_687, %parallel_loop3A_690 : i1
      %parallel_loop3A_692 = arith.constant 1 : i32
      %parallel_loop3A_693 = arith.subi %parallel_loop3A_672, %parallel_loop3A_692 : i32
      %parallel_loop3A_694 = arith.select %parallel_loop3A_691, %parallel_loop3A_693, %parallel_loop3A_672 : i32
      %parallel_loop3A_695 = arith.constant 1024 : i32
      %parallel_loop3A_696 = arith.constant 0 : i32
      %parallel_loop3A_697 = arith.cmpi eq, %parallel_loop3A_695, %parallel_loop3A_696 : i32
      %parallel_loop3A_698 = arith.constant 1 : i32
      %parallel_loop3A_699 = arith.select %parallel_loop3A_697, %parallel_loop3A_698, %parallel_loop3A_695 : i32
      %parallel_loop3A_700 = arith.remsi %parallel_loop3A_670, %parallel_loop3A_699 : i32
      %parallel_loop3A_701 = arith.constant 0 : i32
      %parallel_loop3A_702 = arith.cmpi ne, %parallel_loop3A_700, %parallel_loop3A_701 : i32
      %parallel_loop3A_703 = arith.constant 0 : i32
      %parallel_loop3A_704 = arith.cmpi slt, %parallel_loop3A_700, %parallel_loop3A_703 : i32
      %parallel_loop3A_705 = arith.constant 0 : i32
      %parallel_loop3A_706 = arith.cmpi slt, %parallel_loop3A_699, %parallel_loop3A_705 : i32
      %parallel_loop3A_707 = arith.xori %parallel_loop3A_704, %parallel_loop3A_706 : i1
      %parallel_loop3A_708 = arith.andi %parallel_loop3A_707, %parallel_loop3A_702 : i1
      %parallel_loop3A_709 = arith.addi %parallel_loop3A_700, %parallel_loop3A_699 : i32
      %parallel_loop3A_710 = arith.select %parallel_loop3A_708, %parallel_loop3A_709, %parallel_loop3A_700 : i32
      %parallel_loop3A_711 = arith.index_cast %parallel_loop3A_694 : i32 to index
      %parallel_loop3A_712 = arith.index_cast %parallel_loop3A_710 : i32 to index
      %parallel_loop3A_713 = tpu.vector_load %arg9[%parallel_loop3A_711, %parallel_loop3A_712] {strides = array<i32>} : memref<16x1024xf32, #tpu.memory_space<vmem>>, vector<1x16xf32>,
      %parallel_loop3A_714 = vector.shape_cast %parallel_loop3A_713 : vector<1x16xf32> to vector<16xf32>
      %parallel_loop3A_715 = arith.index_cast %parallel_loop3A_694 : i32 to index
      %parallel_loop3A_716 = arith.index_cast %parallel_loop3A_710 : i32 to index
      %parallel_loop3A_717 = tpu.vector_load %arg5[%parallel_loop3A_715, %parallel_loop3A_716] {strides = array<i32>} : memref<16x1024xf32, #tpu.memory_space<vmem>>, vector<1x16xf32>,
      %parallel_loop3A_718 = vector.shape_cast %parallel_loop3A_717 : vector<1x16xf32> to vector<16xf32>
      %parallel_loop3A_719 = arith.addf %parallel_loop3A_714, %parallel_loop3A_718 : vector<16xf32>
      %parallel_loop3A_720 = arith.index_cast %parallel_loop3A_694 : i32 to index
      %parallel_loop3A_721 = arith.index_cast %parallel_loop3A_710 : i32 to index
      %parallel_loop3A_722 = tpu.vector_load %arg9[%parallel_loop3A_720, %parallel_loop3A_721] {strides = array<i32>} : memref<16x1024xf32, #tpu.memory_space<vmem>>, vector<1x16xf32>,
      %parallel_loop3A_723 = vector.shape_cast %parallel_loop3A_722 : vector<1x16xf32> to vector<16xf32>
      %parallel_loop3A_724 = vector.shape_cast %parallel_loop3A_719 : vector<16xf32> to vector<1x16xf32>
      tpu.vector_store %arg9[%parallel_loop3A_720, %parallel_loop3A_721], %parallel_loop3A_724 {strides = array<i32>} : memref<16x1024xf32, #tpu.memory_space<vmem>>, vector<1x16xf32>,
    } {sc.loop_unroll_factor = 8 : i64, sc.parallel_access}
    %mul3A_132 = arith.constant 64 : i32
    %mul3A_133 = arith.muli %add3A, %mul3A_132 : i32
    %add3A_134 = arith.constant 0 : i32
    %add3A_135 = arith.addi %mul3A_133, %add3A_134 : i32
    %dma_start3A_136 = arith.constant 2 : i32
    %dma_start3A_137 = arith.constant 0 : i32
    %dma_start3A_138 = tpu.memref_slice %arg4[%dma_start3A_136, %add3A_135, %dma_start3A_137] : memref<4x2048x1024xf32, #tpu.memory_space<hbm>> -> memref<1x16x1024xf32, #tpu.memory_space<hbm>>
    %dma_start3A_139 = tpu.memref_squeeze %dma_start3A_138 : memref<1x16x1024xf32, #tpu.memory_space<hbm>> -> memref<16x1024xf32, #tpu.memory_space<hbm>>
    %dma_start3A_140 = arith.constant 0 : i32
    %dma_start3A_141 = tpu.memref_slice %arg4[%dma_start3A_136, %add3A_135, %dma_start3A_140] : memref<4x2048x1024xf32, #tpu.memory_space<hbm>> -> memref<1x16x1024xf32, #tpu.memory_space<hbm>>
    %dma_start3A_142 = tpu.memref_squeeze %dma_start3A_141 : memref<1x16x1024xf32, #tpu.memory_space<hbm>> -> memref<16x1024xf32, #tpu.memory_space<hbm>>
    tpu.enqueue_dma source(%arg9 : memref<16x1024xf32, #tpu.memory_space<vmem>>) target(%dma_start3A_142 : memref<16x1024xf32, #tpu.memory_space<hbm>>) target_semaphore(%arg19 : memref<!tpu.dma_semaphore, #tpu.memory_space<semaphore_mem>>)
    %dma_wait3A_143 = arith.constant 1 : i32
    %dma_wait3A_144 = arith.constant 0 : i32
    %dma_wait3A_145 = tpu.memref_slice %arg4[%dma_wait3A_143, %add3A_96, %dma_wait3A_144] : memref<4x2048x1024xf32, #tpu.memory_space<hbm>> -> memref<1x16x1024xf32, #tpu.memory_space<hbm>>
    %dma_wait3A_146 = tpu.memref_squeeze %dma_wait3A_145 : memref<1x16x1024xf32, #tpu.memory_space<hbm>> -> memref<16x1024xf32, #tpu.memory_space<hbm>>
    %dma_wait3A_147 = arith.constant 0 : i32
    %dma_wait3A_148 = tpu.memref_slice %arg4[%dma_wait3A_143, %add3A_96, %dma_wait3A_147] : memref<4x2048x1024xf32, #tpu.memory_space<hbm>> -> memref<1x16x1024xf32, #tpu.memory_space<hbm>>
    %dma_wait3A_149 = tpu.memref_squeeze %dma_wait3A_148 : memref<1x16x1024xf32, #tpu.memory_space<hbm>> -> memref<16x1024xf32, #tpu.memory_space<hbm>>
    tpu.wait_dma2 semaphore(%arg18 : memref<!tpu.dma_semaphore, #tpu.memory_space<semaphore_mem>>) src(%arg8 : memref<16x1024xf32, #tpu.memory_space<vmem>>) dst(%dma_wait3A_149 : memref<16x1024xf32, #tpu.memory_space<hbm>>)
    %mul3A_150 = arith.constant 64 : i32
    %mul3A_151 = arith.muli %add3A, %mul3A_150 : i32
    %add3A_152 = arith.constant 16 : i32
    %add3A_153 = arith.addi %mul3A_151, %add3A_152 : i32
    %dma_start3A_154 = arith.constant 1 : i32
    %dma_start3A_155 = arith.constant 0 : i32
    %dma_start3A_156 = tpu.memref_slice %arg2[%dma_start3A_154, %add3A_153, %dma_start3A_155] : memref<4x2048x1024xf32, #tpu.memory_space<hbm>> -> memref<1x16x1024xf32, #tpu.memory_space<hbm>>
    %dma_start3A_157 = tpu.memref_squeeze %dma_start3A_156 : memref<1x16x1024xf32, #tpu.memory_space<hbm>> -> memref<16x1024xf32, #tpu.memory_space<hbm>>
    %dma_start3A_158 = arith.constant 0 : i32
    %dma_start3A_159 = tpu.memref_slice %arg2[%dma_start3A_154, %add3A_153, %dma_start3A_158] : memref<4x2048x1024xf32, #tpu.memory_space<hbm>> -> memref<1x16x1024xf32, #tpu.memory_space<hbm>>
    %dma_start3A_160 = tpu.memref_squeeze %dma_start3A_159 : memref<1x16x1024xf32, #tpu.memory_space<hbm>> -> memref<16x1024xf32, #tpu.memory_space<hbm>>
    tpu.enqueue_dma source(%dma_start3A_160 : memref<16x1024xf32, #tpu.memory_space<hbm>>) target(%arg8 : memref<16x1024xf32, #tpu.memory_space<vmem>>) target_semaphore(%arg14 : memref<!tpu.dma_semaphore, #tpu.memory_space<semaphore_mem>>)
    %dma_wait3A_161 = arith.constant 3 : i32
    %dma_wait3A_162 = arith.constant 0 : i32
    %dma_wait3A_163 = tpu.memref_slice %arg2[%dma_wait3A_161, %add3A_75, %dma_wait3A_162] : memref<4x2048x1024xf32, #tpu.memory_space<hbm>> -> memref<1x16x1024xf32, #tpu.memory_space<hbm>>
    %dma_wait3A_164 = tpu.memref_squeeze %dma_wait3A_163 : memref<1x16x1024xf32, #tpu.memory_space<hbm>> -> memref<16x1024xf32, #tpu.memory_space<hbm>>
    %dma_wait3A_165 = arith.constant 0 : i32
    %dma_wait3A_166 = tpu.memref_slice %arg2[%dma_wait3A_161, %add3A_75, %dma_wait3A_165] : memref<4x2048x1024xf32, #tpu.memory_space<hbm>> -> memref<1x16x1024xf32, #tpu.memory_space<hbm>>
    %dma_wait3A_167 = tpu.memref_squeeze %dma_wait3A_166 : memref<1x16x1024xf32, #tpu.memory_space<hbm>> -> memref<16x1024xf32, #tpu.memory_space<hbm>>
    tpu.wait_dma2 semaphore(%arg16 : memref<!tpu.dma_semaphore, #tpu.memory_space<semaphore_mem>>) src(%dma_wait3A_167 : memref<16x1024xf32, #tpu.memory_space<hbm>>) dst(%arg10 : memref<16x1024xf32, #tpu.memory_space<vmem>>)
    %parallel_loop3A_168 = arith.constant 0 : i32
    %parallel_loop3A_169 = arith.constant 16384 : i32
    %parallel_loop3A_170 = arith.constant 16 : i32
    scf.for %parallel_loop3A_670 = %parallel_loop3A_168 to %parallel_loop3A_169 step %parallel_loop3A_170  : i32 {
      %parallel_loop3A_671 = arith.constant 1024 : i32
      %parallel_loop3A_672 = arith.divsi %parallel_loop3A_670, %parallel_loop3A_671 : i32
      %parallel_loop3A_673 = arith.constant 0 : i32
      %parallel_loop3A_674 = arith.cmpi sgt, %parallel_loop3A_670, %parallel_loop3A_673 : i32
      %parallel_loop3A_675 = arith.extui %parallel_loop3A_674 : i1 to i32
      %parallel_loop3A_676 = arith.constant 0 : i32
      %parallel_loop3A_677 = arith.cmpi slt, %parallel_loop3A_670, %parallel_loop3A_676 : i32
      %parallel_loop3A_678 = arith.extui %parallel_loop3A_677 : i1 to i32
      %parallel_loop3A_679 = arith.subi %parallel_loop3A_675, %parallel_loop3A_678 : i32
      %parallel_loop3A_680 = arith.constant 0 : i32
      %parallel_loop3A_681 = arith.cmpi sgt, %parallel_loop3A_671, %parallel_loop3A_680 : i32
      %parallel_loop3A_682 = arith.extui %parallel_loop3A_681 : i1 to i32
      %parallel_loop3A_683 = arith.constant 0 : i32
      %parallel_loop3A_684 = arith.cmpi slt, %parallel_loop3A_671, %parallel_loop3A_683 : i32
      %parallel_loop3A_685 = arith.extui %parallel_loop3A_684 : i1 to i32
      %parallel_loop3A_686 = arith.subi %parallel_loop3A_682, %parallel_loop3A_685 : i32
      %parallel_loop3A_687 = arith.cmpi ne, %parallel_loop3A_679, %parallel_loop3A_686 : i32
      %parallel_loop3A_688 = arith.remsi %parallel_loop3A_670, %parallel_loop3A_671 : i32
      %parallel_loop3A_689 = arith.constant 0 : i32
      %parallel_loop3A_690 = arith.cmpi ne, %parallel_loop3A_688, %parallel_loop3A_689 : i32
      %parallel_loop3A_691 = arith.andi %parallel_loop3A_687, %parallel_loop3A_690 : i1
      %parallel_loop3A_692 = arith.constant 1 : i32
      %parallel_loop3A_693 = arith.subi %parallel_loop3A_672, %parallel_loop3A_692 : i32
      %parallel_loop3A_694 = arith.select %parallel_loop3A_691, %parallel_loop3A_693, %parallel_loop3A_672 : i32
      %parallel_loop3A_695 = arith.constant 1024 : i32
      %parallel_loop3A_696 = arith.constant 0 : i32
      %parallel_loop3A_697 = arith.cmpi eq, %parallel_loop3A_695, %parallel_loop3A_696 : i32
      %parallel_loop3A_698 = arith.constant 1 : i32
      %parallel_loop3A_699 = arith.select %parallel_loop3A_697, %parallel_loop3A_698, %parallel_loop3A_695 : i32
      %parallel_loop3A_700 = arith.remsi %parallel_loop3A_670, %parallel_loop3A_699 : i32
      %parallel_loop3A_701 = arith.constant 0 : i32
      %parallel_loop3A_702 = arith.cmpi ne, %parallel_loop3A_700, %parallel_loop3A_701 : i32
      %parallel_loop3A_703 = arith.constant 0 : i32
      %parallel_loop3A_704 = arith.cmpi slt, %parallel_loop3A_700, %parallel_loop3A_703 : i32
      %parallel_loop3A_705 = arith.constant 0 : i32
      %parallel_loop3A_706 = arith.cmpi slt, %parallel_loop3A_699, %parallel_loop3A_705 : i32
      %parallel_loop3A_707 = arith.xori %parallel_loop3A_704, %parallel_loop3A_706 : i1
      %parallel_loop3A_708 = arith.andi %parallel_loop3A_707, %parallel_loop3A_702 : i1
      %parallel_loop3A_709 = arith.addi %parallel_loop3A_700, %parallel_loop3A_699 : i32
      %parallel_loop3A_710 = arith.select %parallel_loop3A_708, %parallel_loop3A_709, %parallel_loop3A_700 : i32
      %parallel_loop3A_711 = arith.index_cast %parallel_loop3A_694 : i32 to index
      %parallel_loop3A_712 = arith.index_cast %parallel_loop3A_710 : i32 to index
      %parallel_loop3A_713 = tpu.vector_load %arg10[%parallel_loop3A_711, %parallel_loop3A_712] {strides = array<i32>} : memref<16x1024xf32, #tpu.memory_space<vmem>>, vector<1x16xf32>,
      %parallel_loop3A_714 = vector.shape_cast %parallel_loop3A_713 : vector<1x16xf32> to vector<16xf32>
      %parallel_loop3A_715 = arith.index_cast %parallel_loop3A_694 : i32 to index
      %parallel_loop3A_716 = arith.index_cast %parallel_loop3A_710 : i32 to index
      %parallel_loop3A_717 = tpu.vector_load %arg5[%parallel_loop3A_715, %parallel_loop3A_716] {strides = array<i32>} : memref<16x1024xf32, #tpu.memory_space<vmem>>, vector<1x16xf32>,
      %parallel_loop3A_718 = vector.shape_cast %parallel_loop3A_717 : vector<1x16xf32> to vector<16xf32>
      %parallel_loop3A_719 = arith.addf %parallel_loop3A_714, %parallel_loop3A_718 : vector<16xf32>
      %parallel_loop3A_720 = arith.index_cast %parallel_loop3A_694 : i32 to index
      %parallel_loop3A_721 = arith.index_cast %parallel_loop3A_710 : i32 to index
      %parallel_loop3A_722 = tpu.vector_load %arg10[%parallel_loop3A_720, %parallel_loop3A_721] {strides = array<i32>} : memref<16x1024xf32, #tpu.memory_space<vmem>>, vector<1x16xf32>,
      %parallel_loop3A_723 = vector.shape_cast %parallel_loop3A_722 : vector<1x16xf32> to vector<16xf32>
      %parallel_loop3A_724 = vector.shape_cast %parallel_loop3A_719 : vector<16xf32> to vector<1x16xf32>
      tpu.vector_store %arg10[%parallel_loop3A_720, %parallel_loop3A_721], %parallel_loop3A_724 {strides = array<i32>} : memref<16x1024xf32, #tpu.memory_space<vmem>>, vector<1x16xf32>,
    } {sc.loop_unroll_factor = 8 : i64, sc.parallel_access}
    %mul3A_171 = arith.constant 64 : i32
    %mul3A_172 = arith.muli %add3A, %mul3A_171 : i32
    %add3A_173 = arith.constant 0 : i32
    %add3A_174 = arith.addi %mul3A_172, %add3A_173 : i32
    %dma_start3A_175 = arith.constant 3 : i32
    %dma_start3A_176 = arith.constant 0 : i32
    %dma_start3A_177 = tpu.memref_slice %arg4[%dma_start3A_175, %add3A_174, %dma_start3A_176] : memref<4x2048x1024xf32, #tpu.memory_space<hbm>> -> memref<1x16x1024xf32, #tpu.memory_space<hbm>>
    %dma_start3A_178 = tpu.memref_squeeze %dma_start3A_177 : memref<1x16x1024xf32, #tpu.memory_space<hbm>> -> memref<16x1024xf32, #tpu.memory_space<hbm>>
    %dma_start3A_179 = arith.constant 0 : i32
    %dma_start3A_180 = tpu.memref_slice %arg4[%dma_start3A_175, %add3A_174, %dma_start3A_179] : memref<4x2048x1024xf32, #tpu.memory_space<hbm>> -> memref<1x16x1024xf32, #tpu.memory_space<hbm>>
    %dma_start3A_181 = tpu.memref_squeeze %dma_start3A_180 : memref<1x16x1024xf32, #tpu.memory_space<hbm>> -> memref<16x1024xf32, #tpu.memory_space<hbm>>
    tpu.enqueue_dma source(%arg10 : memref<16x1024xf32, #tpu.memory_space<vmem>>) target(%dma_start3A_181 : memref<16x1024xf32, #tpu.memory_space<hbm>>) target_semaphore(%arg20 : memref<!tpu.dma_semaphore, #tpu.memory_space<semaphore_mem>>)
    %dma_wait3A_182 = arith.constant 2 : i32
    %dma_wait3A_183 = arith.constant 0 : i32
    %dma_wait3A_184 = tpu.memref_slice %arg4[%dma_wait3A_182, %add3A_135, %dma_wait3A_183] : memref<4x2048x1024xf32, #tpu.memory_space<hbm>> -> memref<1x16x1024xf32, #tpu.memory_space<hbm>>
    %dma_wait3A_185 = tpu.memref_squeeze %dma_wait3A_184 : memref<1x16x1024xf32, #tpu.memory_space<hbm>> -> memref<16x1024xf32, #tpu.memory_space<hbm>>
    %dma_wait3A_186 = arith.constant 0 : i32
    %dma_wait3A_187 = tpu.memref_slice %arg4[%dma_wait3A_182, %add3A_135, %dma_wait3A_186] : memref<4x2048x1024xf32, #tpu.memory_space<hbm>> -> memref<1x16x1024xf32, #tpu.memory_space<hbm>>
    %dma_wait3A_188 = tpu.memref_squeeze %dma_wait3A_187 : memref<1x16x1024xf32, #tpu.memory_space<hbm>> -> memref<16x1024xf32, #tpu.memory_space<hbm>>
    tpu.wait_dma2 semaphore(%arg19 : memref<!tpu.dma_semaphore, #tpu.memory_space<semaphore_mem>>) src(%arg9 : memref<16x1024xf32, #tpu.memory_space<vmem>>) dst(%dma_wait3A_188 : memref<16x1024xf32, #tpu.memory_space<hbm>>)
    %mul3A_189 = arith.constant 64 : i32
    %mul3A_190 = arith.muli %add3A, %mul3A_189 : i32
    %add3A_191 = arith.constant 16 : i32
    %add3A_192 = arith.addi %mul3A_190, %add3A_191 : i32
    %dma_start3A_193 = arith.constant 2 : i32
    %dma_start3A_194 = arith.constant 0 : i32
    %dma_start3A_195 = tpu.memref_slice %arg2[%dma_start3A_193, %add3A_192, %dma_start3A_194] : memref<4x2048x1024xf32, #tpu.memory_space<hbm>> -> memref<1x16x1024xf32, #tpu.memory_space<hbm>>
    %dma_start3A_196 = tpu.memref_squeeze %dma_start3A_195 : memref<1x16x1024xf32, #tpu.memory_space<hbm>> -> memref<16x1024xf32, #tpu.memory_space<hbm>>
    %dma_start3A_197 = arith.constant 0 : i32
    %dma_start3A_198 = tpu.memref_slice %arg2[%dma_start3A_193, %add3A_192, %dma_start3A_197] : memref<4x2048x1024xf32, #tpu.memory_space<hbm>> -> memref<1x16x1024xf32, #tpu.memory_space<hbm>>
    %dma_start3A_199 = tpu.memref_squeeze %dma_start3A_198 : memref<1x16x1024xf32, #tpu.memory_space<hbm>> -> memref<16x1024xf32, #tpu.memory_space<hbm>>
    tpu.enqueue_dma source(%dma_start3A_199 : memref<16x1024xf32, #tpu.memory_space<hbm>>) target(%arg9 : memref<16x1024xf32, #tpu.memory_space<vmem>>) target_semaphore(%arg15 : memref<!tpu.dma_semaphore, #tpu.memory_space<semaphore_mem>>)
    %mul3A_200 = arith.constant 64 : i32
    %mul3A_201 = arith.muli %add3A, %mul3A_200 : i32
    %add3A_202 = arith.constant 32 : i32
    %add3A_203 = arith.addi %mul3A_201, %add3A_202 : i32
    %dma_start3A_204 = arith.constant 0 : i32
    %dma_start3A_205 = tpu.memref_slice %arg3[%add3A_203, %dma_start3A_204] : memref<2048x1024xf32, #tpu.memory_space<hbm>> -> memref<16x1024xf32, #tpu.memory_space<hbm>>
    %dma_start3A_206 = arith.constant 0 : i32
    %dma_start3A_207 = tpu.memref_slice %arg3[%add3A_203, %dma_start3A_206] : memref<2048x1024xf32, #tpu.memory_space<hbm>> -> memref<16x1024xf32, #tpu.memory_space<hbm>>
    tpu.enqueue_dma source(%dma_start3A_207 : memref<16x1024xf32, #tpu.memory_space<hbm>>) target(%arg5 : memref<16x1024xf32, #tpu.memory_space<vmem>>) target_semaphore(%arg11 : memref<!tpu.dma_semaphore, #tpu.memory_space<semaphore_mem>>)
    %dma_wait3A_208 = arith.constant 0 : i32
    %dma_wait3A_209 = tpu.memref_slice %arg3[%add3A_44, %dma_wait3A_208] : memref<2048x1024xf32, #tpu.memory_space<hbm>> -> memref<16x1024xf32, #tpu.memory_space<hbm>>
    %dma_wait3A_210 = arith.constant 0 : i32
    %dma_wait3A_211 = tpu.memref_slice %arg3[%add3A_44, %dma_wait3A_210] : memref<2048x1024xf32, #tpu.memory_space<hbm>> -> memref<16x1024xf32, #tpu.memory_space<hbm>>
    tpu.wait_dma2 semaphore(%arg12 : memref<!tpu.dma_semaphore, #tpu.memory_space<semaphore_mem>>) src(%dma_wait3A_211 : memref<16x1024xf32, #tpu.memory_space<hbm>>) dst(%arg6 : memref<16x1024xf32, #tpu.memory_space<vmem>>)
    %dma_wait3A_212 = arith.constant 0 : i32
    %dma_wait3A_213 = arith.constant 0 : i32
    %dma_wait3A_214 = tpu.memref_slice %arg2[%dma_wait3A_212, %add3A_114, %dma_wait3A_213] : memref<4x2048x1024xf32, #tpu.memory_space<hbm>> -> memref<1x16x1024xf32, #tpu.memory_space<hbm>>
    %dma_wait3A_215 = tpu.memref_squeeze %dma_wait3A_214 : memref<1x16x1024xf32, #tpu.memory_space<hbm>> -> memref<16x1024xf32, #tpu.memory_space<hbm>>
    %dma_wait3A_216 = arith.constant 0 : i32
    %dma_wait3A_217 = tpu.memref_slice %arg2[%dma_wait3A_212, %add3A_114, %dma_wait3A_216] : memref<4x2048x1024xf32, #tpu.memory_space<hbm>> -> memref<1x16x1024xf32, #tpu.memory_space<hbm>>
    %dma_wait3A_218 = tpu.memref_squeeze %dma_wait3A_217 : memref<1x16x1024xf32, #tpu.memory_space<hbm>> -> memref<16x1024xf32, #tpu.memory_space<hbm>>
    tpu.wait_dma2 semaphore(%arg13 : memref<!tpu.dma_semaphore, #tpu.memory_space<semaphore_mem>>) src(%dma_wait3A_218 : memref<16x1024xf32, #tpu.memory_space<hbm>>) dst(%arg7 : memref<16x1024xf32, #tpu.memory_space<vmem>>)
    %parallel_loop3A_219 = arith.constant 0 : i32
    %parallel_loop3A_220 = arith.constant 16384 : i32
    %parallel_loop3A_221 = arith.constant 16 : i32
    scf.for %parallel_loop3A_670 = %parallel_loop3A_219 to %parallel_loop3A_220 step %parallel_loop3A_221  : i32 {
      %parallel_loop3A_671 = arith.constant 1024 : i32
      %parallel_loop3A_672 = arith.divsi %parallel_loop3A_670, %parallel_loop3A_671 : i32
      %parallel_loop3A_673 = arith.constant 0 : i32
      %parallel_loop3A_674 = arith.cmpi sgt, %parallel_loop3A_670, %parallel_loop3A_673 : i32
      %parallel_loop3A_675 = arith.extui %parallel_loop3A_674 : i1 to i32
      %parallel_loop3A_676 = arith.constant 0 : i32
      %parallel_loop3A_677 = arith.cmpi slt, %parallel_loop3A_670, %parallel_loop3A_676 : i32
      %parallel_loop3A_678 = arith.extui %parallel_loop3A_677 : i1 to i32
      %parallel_loop3A_679 = arith.subi %parallel_loop3A_675, %parallel_loop3A_678 : i32
      %parallel_loop3A_680 = arith.constant 0 : i32
      %parallel_loop3A_681 = arith.cmpi sgt, %parallel_loop3A_671, %parallel_loop3A_680 : i32
      %parallel_loop3A_682 = arith.extui %parallel_loop3A_681 : i1 to i32
      %parallel_loop3A_683 = arith.constant 0 : i32
      %parallel_loop3A_684 = arith.cmpi slt, %parallel_loop3A_671, %parallel_loop3A_683 : i32
      %parallel_loop3A_685 = arith.extui %parallel_loop3A_684 : i1 to i32
      %parallel_loop3A_686 = arith.subi %parallel_loop3A_682, %parallel_loop3A_685 : i32
      %parallel_loop3A_687 = arith.cmpi ne, %parallel_loop3A_679, %parallel_loop3A_686 : i32
      %parallel_loop3A_688 = arith.remsi %parallel_loop3A_670, %parallel_loop3A_671 : i32
      %parallel_loop3A_689 = arith.constant 0 : i32
      %parallel_loop3A_690 = arith.cmpi ne, %parallel_loop3A_688, %parallel_loop3A_689 : i32
      %parallel_loop3A_691 = arith.andi %parallel_loop3A_687, %parallel_loop3A_690 : i1
      %parallel_loop3A_692 = arith.constant 1 : i32
      %parallel_loop3A_693 = arith.subi %parallel_loop3A_672, %parallel_loop3A_692 : i32
      %parallel_loop3A_694 = arith.select %parallel_loop3A_691, %parallel_loop3A_693, %parallel_loop3A_672 : i32
      %parallel_loop3A_695 = arith.constant 1024 : i32
      %parallel_loop3A_696 = arith.constant 0 : i32
      %parallel_loop3A_697 = arith.cmpi eq, %parallel_loop3A_695, %parallel_loop3A_696 : i32
      %parallel_loop3A_698 = arith.constant 1 : i32
      %parallel_loop3A_699 = arith.select %parallel_loop3A_697, %parallel_loop3A_698, %parallel_loop3A_695 : i32
      %parallel_loop3A_700 = arith.remsi %parallel_loop3A_670, %parallel_loop3A_699 : i32
      %parallel_loop3A_701 = arith.constant 0 : i32
      %parallel_loop3A_702 = arith.cmpi ne, %parallel_loop3A_700, %parallel_loop3A_701 : i32
      %parallel_loop3A_703 = arith.constant 0 : i32
      %parallel_loop3A_704 = arith.cmpi slt, %parallel_loop3A_700, %parallel_loop3A_703 : i32
      %parallel_loop3A_705 = arith.constant 0 : i32
      %parallel_loop3A_706 = arith.cmpi slt, %parallel_loop3A_699, %parallel_loop3A_705 : i32
      %parallel_loop3A_707 = arith.xori %parallel_loop3A_704, %parallel_loop3A_706 : i1
      %parallel_loop3A_708 = arith.andi %parallel_loop3A_707, %parallel_loop3A_702 : i1
      %parallel_loop3A_709 = arith.addi %parallel_loop3A_700, %parallel_loop3A_699 : i32
      %parallel_loop3A_710 = arith.select %parallel_loop3A_708, %parallel_loop3A_709, %parallel_loop3A_700 : i32
      %parallel_loop3A_711 = arith.index_cast %parallel_loop3A_694 : i32 to index
      %parallel_loop3A_712 = arith.index_cast %parallel_loop3A_710 : i32 to index
      %parallel_loop3A_713 = tpu.vector_load %arg7[%parallel_loop3A_711, %parallel_loop3A_712] {strides = array<i32>} : memref<16x1024xf32, #tpu.memory_space<vmem>>, vector<1x16xf32>,
      %parallel_loop3A_714 = vector.shape_cast %parallel_loop3A_713 : vector<1x16xf32> to vector<16xf32>
      %parallel_loop3A_715 = arith.index_cast %parallel_loop3A_694 : i32 to index
      %parallel_loop3A_716 = arith.index_cast %parallel_loop3A_710 : i32 to index
      %parallel_loop3A_717 = tpu.vector_load %arg6[%parallel_loop3A_715, %parallel_loop3A_716] {strides = array<i32>} : memref<16x1024xf32, #tpu.memory_space<vmem>>, vector<1x16xf32>,
      %parallel_loop3A_718 = vector.shape_cast %parallel_loop3A_717 : vector<1x16xf32> to vector<16xf32>
      %parallel_loop3A_719 = arith.addf %parallel_loop3A_714, %parallel_loop3A_718 : vector<16xf32>
      %parallel_loop3A_720 = arith.index_cast %parallel_loop3A_694 : i32 to index
      %parallel_loop3A_721 = arith.index_cast %parallel_loop3A_710 : i32 to index
      %parallel_loop3A_722 = tpu.vector_load %arg7[%parallel_loop3A_720, %parallel_loop3A_721] {strides = array<i32>} : memref<16x1024xf32, #tpu.memory_space<vmem>>, vector<1x16xf32>,
      %parallel_loop3A_723 = vector.shape_cast %parallel_loop3A_722 : vector<1x16xf32> to vector<16xf32>
      %parallel_loop3A_724 = vector.shape_cast %parallel_loop3A_719 : vector<16xf32> to vector<1x16xf32>
      tpu.vector_store %arg7[%parallel_loop3A_720, %parallel_loop3A_721], %parallel_loop3A_724 {strides = array<i32>} : memref<16x1024xf32, #tpu.memory_space<vmem>>, vector<1x16xf32>,
    } {sc.loop_unroll_factor = 8 : i64, sc.parallel_access}
    %mul3A_222 = arith.constant 64 : i32
    %mul3A_223 = arith.muli %add3A, %mul3A_222 : i32
    %add3A_224 = arith.constant 16 : i32
    %add3A_225 = arith.addi %mul3A_223, %add3A_224 : i32
    %dma_start3A_226 = arith.constant 0 : i32
    %dma_start3A_227 = arith.constant 0 : i32
    %dma_start3A_228 = tpu.memref_slice %arg4[%dma_start3A_226, %add3A_225, %dma_start3A_227] : memref<4x2048x1024xf32, #tpu.memory_space<hbm>> -> memref<1x16x1024xf32, #tpu.memory_space<hbm>>
    %dma_start3A_229 = tpu.memref_squeeze %dma_start3A_228 : memref<1x16x1024xf32, #tpu.memory_space<hbm>> -> memref<16x1024xf32, #tpu.memory_space<hbm>>
    %dma_start3A_230 = arith.constant 0 : i32
    %dma_start3A_231 = tpu.memref_slice %arg4[%dma_start3A_226, %add3A_225, %dma_start3A_230] : memref<4x2048x1024xf32, #tpu.memory_space<hbm>> -> memref<1x16x1024xf32, #tpu.memory_space<hbm>>
    %dma_start3A_232 = tpu.memref_squeeze %dma_start3A_231 : memref<1x16x1024xf32, #tpu.memory_space<hbm>> -> memref<16x1024xf32, #tpu.memory_space<hbm>>
    tpu.enqueue_dma source(%arg7 : memref<16x1024xf32, #tpu.memory_space<vmem>>) target(%dma_start3A_232 : memref<16x1024xf32, #tpu.memory_space<hbm>>) target_semaphore(%arg17 : memref<!tpu.dma_semaphore, #tpu.memory_space<semaphore_mem>>)
    %dma_wait3A_233 = arith.constant 3 : i32
    %dma_wait3A_234 = arith.constant 0 : i32
    %dma_wait3A_235 = tpu.memref_slice %arg4[%dma_wait3A_233, %add3A_174, %dma_wait3A_234] : memref<4x2048x1024xf32, #tpu.memory_space<hbm>> -> memref<1x16x1024xf32, #tpu.memory_space<hbm>>
    %dma_wait3A_236 = tpu.memref_squeeze %dma_wait3A_235 : memref<1x16x1024xf32, #tpu.memory_space<hbm>> -> memref<16x1024xf32, #tpu.memory_space<hbm>>
    %dma_wait3A_237 = arith.constant 0 : i32
    %dma_wait3A_238 = tpu.memref_slice %arg4[%dma_wait3A_233, %add3A_174, %dma_wait3A_237] : memref<4x2048x1024xf32, #tpu.memory_space<hbm>> -> memref<1x16x1024xf32, #tpu.memory_space<hbm>>
    %dma_wait3A_239 = tpu.memref_squeeze %dma_wait3A_238 : memref<1x16x1024xf32, #tpu.memory_space<hbm>> -> memref<16x1024xf32, #tpu.memory_space<hbm>>
    tpu.wait_dma2 semaphore(%arg20 : memref<!tpu.dma_semaphore, #tpu.memory_space<semaphore_mem>>) src(%arg10 : memref<16x1024xf32, #tpu.memory_space<vmem>>) dst(%dma_wait3A_239 : memref<16x1024xf32, #tpu.memory_space<hbm>>)
    %mul3A_240 = arith.constant 64 : i32
    %mul3A_241 = arith.muli %add3A, %mul3A_240 : i32
    %add3A_242 = arith.constant 16 : i32
    %add3A_243 = arith.addi %mul3A_241, %add3A_242 : i32
    %dma_start3A_244 = arith.constant 3 : i32
    %dma_start3A_245 = arith.constant 0 : i32
    %dma_start3A_246 = tpu.memref_slice %arg2[%dma_start3A_244, %add3A_243, %dma_start3A_245] : memref<4x2048x1024xf32, #tpu.memory_space<hbm>> -> memref<1x16x1024xf32, #tpu.memory_space<hbm>>
    %dma_start3A_247 = tpu.memref_squeeze %dma_start3A_246 : memref<1x16x1024xf32, #tpu.memory_space<hbm>> -> memref<16x1024xf32, #tpu.memory_space<hbm>>
    %dma_start3A_248 = arith.constant 0 : i32
    %dma_start3A_249 = tpu.memref_slice %arg2[%dma_start3A_244, %add3A_243, %dma_start3A_248] : memref<4x2048x1024xf32, #tpu.memory_space<hbm>> -> memref<1x16x1024xf32, #tpu.memory_space<hbm>>
    %dma_start3A_250 = tpu.memref_squeeze %dma_start3A_249 : memref<1x16x1024xf32, #tpu.memory_space<hbm>> -> memref<16x1024xf32, #tpu.memory_space<hbm>>
    tpu.enqueue_dma source(%dma_start3A_250 : memref<16x1024xf32, #tpu.memory_space<hbm>>) target(%arg10 : memref<16x1024xf32, #tpu.memory_space<vmem>>) target_semaphore(%arg16 : memref<!tpu.dma_semaphore, #tpu.memory_space<semaphore_mem>>)
    %dma_wait3A_251 = arith.constant 1 : i32
    %dma_wait3A_252 = arith.constant 0 : i32
    %dma_wait3A_253 = tpu.memref_slice %arg2[%dma_wait3A_251, %add3A_153, %dma_wait3A_252] : memref<4x2048x1024xf32, #tpu.memory_space<hbm>> -> memref<1x16x1024xf32, #tpu.memory_space<hbm>>
    %dma_wait3A_254 = tpu.memref_squeeze %dma_wait3A_253 : memref<1x16x1024xf32, #tpu.memory_space<hbm>> -> memref<16x1024xf32, #tpu.memory_space<hbm>>
    %dma_wait3A_255 = arith.constant 0 : i32
    %dma_wait3A_256 = tpu.memref_slice %arg2[%dma_wait3A_251, %add3A_153, %dma_wait3A_255] : memref<4x2048x1024xf32, #tpu.memory_space<hbm>> -> memref<1x16x1024xf32, #tpu.memory_space<hbm>>
    %dma_wait3A_257 = tpu.memref_squeeze %dma_wait3A_256 : memref<1x16x1024xf32, #tpu.memory_space<hbm>> -> memref<16x1024xf32, #tpu.memory_space<hbm>>
    tpu.wait_dma2 semaphore(%arg14 : memref<!tpu.dma_semaphore, #tpu.memory_space<semaphore_mem>>) src(%dma_wait3A_257 : memref<16x1024xf32, #tpu.memory_space<hbm>>) dst(%arg8 : memref<16x1024xf32, #tpu.memory_space<vmem>>)
    %parallel_loop3A_258 = arith.constant 0 : i32
    %parallel_loop3A_259 = arith.constant 16384 : i32
    %parallel_loop3A_260 = arith.constant 16 : i32
    scf.for %parallel_loop3A_670 = %parallel_loop3A_258 to %parallel_loop3A_259 step %parallel_loop3A_260  : i32 {
      %parallel_loop3A_671 = arith.constant 1024 : i32
      %parallel_loop3A_672 = arith.divsi %parallel_loop3A_670, %parallel_loop3A_671 : i32
      %parallel_loop3A_673 = arith.constant 0 : i32
      %parallel_loop3A_674 = arith.cmpi sgt, %parallel_loop3A_670, %parallel_loop3A_673 : i32
      %parallel_loop3A_675 = arith.extui %parallel_loop3A_674 : i1 to i32
      %parallel_loop3A_676 = arith.constant 0 : i32
      %parallel_loop3A_677 = arith.cmpi slt, %parallel_loop3A_670, %parallel_loop3A_676 : i32
      %parallel_loop3A_678 = arith.extui %parallel_loop3A_677 : i1 to i32
      %parallel_loop3A_679 = arith.subi %parallel_loop3A_675, %parallel_loop3A_678 : i32
      %parallel_loop3A_680 = arith.constant 0 : i32
      %parallel_loop3A_681 = arith.cmpi sgt, %parallel_loop3A_671, %parallel_loop3A_680 : i32
      %parallel_loop3A_682 = arith.extui %parallel_loop3A_681 : i1 to i32
      %parallel_loop3A_683 = arith.constant 0 : i32
      %parallel_loop3A_684 = arith.cmpi slt, %parallel_loop3A_671, %parallel_loop3A_683 : i32
      %parallel_loop3A_685 = arith.extui %parallel_loop3A_684 : i1 to i32
      %parallel_loop3A_686 = arith.subi %parallel_loop3A_682, %parallel_loop3A_685 : i32
      %parallel_loop3A_687 = arith.cmpi ne, %parallel_loop3A_679, %parallel_loop3A_686 : i32
      %parallel_loop3A_688 = arith.remsi %parallel_loop3A_670, %parallel_loop3A_671 : i32
      %parallel_loop3A_689 = arith.constant 0 : i32
      %parallel_loop3A_690 = arith.cmpi ne, %parallel_loop3A_688, %parallel_loop3A_689 : i32
      %parallel_loop3A_691 = arith.andi %parallel_loop3A_687, %parallel_loop3A_690 : i1
      %parallel_loop3A_692 = arith.constant 1 : i32
      %parallel_loop3A_693 = arith.subi %parallel_loop3A_672, %parallel_loop3A_692 : i32
      %parallel_loop3A_694 = arith.select %parallel_loop3A_691, %parallel_loop3A_693, %parallel_loop3A_672 : i32
      %parallel_loop3A_695 = arith.constant 1024 : i32
      %parallel_loop3A_696 = arith.constant 0 : i32
      %parallel_loop3A_697 = arith.cmpi eq, %parallel_loop3A_695, %parallel_loop3A_696 : i32
      %parallel_loop3A_698 = arith.constant 1 : i32
      %parallel_loop3A_699 = arith.select %parallel_loop3A_697, %parallel_loop3A_698, %parallel_loop3A_695 : i32
      %parallel_loop3A_700 = arith.remsi %parallel_loop3A_670, %parallel_loop3A_699 : i32
      %parallel_loop3A_701 = arith.constant 0 : i32
      %parallel_loop3A_702 = arith.cmpi ne, %parallel_loop3A_700, %parallel_loop3A_701 : i32
      %parallel_loop3A_703 = arith.constant 0 : i32
      %parallel_loop3A_704 = arith.cmpi slt, %parallel_loop3A_700, %parallel_loop3A_703 : i32
      %parallel_loop3A_705 = arith.constant 0 : i32
      %parallel_loop3A_706 = arith.cmpi slt, %parallel_loop3A_699, %parallel_loop3A_705 : i32
      %parallel_loop3A_707 = arith.xori %parallel_loop3A_704, %parallel_loop3A_706 : i1
      %parallel_loop3A_708 = arith.andi %parallel_loop3A_707, %parallel_loop3A_702 : i1
      %parallel_loop3A_709 = arith.addi %parallel_loop3A_700, %parallel_loop3A_699 : i32
      %parallel_loop3A_710 = arith.select %parallel_loop3A_708, %parallel_loop3A_709, %parallel_loop3A_700 : i32
      %parallel_loop3A_711 = arith.index_cast %parallel_loop3A_694 : i32 to index
      %parallel_loop3A_712 = arith.index_cast %parallel_loop3A_710 : i32 to index
      %parallel_loop3A_713 = tpu.vector_load %arg8[%parallel_loop3A_711, %parallel_loop3A_712] {strides = array<i32>} : memref<16x1024xf32, #tpu.memory_space<vmem>>, vector<1x16xf32>,
      %parallel_loop3A_714 = vector.shape_cast %parallel_loop3A_713 : vector<1x16xf32> to vector<16xf32>
      %parallel_loop3A_715 = arith.index_cast %parallel_loop3A_694 : i32 to index
      %parallel_loop3A_716 = arith.index_cast %parallel_loop3A_710 : i32 to index
      %parallel_loop3A_717 = tpu.vector_load %arg6[%parallel_loop3A_715, %parallel_loop3A_716] {strides = array<i32>} : memref<16x1024xf32, #tpu.memory_space<vmem>>, vector<1x16xf32>,
      %parallel_loop3A_718 = vector.shape_cast %parallel_loop3A_717 : vector<1x16xf32> to vector<16xf32>
      %parallel_loop3A_719 = arith.addf %parallel_loop3A_714, %parallel_loop3A_718 : vector<16xf32>
      %parallel_loop3A_720 = arith.index_cast %parallel_loop3A_694 : i32 to index
      %parallel_loop3A_721 = arith.index_cast %parallel_loop3A_710 : i32 to index
      %parallel_loop3A_722 = tpu.vector_load %arg8[%parallel_loop3A_720, %parallel_loop3A_721] {strides = array<i32>} : memref<16x1024xf32, #tpu.memory_space<vmem>>, vector<1x16xf32>,
      %parallel_loop3A_723 = vector.shape_cast %parallel_loop3A_722 : vector<1x16xf32> to vector<16xf32>
      %parallel_loop3A_724 = vector.shape_cast %parallel_loop3A_719 : vector<16xf32> to vector<1x16xf32>
      tpu.vector_store %arg8[%parallel_loop3A_720, %parallel_loop3A_721], %parallel_loop3A_724 {strides = array<i32>} : memref<16x1024xf32, #tpu.memory_space<vmem>>, vector<1x16xf32>,
    } {sc.loop_unroll_factor = 8 : i64, sc.parallel_access}
    %mul3A_261 = arith.constant 64 : i32
    %mul3A_262 = arith.muli %add3A, %mul3A_261 : i32
    %add3A_263 = arith.constant 16 : i32
    %add3A_264 = arith.addi %mul3A_262, %add3A_263 : i32
    %dma_start3A_265 = arith.constant 1 : i32
    %dma_start3A_266 = arith.constant 0 : i32
    %dma_start3A_267 = tpu.memref_slice %arg4[%dma_start3A_265, %add3A_264, %dma_start3A_266] : memref<4x2048x1024xf32, #tpu.memory_space<hbm>> -> memref<1x16x1024xf32, #tpu.memory_space<hbm>>
    %dma_start3A_268 = tpu.memref_squeeze %dma_start3A_267 : memref<1x16x1024xf32, #tpu.memory_space<hbm>> -> memref<16x1024xf32, #tpu.memory_space<hbm>>
    %dma_start3A_269 = arith.constant 0 : i32
    %dma_start3A_270 = tpu.memref_slice %arg4[%dma_start3A_265, %add3A_264, %dma_start3A_269] : memref<4x2048x1024xf32, #tpu.memory_space<hbm>> -> memref<1x16x1024xf32, #tpu.memory_space<hbm>>
    %dma_start3A_271 = tpu.memref_squeeze %dma_start3A_270 : memref<1x16x1024xf32, #tpu.memory_space<hbm>> -> memref<16x1024xf32, #tpu.memory_space<hbm>>
    tpu.enqueue_dma source(%arg8 : memref<16x1024xf32, #tpu.memory_space<vmem>>) target(%dma_start3A_271 : memref<16x1024xf32, #tpu.memory_space<hbm>>) target_semaphore(%arg18 : memref<!tpu.dma_semaphore, #tpu.memory_space<semaphore_mem>>)
    %dma_wait3A_272 = arith.constant 0 : i32
    %dma_wait3A_273 = arith.constant 0 : i32
    %dma_wait3A_274 = tpu.memref_slice %arg4[%dma_wait3A_272, %add3A_225, %dma_wait3A_273] : memref<4x2048x1024xf32, #tpu.memory_space<hbm>> -> memref<1x16x1024xf32, #tpu.memory_space<hbm>>
    %dma_wait3A_275 = tpu.memref_squeeze %dma_wait3A_274 : memref<1x16x1024xf32, #tpu.memory_space<hbm>> -> memref<16x1024xf32, #tpu.memory_space<hbm>>
    %dma_wait3A_276 = arith.constant 0 : i32
    %dma_wait3A_277 = tpu.memref_slice %arg4[%dma_wait3A_272, %add3A_225, %dma_wait3A_276] : memref<4x2048x1024xf32, #tpu.memory_space<hbm>> -> memref<1x16x1024xf32, #tpu.memory_space<hbm>>
    %dma_wait3A_278 = tpu.memref_squeeze %dma_wait3A_277 : memref<1x16x1024xf32, #tpu.memory_space<hbm>> -> memref<16x1024xf32, #tpu.memory_space<hbm>>
    tpu.wait_dma2 semaphore(%arg17 : memref<!tpu.dma_semaphore, #tpu.memory_space<semaphore_mem>>) src(%arg7 : memref<16x1024xf32, #tpu.memory_space<vmem>>) dst(%dma_wait3A_278 : memref<16x1024xf32, #tpu.memory_space<hbm>>)
    %mul3A_279 = arith.constant 64 : i32
    %mul3A_280 = arith.muli %add3A, %mul3A_279 : i32
    %add3A_281 = arith.constant 32 : i32
    %add3A_282 = arith.addi %mul3A_280, %add3A_281 : i32
    %dma_start3A_283 = arith.constant 0 : i32
    %dma_start3A_284 = arith.constant 0 : i32
    %dma_start3A_285 = tpu.memref_slice %arg2[%dma_start3A_283, %add3A_282, %dma_start3A_284] : memref<4x2048x1024xf32, #tpu.memory_space<hbm>> -> memref<1x16x1024xf32, #tpu.memory_space<hbm>>
    %dma_start3A_286 = tpu.memref_squeeze %dma_start3A_285 : memref<1x16x1024xf32, #tpu.memory_space<hbm>> -> memref<16x1024xf32, #tpu.memory_space<hbm>>
    %dma_start3A_287 = arith.constant 0 : i32
    %dma_start3A_288 = tpu.memref_slice %arg2[%dma_start3A_283, %add3A_282, %dma_start3A_287] : memref<4x2048x1024xf32, #tpu.memory_space<hbm>> -> memref<1x16x1024xf32, #tpu.memory_space<hbm>>
    %dma_start3A_289 = tpu.memref_squeeze %dma_start3A_288 : memref<1x16x1024xf32, #tpu.memory_space<hbm>> -> memref<16x1024xf32, #tpu.memory_space<hbm>>
    tpu.enqueue_dma source(%dma_start3A_289 : memref<16x1024xf32, #tpu.memory_space<hbm>>) target(%arg7 : memref<16x1024xf32, #tpu.memory_space<vmem>>) target_semaphore(%arg13 : memref<!tpu.dma_semaphore, #tpu.memory_space<semaphore_mem>>)
    %dma_wait3A_290 = arith.constant 2 : i32
    %dma_wait3A_291 = arith.constant 0 : i32
    %dma_wait3A_292 = tpu.memref_slice %arg2[%dma_wait3A_290, %add3A_192, %dma_wait3A_291] : memref<4x2048x1024xf32, #tpu.memory_space<hbm>> -> memref<1x16x1024xf32, #tpu.memory_space<hbm>>
    %dma_wait3A_293 = tpu.memref_squeeze %dma_wait3A_292 : memref<1x16x1024xf32, #tpu.memory_space<hbm>> -> memref<16x1024xf32, #tpu.memory_space<hbm>>
    %dma_wait3A_294 = arith.constant 0 : i32
    %dma_wait3A_295 = tpu.memref_slice %arg2[%dma_wait3A_290, %add3A_192, %dma_wait3A_294] : memref<4x2048x1024xf32, #tpu.memory_space<hbm>> -> memref<1x16x1024xf32, #tpu.memory_space<hbm>>
    %dma_wait3A_296 = tpu.memref_squeeze %dma_wait3A_295 : memref<1x16x1024xf32, #tpu.memory_space<hbm>> -> memref<16x1024xf32, #tpu.memory_space<hbm>>
    tpu.wait_dma2 semaphore(%arg15 : memref<!tpu.dma_semaphore, #tpu.memory_space<semaphore_mem>>) src(%dma_wait3A_296 : memref<16x1024xf32, #tpu.memory_space<hbm>>) dst(%arg9 : memref<16x1024xf32, #tpu.memory_space<vmem>>)
    %parallel_loop3A_297 = arith.constant 0 : i32
    %parallel_loop3A_298 = arith.constant 16384 : i32
    %parallel_loop3A_299 = arith.constant 16 : i32
    scf.for %parallel_loop3A_670 = %parallel_loop3A_297 to %parallel_loop3A_298 step %parallel_loop3A_299  : i32 {
      %parallel_loop3A_671 = arith.constant 1024 : i32
      %parallel_loop3A_672 = arith.divsi %parallel_loop3A_670, %parallel_loop3A_671 : i32
      %parallel_loop3A_673 = arith.constant 0 : i32
      %parallel_loop3A_674 = arith.cmpi sgt, %parallel_loop3A_670, %parallel_loop3A_673 : i32
      %parallel_loop3A_675 = arith.extui %parallel_loop3A_674 : i1 to i32
      %parallel_loop3A_676 = arith.constant 0 : i32
      %parallel_loop3A_677 = arith.cmpi slt, %parallel_loop3A_670, %parallel_loop3A_676 : i32
      %parallel_loop3A_678 = arith.extui %parallel_loop3A_677 : i1 to i32
      %parallel_loop3A_679 = arith.subi %parallel_loop3A_675, %parallel_loop3A_678 : i32
      %parallel_loop3A_680 = arith.constant 0 : i32
      %parallel_loop3A_681 = arith.cmpi sgt, %parallel_loop3A_671, %parallel_loop3A_680 : i32
      %parallel_loop3A_682 = arith.extui %parallel_loop3A_681 : i1 to i32
      %parallel_loop3A_683 = arith.constant 0 : i32
      %parallel_loop3A_684 = arith.cmpi slt, %parallel_loop3A_671, %parallel_loop3A_683 : i32
      %parallel_loop3A_685 = arith.extui %parallel_loop3A_684 : i1 to i32
      %parallel_loop3A_686 = arith.subi %parallel_loop3A_682, %parallel_loop3A_685 : i32
      %parallel_loop3A_687 = arith.cmpi ne, %parallel_loop3A_679, %parallel_loop3A_686 : i32
      %parallel_loop3A_688 = arith.remsi %parallel_loop3A_670, %parallel_loop3A_671 : i32
      %parallel_loop3A_689 = arith.constant 0 : i32
      %parallel_loop3A_690 = arith.cmpi ne, %parallel_loop3A_688, %parallel_loop3A_689 : i32
      %parallel_loop3A_691 = arith.andi %parallel_loop3A_687, %parallel_loop3A_690 : i1
      %parallel_loop3A_692 = arith.constant 1 : i32
      %parallel_loop3A_693 = arith.subi %parallel_loop3A_672, %parallel_loop3A_692 : i32
      %parallel_loop3A_694 = arith.select %parallel_loop3A_691, %parallel_loop3A_693, %parallel_loop3A_672 : i32
      %parallel_loop3A_695 = arith.constant 1024 : i32
      %parallel_loop3A_696 = arith.constant 0 : i32
      %parallel_loop3A_697 = arith.cmpi eq, %parallel_loop3A_695, %parallel_loop3A_696 : i32
      %parallel_loop3A_698 = arith.constant 1 : i32
      %parallel_loop3A_699 = arith.select %parallel_loop3A_697, %parallel_loop3A_698, %parallel_loop3A_695 : i32
      %parallel_loop3A_700 = arith.remsi %parallel_loop3A_670, %parallel_loop3A_699 : i32
      %parallel_loop3A_701 = arith.constant 0 : i32
      %parallel_loop3A_702 = arith.cmpi ne, %parallel_loop3A_700, %parallel_loop3A_701 : i32
      %parallel_loop3A_703 = arith.constant 0 : i32
      %parallel_loop3A_704 = arith.cmpi slt, %parallel_loop3A_700, %parallel_loop3A_703 : i32
      %parallel_loop3A_705 = arith.constant 0 : i32
      %parallel_loop3A_706 = arith.cmpi slt, %parallel_loop3A_699, %parallel_loop3A_705 : i32
      %parallel_loop3A_707 = arith.xori %parallel_loop3A_704, %parallel_loop3A_706 : i1
      %parallel_loop3A_708 = arith.andi %parallel_loop3A_707, %parallel_loop3A_702 : i1
      %parallel_loop3A_709 = arith.addi %parallel_loop3A_700, %parallel_loop3A_699 : i32
      %parallel_loop3A_710 = arith.select %parallel_loop3A_708, %parallel_loop3A_709, %parallel_loop3A_700 : i32
      %parallel_loop3A_711 = arith.index_cast %parallel_loop3A_694 : i32 to index
      %parallel_loop3A_712 = arith.index_cast %parallel_loop3A_710 : i32 to index
      %parallel_loop3A_713 = tpu.vector_load %arg9[%parallel_loop3A_711, %parallel_loop3A_712] {strides = array<i32>} : memref<16x1024xf32, #tpu.memory_space<vmem>>, vector<1x16xf32>,
      %parallel_loop3A_714 = vector.shape_cast %parallel_loop3A_713 : vector<1x16xf32> to vector<16xf32>
      %parallel_loop3A_715 = arith.index_cast %parallel_loop3A_694 : i32 to index
      %parallel_loop3A_716 = arith.index_cast %parallel_loop3A_710 : i32 to index
      %parallel_loop3A_717 = tpu.vector_load %arg6[%parallel_loop3A_715, %parallel_loop3A_716] {strides = array<i32>} : memref<16x1024xf32, #tpu.memory_space<vmem>>, vector<1x16xf32>,
      %parallel_loop3A_718 = vector.shape_cast %parallel_loop3A_717 : vector<1x16xf32> to vector<16xf32>
      %parallel_loop3A_719 = arith.addf %parallel_loop3A_714, %parallel_loop3A_718 : vector<16xf32>
      %parallel_loop3A_720 = arith.index_cast %parallel_loop3A_694 : i32 to index
      %parallel_loop3A_721 = arith.index_cast %parallel_loop3A_710 : i32 to index
      %parallel_loop3A_722 = tpu.vector_load %arg9[%parallel_loop3A_720, %parallel_loop3A_721] {strides = array<i32>} : memref<16x1024xf32, #tpu.memory_space<vmem>>, vector<1x16xf32>,
      %parallel_loop3A_723 = vector.shape_cast %parallel_loop3A_722 : vector<1x16xf32> to vector<16xf32>
      %parallel_loop3A_724 = vector.shape_cast %parallel_loop3A_719 : vector<16xf32> to vector<1x16xf32>
      tpu.vector_store %arg9[%parallel_loop3A_720, %parallel_loop3A_721], %parallel_loop3A_724 {strides = array<i32>} : memref<16x1024xf32, #tpu.memory_space<vmem>>, vector<1x16xf32>,
    } {sc.loop_unroll_factor = 8 : i64, sc.parallel_access}
    %mul3A_300 = arith.constant 64 : i32
    %mul3A_301 = arith.muli %add3A, %mul3A_300 : i32
    %add3A_302 = arith.constant 16 : i32
    %add3A_303 = arith.addi %mul3A_301, %add3A_302 : i32
    %dma_start3A_304 = arith.constant 2 : i32
    %dma_start3A_305 = arith.constant 0 : i32
    %dma_start3A_306 = tpu.memref_slice %arg4[%dma_start3A_304, %add3A_303, %dma_start3A_305] : memref<4x2048x1024xf32, #tpu.memory_space<hbm>> -> memref<1x16x1024xf32, #tpu.memory_space<hbm>>
    %dma_start3A_307 = tpu.memref_squeeze %dma_start3A_306 : memref<1x16x1024xf32, #tpu.memory_space<hbm>> -> memref<16x1024xf32, #tpu.memory_space<hbm>>
    %dma_start3A_308 = arith.constant 0 : i32
    %dma_start3A_309 = tpu.memref_slice %arg4[%dma_start3A_304, %add3A_303, %dma_start3A_308] : memref<4x2048x1024xf32, #tpu.memory_space<hbm>> -> memref<1x16x1024xf32, #tpu.memory_space<hbm>>
    %dma_start3A_310 = tpu.memref_squeeze %dma_start3A_309 : memref<1x16x1024xf32, #tpu.memory_space<hbm>> -> memref<16x1024xf32, #tpu.memory_space<hbm>>
    tpu.enqueue_dma source(%arg9 : memref<16x1024xf32, #tpu.memory_space<vmem>>) target(%dma_start3A_310 : memref<16x1024xf32, #tpu.memory_space<hbm>>) target_semaphore(%arg19 : memref<!tpu.dma_semaphore, #tpu.memory_space<semaphore_mem>>)
    %dma_wait3A_311 = arith.constant 1 : i32
    %dma_wait3A_312 = arith.constant 0 : i32
    %dma_wait3A_313 = tpu.memref_slice %arg4[%dma_wait3A_311, %add3A_264, %dma_wait3A_312] : memref<4x2048x1024xf32, #tpu.memory_space<hbm>> -> memref<1x16x1024xf32, #tpu.memory_space<hbm>>
    %dma_wait3A_314 = tpu.memref_squeeze %dma_wait3A_313 : memref<1x16x1024xf32, #tpu.memory_space<hbm>> -> memref<16x1024xf32, #tpu.memory_space<hbm>>
    %dma_wait3A_315 = arith.constant 0 : i32
    %dma_wait3A_316 = tpu.memref_slice %arg4[%dma_wait3A_311, %add3A_264, %dma_wait3A_315] : memref<4x2048x1024xf32, #tpu.memory_space<hbm>> -> memref<1x16x1024xf32, #tpu.memory_space<hbm>>
    %dma_wait3A_317 = tpu.memref_squeeze %dma_wait3A_316 : memref<1x16x1024xf32, #tpu.memory_space<hbm>> -> memref<16x1024xf32, #tpu.memory_space<hbm>>
    tpu.wait_dma2 semaphore(%arg18 : memref<!tpu.dma_semaphore, #tpu.memory_space<semaphore_mem>>) src(%arg8 : memref<16x1024xf32, #tpu.memory_space<vmem>>) dst(%dma_wait3A_317 : memref<16x1024xf32, #tpu.memory_space<hbm>>)
    %mul3A_318 = arith.constant 64 : i32
    %mul3A_319 = arith.muli %add3A, %mul3A_318 : i32
    %add3A_320 = arith.constant 32 : i32
    %add3A_321 = arith.addi %mul3A_319, %add3A_320 : i32
    %dma_start3A_322 = arith.constant 1 : i32
    %dma_start3A_323 = arith.constant 0 : i32
    %dma_start3A_324 = tpu.memref_slice %arg2[%dma_start3A_322, %add3A_321, %dma_start3A_323] : memref<4x2048x1024xf32, #tpu.memory_space<hbm>> -> memref<1x16x1024xf32, #tpu.memory_space<hbm>>
    %dma_start3A_325 = tpu.memref_squeeze %dma_start3A_324 : memref<1x16x1024xf32, #tpu.memory_space<hbm>> -> memref<16x1024xf32, #tpu.memory_space<hbm>>
    %dma_start3A_326 = arith.constant 0 : i32
    %dma_start3A_327 = tpu.memref_slice %arg2[%dma_start3A_322, %add3A_321, %dma_start3A_326] : memref<4x2048x1024xf32, #tpu.memory_space<hbm>> -> memref<1x16x1024xf32, #tpu.memory_space<hbm>>
    %dma_start3A_328 = tpu.memref_squeeze %dma_start3A_327 : memref<1x16x1024xf32, #tpu.memory_space<hbm>> -> memref<16x1024xf32, #tpu.memory_space<hbm>>
    tpu.enqueue_dma source(%dma_start3A_328 : memref<16x1024xf32, #tpu.memory_space<hbm>>) target(%arg8 : memref<16x1024xf32, #tpu.memory_space<vmem>>) target_semaphore(%arg14 : memref<!tpu.dma_semaphore, #tpu.memory_space<semaphore_mem>>)
    %dma_wait3A_329 = arith.constant 3 : i32
    %dma_wait3A_330 = arith.constant 0 : i32
    %dma_wait3A_331 = tpu.memref_slice %arg2[%dma_wait3A_329, %add3A_243, %dma_wait3A_330] : memref<4x2048x1024xf32, #tpu.memory_space<hbm>> -> memref<1x16x1024xf32, #tpu.memory_space<hbm>>
    %dma_wait3A_332 = tpu.memref_squeeze %dma_wait3A_331 : memref<1x16x1024xf32, #tpu.memory_space<hbm>> -> memref<16x1024xf32, #tpu.memory_space<hbm>>
    %dma_wait3A_333 = arith.constant 0 : i32
    %dma_wait3A_334 = tpu.memref_slice %arg2[%dma_wait3A_329, %add3A_243, %dma_wait3A_333] : memref<4x2048x1024xf32, #tpu.memory_space<hbm>> -> memref<1x16x1024xf32, #tpu.memory_space<hbm>>
    %dma_wait3A_335 = tpu.memref_squeeze %dma_wait3A_334 : memref<1x16x1024xf32, #tpu.memory_space<hbm>> -> memref<16x1024xf32, #tpu.memory_space<hbm>>
    tpu.wait_dma2 semaphore(%arg16 : memref<!tpu.dma_semaphore, #tpu.memory_space<semaphore_mem>>) src(%dma_wait3A_335 : memref<16x1024xf32, #tpu.memory_space<hbm>>) dst(%arg10 : memref<16x1024xf32, #tpu.memory_space<vmem>>)
    %parallel_loop3A_336 = arith.constant 0 : i32
    %parallel_loop3A_337 = arith.constant 16384 : i32
    %parallel_loop3A_338 = arith.constant 16 : i32
    scf.for %parallel_loop3A_670 = %parallel_loop3A_336 to %parallel_loop3A_337 step %parallel_loop3A_338  : i32 {
      %parallel_loop3A_671 = arith.constant 1024 : i32
      %parallel_loop3A_672 = arith.divsi %parallel_loop3A_670, %parallel_loop3A_671 : i32
      %parallel_loop3A_673 = arith.constant 0 : i32
      %parallel_loop3A_674 = arith.cmpi sgt, %parallel_loop3A_670, %parallel_loop3A_673 : i32
      %parallel_loop3A_675 = arith.extui %parallel_loop3A_674 : i1 to i32
      %parallel_loop3A_676 = arith.constant 0 : i32
      %parallel_loop3A_677 = arith.cmpi slt, %parallel_loop3A_670, %parallel_loop3A_676 : i32
      %parallel_loop3A_678 = arith.extui %parallel_loop3A_677 : i1 to i32
      %parallel_loop3A_679 = arith.subi %parallel_loop3A_675, %parallel_loop3A_678 : i32
      %parallel_loop3A_680 = arith.constant 0 : i32
      %parallel_loop3A_681 = arith.cmpi sgt, %parallel_loop3A_671, %parallel_loop3A_680 : i32
      %parallel_loop3A_682 = arith.extui %parallel_loop3A_681 : i1 to i32
      %parallel_loop3A_683 = arith.constant 0 : i32
      %parallel_loop3A_684 = arith.cmpi slt, %parallel_loop3A_671, %parallel_loop3A_683 : i32
      %parallel_loop3A_685 = arith.extui %parallel_loop3A_684 : i1 to i32
      %parallel_loop3A_686 = arith.subi %parallel_loop3A_682, %parallel_loop3A_685 : i32
      %parallel_loop3A_687 = arith.cmpi ne, %parallel_loop3A_679, %parallel_loop3A_686 : i32
      %parallel_loop3A_688 = arith.remsi %parallel_loop3A_670, %parallel_loop3A_671 : i32
      %parallel_loop3A_689 = arith.constant 0 : i32
      %parallel_loop3A_690 = arith.cmpi ne, %parallel_loop3A_688, %parallel_loop3A_689 : i32
      %parallel_loop3A_691 = arith.andi %parallel_loop3A_687, %parallel_loop3A_690 : i1
      %parallel_loop3A_692 = arith.constant 1 : i32
      %parallel_loop3A_693 = arith.subi %parallel_loop3A_672, %parallel_loop3A_692 : i32
      %parallel_loop3A_694 = arith.select %parallel_loop3A_691, %parallel_loop3A_693, %parallel_loop3A_672 : i32
      %parallel_loop3A_695 = arith.constant 1024 : i32
      %parallel_loop3A_696 = arith.constant 0 : i32
      %parallel_loop3A_697 = arith.cmpi eq, %parallel_loop3A_695, %parallel_loop3A_696 : i32
      %parallel_loop3A_698 = arith.constant 1 : i32
      %parallel_loop3A_699 = arith.select %parallel_loop3A_697, %parallel_loop3A_698, %parallel_loop3A_695 : i32
      %parallel_loop3A_700 = arith.remsi %parallel_loop3A_670, %parallel_loop3A_699 : i32
      %parallel_loop3A_701 = arith.constant 0 : i32
      %parallel_loop3A_702 = arith.cmpi ne, %parallel_loop3A_700, %parallel_loop3A_701 : i32
      %parallel_loop3A_703 = arith.constant 0 : i32
      %parallel_loop3A_704 = arith.cmpi slt, %parallel_loop3A_700, %parallel_loop3A_703 : i32
      %parallel_loop3A_705 = arith.constant 0 : i32
      %parallel_loop3A_706 = arith.cmpi slt, %parallel_loop3A_699, %parallel_loop3A_705 : i32
      %parallel_loop3A_707 = arith.xori %parallel_loop3A_704, %parallel_loop3A_706 : i1
      %parallel_loop3A_708 = arith.andi %parallel_loop3A_707, %parallel_loop3A_702 : i1
      %parallel_loop3A_709 = arith.addi %parallel_loop3A_700, %parallel_loop3A_699 : i32
      %parallel_loop3A_710 = arith.select %parallel_loop3A_708, %parallel_loop3A_709, %parallel_loop3A_700 : i32
      %parallel_loop3A_711 = arith.index_cast %parallel_loop3A_694 : i32 to index
      %parallel_loop3A_712 = arith.index_cast %parallel_loop3A_710 : i32 to index
      %parallel_loop3A_713 = tpu.vector_load %arg10[%parallel_loop3A_711, %parallel_loop3A_712] {strides = array<i32>} : memref<16x1024xf32, #tpu.memory_space<vmem>>, vector<1x16xf32>,
      %parallel_loop3A_714 = vector.shape_cast %parallel_loop3A_713 : vector<1x16xf32> to vector<16xf32>
      %parallel_loop3A_715 = arith.index_cast %parallel_loop3A_694 : i32 to index
      %parallel_loop3A_716 = arith.index_cast %parallel_loop3A_710 : i32 to index
      %parallel_loop3A_717 = tpu.vector_load %arg6[%parallel_loop3A_715, %parallel_loop3A_716] {strides = array<i32>} : memref<16x1024xf32, #tpu.memory_space<vmem>>, vector<1x16xf32>,
      %parallel_loop3A_718 = vector.shape_cast %parallel_loop3A_717 : vector<1x16xf32> to vector<16xf32>
      %parallel_loop3A_719 = arith.addf %parallel_loop3A_714, %parallel_loop3A_718 : vector<16xf32>
      %parallel_loop3A_720 = arith.index_cast %parallel_loop3A_694 : i32 to index
      %parallel_loop3A_721 = arith.index_cast %parallel_loop3A_710 : i32 to index
      %parallel_loop3A_722 = tpu.vector_load %arg10[%parallel_loop3A_720, %parallel_loop3A_721] {strides = array<i32>} : memref<16x1024xf32, #tpu.memory_space<vmem>>, vector<1x16xf32>,
      %parallel_loop3A_723 = vector.shape_cast %parallel_loop3A_722 : vector<1x16xf32> to vector<16xf32>
      %parallel_loop3A_724 = vector.shape_cast %parallel_loop3A_719 : vector<16xf32> to vector<1x16xf32>
      tpu.vector_store %arg10[%parallel_loop3A_720, %parallel_loop3A_721], %parallel_loop3A_724 {strides = array<i32>} : memref<16x1024xf32, #tpu.memory_space<vmem>>, vector<1x16xf32>,
    } {sc.loop_unroll_factor = 8 : i64, sc.parallel_access}
    %mul3A_339 = arith.constant 64 : i32
    %mul3A_340 = arith.muli %add3A, %mul3A_339 : i32
    %add3A_341 = arith.constant 16 : i32
    %add3A_342 = arith.addi %mul3A_340, %add3A_341 : i32
    %dma_start3A_343 = arith.constant 3 : i32
    %dma_start3A_344 = arith.constant 0 : i32
    %dma_start3A_345 = tpu.memref_slice %arg4[%dma_start3A_343, %add3A_342, %dma_start3A_344] : memref<4x2048x1024xf32, #tpu.memory_space<hbm>> -> memref<1x16x1024xf32, #tpu.memory_space<hbm>>
    %dma_start3A_346 = tpu.memref_squeeze %dma_start3A_345 : memref<1x16x1024xf32, #tpu.memory_space<hbm>> -> memref<16x1024xf32, #tpu.memory_space<hbm>>
    %dma_start3A_347 = arith.constant 0 : i32
    %dma_start3A_348 = tpu.memref_slice %arg4[%dma_start3A_343, %add3A_342, %dma_start3A_347] : memref<4x2048x1024xf32, #tpu.memory_space<hbm>> -> memref<1x16x1024xf32, #tpu.memory_space<hbm>>
    %dma_start3A_349 = tpu.memref_squeeze %dma_start3A_348 : memref<1x16x1024xf32, #tpu.memory_space<hbm>> -> memref<16x1024xf32, #tpu.memory_space<hbm>>
    tpu.enqueue_dma source(%arg10 : memref<16x1024xf32, #tpu.memory_space<vmem>>) target(%dma_start3A_349 : memref<16x1024xf32, #tpu.memory_space<hbm>>) target_semaphore(%arg20 : memref<!tpu.dma_semaphore, #tpu.memory_space<semaphore_mem>>)
    %dma_wait3A_350 = arith.constant 2 : i32
    %dma_wait3A_351 = arith.constant 0 : i32
    %dma_wait3A_352 = tpu.memref_slice %arg4[%dma_wait3A_350, %add3A_303, %dma_wait3A_351] : memref<4x2048x1024xf32, #tpu.memory_space<hbm>> -> memref<1x16x1024xf32, #tpu.memory_space<hbm>>
    %dma_wait3A_353 = tpu.memref_squeeze %dma_wait3A_352 : memref<1x16x1024xf32, #tpu.memory_space<hbm>> -> memref<16x1024xf32, #tpu.memory_space<hbm>>
    %dma_wait3A_354 = arith.constant 0 : i32
    %dma_wait3A_355 = tpu.memref_slice %arg4[%dma_wait3A_350, %add3A_303, %dma_wait3A_354] : memref<4x2048x1024xf32, #tpu.memory_space<hbm>> -> memref<1x16x1024xf32, #tpu.memory_space<hbm>>
    %dma_wait3A_356 = tpu.memref_squeeze %dma_wait3A_355 : memref<1x16x1024xf32, #tpu.memory_space<hbm>> -> memref<16x1024xf32, #tpu.memory_space<hbm>>
    tpu.wait_dma2 semaphore(%arg19 : memref<!tpu.dma_semaphore, #tpu.memory_space<semaphore_mem>>) src(%arg9 : memref<16x1024xf32, #tpu.memory_space<vmem>>) dst(%dma_wait3A_356 : memref<16x1024xf32, #tpu.memory_space<hbm>>)
    %mul3A_357 = arith.constant 64 : i32
    %mul3A_358 = arith.muli %add3A, %mul3A_357 : i32
    %add3A_359 = arith.constant 32 : i32
    %add3A_360 = arith.addi %mul3A_358, %add3A_359 : i32
    %dma_start3A_361 = arith.constant 2 : i32
    %dma_start3A_362 = arith.constant 0 : i32
    %dma_start3A_363 = tpu.memref_slice %arg2[%dma_start3A_361, %add3A_360, %dma_start3A_362] : memref<4x2048x1024xf32, #tpu.memory_space<hbm>> -> memref<1x16x1024xf32, #tpu.memory_space<hbm>>
    %dma_start3A_364 = tpu.memref_squeeze %dma_start3A_363 : memref<1x16x1024xf32, #tpu.memory_space<hbm>> -> memref<16x1024xf32, #tpu.memory_space<hbm>>
    %dma_start3A_365 = arith.constant 0 : i32
    %dma_start3A_366 = tpu.memref_slice %arg2[%dma_start3A_361, %add3A_360, %dma_start3A_365] : memref<4x2048x1024xf32, #tpu.memory_space<hbm>> -> memref<1x16x1024xf32, #tpu.memory_space<hbm>>
    %dma_start3A_367 = tpu.memref_squeeze %dma_start3A_366 : memref<1x16x1024xf32, #tpu.memory_space<hbm>> -> memref<16x1024xf32, #tpu.memory_space<hbm>>
    tpu.enqueue_dma source(%dma_start3A_367 : memref<16x1024xf32, #tpu.memory_space<hbm>>) target(%arg9 : memref<16x1024xf32, #tpu.memory_space<vmem>>) target_semaphore(%arg15 : memref<!tpu.dma_semaphore, #tpu.memory_space<semaphore_mem>>)
    %mul3A_368 = arith.constant 64 : i32
    %mul3A_369 = arith.muli %add3A, %mul3A_368 : i32
    %add3A_370 = arith.constant 48 : i32
    %add3A_371 = arith.addi %mul3A_369, %add3A_370 : i32
    %dma_start3A_372 = arith.constant 0 : i32
    %dma_start3A_373 = tpu.memref_slice %arg3[%add3A_371, %dma_start3A_372] : memref<2048x1024xf32, #tpu.memory_space<hbm>> -> memref<16x1024xf32, #tpu.memory_space<hbm>>
    %dma_start3A_374 = arith.constant 0 : i32
    %dma_start3A_375 = tpu.memref_slice %arg3[%add3A_371, %dma_start3A_374] : memref<2048x1024xf32, #tpu.memory_space<hbm>> -> memref<16x1024xf32, #tpu.memory_space<hbm>>
    tpu.enqueue_dma source(%dma_start3A_375 : memref<16x1024xf32, #tpu.memory_space<hbm>>) target(%arg6 : memref<16x1024xf32, #tpu.memory_space<vmem>>) target_semaphore(%arg12 : memref<!tpu.dma_semaphore, #tpu.memory_space<semaphore_mem>>)
    %dma_wait3A_376 = arith.constant 0 : i32
    %dma_wait3A_377 = tpu.memref_slice %arg3[%add3A_203, %dma_wait3A_376] : memref<2048x1024xf32, #tpu.memory_space<hbm>> -> memref<16x1024xf32, #tpu.memory_space<hbm>>
    %dma_wait3A_378 = arith.constant 0 : i32
    %dma_wait3A_379 = tpu.memref_slice %arg3[%add3A_203, %dma_wait3A_378] : memref<2048x1024xf32, #tpu.memory_space<hbm>> -> memref<16x1024xf32, #tpu.memory_space<hbm>>
    tpu.wait_dma2 semaphore(%arg11 : memref<!tpu.dma_semaphore, #tpu.memory_space<semaphore_mem>>) src(%dma_wait3A_379 : memref<16x1024xf32, #tpu.memory_space<hbm>>) dst(%arg5 : memref<16x1024xf32, #tpu.memory_space<vmem>>)
    %dma_wait3A_380 = arith.constant 0 : i32
    %dma_wait3A_381 = arith.constant 0 : i32
    %dma_wait3A_382 = tpu.memref_slice %arg2[%dma_wait3A_380, %add3A_282, %dma_wait3A_381] : memref<4x2048x1024xf32, #tpu.memory_space<hbm>> -> memref<1x16x1024xf32, #tpu.memory_space<hbm>>
    %dma_wait3A_383 = tpu.memref_squeeze %dma_wait3A_382 : memref<1x16x1024xf32, #tpu.memory_space<hbm>> -> memref<16x1024xf32, #tpu.memory_space<hbm>>
    %dma_wait3A_384 = arith.constant 0 : i32
    %dma_wait3A_385 = tpu.memref_slice %arg2[%dma_wait3A_380, %add3A_282, %dma_wait3A_384] : memref<4x2048x1024xf32, #tpu.memory_space<hbm>> -> memref<1x16x1024xf32, #tpu.memory_space<hbm>>
    %dma_wait3A_386 = tpu.memref_squeeze %dma_wait3A_385 : memref<1x16x1024xf32, #tpu.memory_space<hbm>> -> memref<16x1024xf32, #tpu.memory_space<hbm>>
    tpu.wait_dma2 semaphore(%arg13 : memref<!tpu.dma_semaphore, #tpu.memory_space<semaphore_mem>>) src(%dma_wait3A_386 : memref<16x1024xf32, #tpu.memory_space<hbm>>) dst(%arg7 : memref<16x1024xf32, #tpu.memory_space<vmem>>)
    %parallel_loop3A_387 = arith.constant 0 : i32
    %parallel_loop3A_388 = arith.constant 16384 : i32
    %parallel_loop3A_389 = arith.constant 16 : i32
    scf.for %parallel_loop3A_670 = %parallel_loop3A_387 to %parallel_loop3A_388 step %parallel_loop3A_389  : i32 {
      %parallel_loop3A_671 = arith.constant 1024 : i32
      %parallel_loop3A_672 = arith.divsi %parallel_loop3A_670, %parallel_loop3A_671 : i32
      %parallel_loop3A_673 = arith.constant 0 : i32
      %parallel_loop3A_674 = arith.cmpi sgt, %parallel_loop3A_670, %parallel_loop3A_673 : i32
      %parallel_loop3A_675 = arith.extui %parallel_loop3A_674 : i1 to i32
      %parallel_loop3A_676 = arith.constant 0 : i32
      %parallel_loop3A_677 = arith.cmpi slt, %parallel_loop3A_670, %parallel_loop3A_676 : i32
      %parallel_loop3A_678 = arith.extui %parallel_loop3A_677 : i1 to i32
      %parallel_loop3A_679 = arith.subi %parallel_loop3A_675, %parallel_loop3A_678 : i32
      %parallel_loop3A_680 = arith.constant 0 : i32
      %parallel_loop3A_681 = arith.cmpi sgt, %parallel_loop3A_671, %parallel_loop3A_680 : i32
      %parallel_loop3A_682 = arith.extui %parallel_loop3A_681 : i1 to i32
      %parallel_loop3A_683 = arith.constant 0 : i32
      %parallel_loop3A_684 = arith.cmpi slt, %parallel_loop3A_671, %parallel_loop3A_683 : i32
      %parallel_loop3A_685 = arith.extui %parallel_loop3A_684 : i1 to i32
      %parallel_loop3A_686 = arith.subi %parallel_loop3A_682, %parallel_loop3A_685 : i32
      %parallel_loop3A_687 = arith.cmpi ne, %parallel_loop3A_679, %parallel_loop3A_686 : i32
      %parallel_loop3A_688 = arith.remsi %parallel_loop3A_670, %parallel_loop3A_671 : i32
      %parallel_loop3A_689 = arith.constant 0 : i32
      %parallel_loop3A_690 = arith.cmpi ne, %parallel_loop3A_688, %parallel_loop3A_689 : i32
      %parallel_loop3A_691 = arith.andi %parallel_loop3A_687, %parallel_loop3A_690 : i1
      %parallel_loop3A_692 = arith.constant 1 : i32
      %parallel_loop3A_693 = arith.subi %parallel_loop3A_672, %parallel_loop3A_692 : i32
      %parallel_loop3A_694 = arith.select %parallel_loop3A_691, %parallel_loop3A_693, %parallel_loop3A_672 : i32
      %parallel_loop3A_695 = arith.constant 1024 : i32
      %parallel_loop3A_696 = arith.constant 0 : i32
      %parallel_loop3A_697 = arith.cmpi eq, %parallel_loop3A_695, %parallel_loop3A_696 : i32
      %parallel_loop3A_698 = arith.constant 1 : i32
      %parallel_loop3A_699 = arith.select %parallel_loop3A_697, %parallel_loop3A_698, %parallel_loop3A_695 : i32
      %parallel_loop3A_700 = arith.remsi %parallel_loop3A_670, %parallel_loop3A_699 : i32
      %parallel_loop3A_701 = arith.constant 0 : i32
      %parallel_loop3A_702 = arith.cmpi ne, %parallel_loop3A_700, %parallel_loop3A_701 : i32
      %parallel_loop3A_703 = arith.constant 0 : i32
      %parallel_loop3A_704 = arith.cmpi slt, %parallel_loop3A_700, %parallel_loop3A_703 : i32
      %parallel_loop3A_705 = arith.constant 0 : i32
      %parallel_loop3A_706 = arith.cmpi slt, %parallel_loop3A_699, %parallel_loop3A_705 : i32
      %parallel_loop3A_707 = arith.xori %parallel_loop3A_704, %parallel_loop3A_706 : i1
      %parallel_loop3A_708 = arith.andi %parallel_loop3A_707, %parallel_loop3A_702 : i1
      %parallel_loop3A_709 = arith.addi %parallel_loop3A_700, %parallel_loop3A_699 : i32
      %parallel_loop3A_710 = arith.select %parallel_loop3A_708, %parallel_loop3A_709, %parallel_loop3A_700 : i32
      %parallel_loop3A_711 = arith.index_cast %parallel_loop3A_694 : i32 to index
      %parallel_loop3A_712 = arith.index_cast %parallel_loop3A_710 : i32 to index
      %parallel_loop3A_713 = tpu.vector_load %arg7[%parallel_loop3A_711, %parallel_loop3A_712] {strides = array<i32>} : memref<16x1024xf32, #tpu.memory_space<vmem>>, vector<1x16xf32>,
      %parallel_loop3A_714 = vector.shape_cast %parallel_loop3A_713 : vector<1x16xf32> to vector<16xf32>
      %parallel_loop3A_715 = arith.index_cast %parallel_loop3A_694 : i32 to index
      %parallel_loop3A_716 = arith.index_cast %parallel_loop3A_710 : i32 to index
      %parallel_loop3A_717 = tpu.vector_load %arg5[%parallel_loop3A_715, %parallel_loop3A_716] {strides = array<i32>} : memref<16x1024xf32, #tpu.memory_space<vmem>>, vector<1x16xf32>,
      %parallel_loop3A_718 = vector.shape_cast %parallel_loop3A_717 : vector<1x16xf32> to vector<16xf32>
      %parallel_loop3A_719 = arith.addf %parallel_loop3A_714, %parallel_loop3A_718 : vector<16xf32>
      %parallel_loop3A_720 = arith.index_cast %parallel_loop3A_694 : i32 to index
      %parallel_loop3A_721 = arith.index_cast %parallel_loop3A_710 : i32 to index
      %parallel_loop3A_722 = tpu.vector_load %arg7[%parallel_loop3A_720, %parallel_loop3A_721] {strides = array<i32>} : memref<16x1024xf32, #tpu.memory_space<vmem>>, vector<1x16xf32>,
      %parallel_loop3A_723 = vector.shape_cast %parallel_loop3A_722 : vector<1x16xf32> to vector<16xf32>
      %parallel_loop3A_724 = vector.shape_cast %parallel_loop3A_719 : vector<16xf32> to vector<1x16xf32>
      tpu.vector_store %arg7[%parallel_loop3A_720, %parallel_loop3A_721], %parallel_loop3A_724 {strides = array<i32>} : memref<16x1024xf32, #tpu.memory_space<vmem>>, vector<1x16xf32>,
    } {sc.loop_unroll_factor = 8 : i64, sc.parallel_access}
    %mul3A_390 = arith.constant 64 : i32
    %mul3A_391 = arith.muli %add3A, %mul3A_390 : i32
    %add3A_392 = arith.constant 32 : i32
    %add3A_393 = arith.addi %mul3A_391, %add3A_392 : i32
    %dma_start3A_394 = arith.constant 0 : i32
    %dma_start3A_395 = arith.constant 0 : i32
    %dma_start3A_396 = tpu.memref_slice %arg4[%dma_start3A_394, %add3A_393, %dma_start3A_395] : memref<4x2048x1024xf32, #tpu.memory_space<hbm>> -> memref<1x16x1024xf32, #tpu.memory_space<hbm>>
    %dma_start3A_397 = tpu.memref_squeeze %dma_start3A_396 : memref<1x16x1024xf32, #tpu.memory_space<hbm>> -> memref<16x1024xf32, #tpu.memory_space<hbm>>
    %dma_start3A_398 = arith.constant 0 : i32
    %dma_start3A_399 = tpu.memref_slice %arg4[%dma_start3A_394, %add3A_393, %dma_start3A_398] : memref<4x2048x1024xf32, #tpu.memory_space<hbm>> -> memref<1x16x1024xf32, #tpu.memory_space<hbm>>
    %dma_start3A_400 = tpu.memref_squeeze %dma_start3A_399 : memref<1x16x1024xf32, #tpu.memory_space<hbm>> -> memref<16x1024xf32, #tpu.memory_space<hbm>>
    tpu.enqueue_dma source(%arg7 : memref<16x1024xf32, #tpu.memory_space<vmem>>) target(%dma_start3A_400 : memref<16x1024xf32, #tpu.memory_space<hbm>>) target_semaphore(%arg17 : memref<!tpu.dma_semaphore, #tpu.memory_space<semaphore_mem>>)
    %dma_wait3A_401 = arith.constant 3 : i32
    %dma_wait3A_402 = arith.constant 0 : i32
    %dma_wait3A_403 = tpu.memref_slice %arg4[%dma_wait3A_401, %add3A_342, %dma_wait3A_402] : memref<4x2048x1024xf32, #tpu.memory_space<hbm>> -> memref<1x16x1024xf32, #tpu.memory_space<hbm>>
    %dma_wait3A_404 = tpu.memref_squeeze %dma_wait3A_403 : memref<1x16x1024xf32, #tpu.memory_space<hbm>> -> memref<16x1024xf32, #tpu.memory_space<hbm>>
    %dma_wait3A_405 = arith.constant 0 : i32
    %dma_wait3A_406 = tpu.memref_slice %arg4[%dma_wait3A_401, %add3A_342, %dma_wait3A_405] : memref<4x2048x1024xf32, #tpu.memory_space<hbm>> -> memref<1x16x1024xf32, #tpu.memory_space<hbm>>
    %dma_wait3A_407 = tpu.memref_squeeze %dma_wait3A_406 : memref<1x16x1024xf32, #tpu.memory_space<hbm>> -> memref<16x1024xf32, #tpu.memory_space<hbm>>
    tpu.wait_dma2 semaphore(%arg20 : memref<!tpu.dma_semaphore, #tpu.memory_space<semaphore_mem>>) src(%arg10 : memref<16x1024xf32, #tpu.memory_space<vmem>>) dst(%dma_wait3A_407 : memref<16x1024xf32, #tpu.memory_space<hbm>>)
    %mul3A_408 = arith.constant 64 : i32
    %mul3A_409 = arith.muli %add3A, %mul3A_408 : i32
    %add3A_410 = arith.constant 32 : i32
    %add3A_411 = arith.addi %mul3A_409, %add3A_410 : i32
    %dma_start3A_412 = arith.constant 3 : i32
    %dma_start3A_413 = arith.constant 0 : i32
    %dma_start3A_414 = tpu.memref_slice %arg2[%dma_start3A_412, %add3A_411, %dma_start3A_413] : memref<4x2048x1024xf32, #tpu.memory_space<hbm>> -> memref<1x16x1024xf32, #tpu.memory_space<hbm>>
    %dma_start3A_415 = tpu.memref_squeeze %dma_start3A_414 : memref<1x16x1024xf32, #tpu.memory_space<hbm>> -> memref<16x1024xf32, #tpu.memory_space<hbm>>
    %dma_start3A_416 = arith.constant 0 : i32
    %dma_start3A_417 = tpu.memref_slice %arg2[%dma_start3A_412, %add3A_411, %dma_start3A_416] : memref<4x2048x1024xf32, #tpu.memory_space<hbm>> -> memref<1x16x1024xf32, #tpu.memory_space<hbm>>
    %dma_start3A_418 = tpu.memref_squeeze %dma_start3A_417 : memref<1x16x1024xf32, #tpu.memory_space<hbm>> -> memref<16x1024xf32, #tpu.memory_space<hbm>>
    tpu.enqueue_dma source(%dma_start3A_418 : memref<16x1024xf32, #tpu.memory_space<hbm>>) target(%arg10 : memref<16x1024xf32, #tpu.memory_space<vmem>>) target_semaphore(%arg16 : memref<!tpu.dma_semaphore, #tpu.memory_space<semaphore_mem>>)
    %dma_wait3A_419 = arith.constant 1 : i32
    %dma_wait3A_420 = arith.constant 0 : i32
    %dma_wait3A_421 = tpu.memref_slice %arg2[%dma_wait3A_419, %add3A_321, %dma_wait3A_420] : memref<4x2048x1024xf32, #tpu.memory_space<hbm>> -> memref<1x16x1024xf32, #tpu.memory_space<hbm>>
    %dma_wait3A_422 = tpu.memref_squeeze %dma_wait3A_421 : memref<1x16x1024xf32, #tpu.memory_space<hbm>> -> memref<16x1024xf32, #tpu.memory_space<hbm>>
    %dma_wait3A_423 = arith.constant 0 : i32
    %dma_wait3A_424 = tpu.memref_slice %arg2[%dma_wait3A_419, %add3A_321, %dma_wait3A_423] : memref<4x2048x1024xf32, #tpu.memory_space<hbm>> -> memref<1x16x1024xf32, #tpu.memory_space<hbm>>
    %dma_wait3A_425 = tpu.memref_squeeze %dma_wait3A_424 : memref<1x16x1024xf32, #tpu.memory_space<hbm>> -> memref<16x1024xf32, #tpu.memory_space<hbm>>
    tpu.wait_dma2 semaphore(%arg14 : memref<!tpu.dma_semaphore, #tpu.memory_space<semaphore_mem>>) src(%dma_wait3A_425 : memref<16x1024xf32, #tpu.memory_space<hbm>>) dst(%arg8 : memref<16x1024xf32, #tpu.memory_space<vmem>>)
    %parallel_loop3A_426 = arith.constant 0 : i32
    %parallel_loop3A_427 = arith.constant 16384 : i32
    %parallel_loop3A_428 = arith.constant 16 : i32
    scf.for %parallel_loop3A_670 = %parallel_loop3A_426 to %parallel_loop3A_427 step %parallel_loop3A_428  : i32 {
      %parallel_loop3A_671 = arith.constant 1024 : i32
      %parallel_loop3A_672 = arith.divsi %parallel_loop3A_670, %parallel_loop3A_671 : i32
      %parallel_loop3A_673 = arith.constant 0 : i32
      %parallel_loop3A_674 = arith.cmpi sgt, %parallel_loop3A_670, %parallel_loop3A_673 : i32
      %parallel_loop3A_675 = arith.extui %parallel_loop3A_674 : i1 to i32
      %parallel_loop3A_676 = arith.constant 0 : i32
      %parallel_loop3A_677 = arith.cmpi slt, %parallel_loop3A_670, %parallel_loop3A_676 : i32
      %parallel_loop3A_678 = arith.extui %parallel_loop3A_677 : i1 to i32
      %parallel_loop3A_679 = arith.subi %parallel_loop3A_675, %parallel_loop3A_678 : i32
      %parallel_loop3A_680 = arith.constant 0 : i32
      %parallel_loop3A_681 = arith.cmpi sgt, %parallel_loop3A_671, %parallel_loop3A_680 : i32
      %parallel_loop3A_682 = arith.extui %parallel_loop3A_681 : i1 to i32
      %parallel_loop3A_683 = arith.constant 0 : i32
      %parallel_loop3A_684 = arith.cmpi slt, %parallel_loop3A_671, %parallel_loop3A_683 : i32
      %parallel_loop3A_685 = arith.extui %parallel_loop3A_684 : i1 to i32
      %parallel_loop3A_686 = arith.subi %parallel_loop3A_682, %parallel_loop3A_685 : i32
      %parallel_loop3A_687 = arith.cmpi ne, %parallel_loop3A_679, %parallel_loop3A_686 : i32
      %parallel_loop3A_688 = arith.remsi %parallel_loop3A_670, %parallel_loop3A_671 : i32
      %parallel_loop3A_689 = arith.constant 0 : i32
      %parallel_loop3A_690 = arith.cmpi ne, %parallel_loop3A_688, %parallel_loop3A_689 : i32
      %parallel_loop3A_691 = arith.andi %parallel_loop3A_687, %parallel_loop3A_690 : i1
      %parallel_loop3A_692 = arith.constant 1 : i32
      %parallel_loop3A_693 = arith.subi %parallel_loop3A_672, %parallel_loop3A_692 : i32
      %parallel_loop3A_694 = arith.select %parallel_loop3A_691, %parallel_loop3A_693, %parallel_loop3A_672 : i32
      %parallel_loop3A_695 = arith.constant 1024 : i32
      %parallel_loop3A_696 = arith.constant 0 : i32
      %parallel_loop3A_697 = arith.cmpi eq, %parallel_loop3A_695, %parallel_loop3A_696 : i32
      %parallel_loop3A_698 = arith.constant 1 : i32
      %parallel_loop3A_699 = arith.select %parallel_loop3A_697, %parallel_loop3A_698, %parallel_loop3A_695 : i32
      %parallel_loop3A_700 = arith.remsi %parallel_loop3A_670, %parallel_loop3A_699 : i32
      %parallel_loop3A_701 = arith.constant 0 : i32
      %parallel_loop3A_702 = arith.cmpi ne, %parallel_loop3A_700, %parallel_loop3A_701 : i32
      %parallel_loop3A_703 = arith.constant 0 : i32
      %parallel_loop3A_704 = arith.cmpi slt, %parallel_loop3A_700, %parallel_loop3A_703 : i32
      %parallel_loop3A_705 = arith.constant 0 : i32
      %parallel_loop3A_706 = arith.cmpi slt, %parallel_loop3A_699, %parallel_loop3A_705 : i32
      %parallel_loop3A_707 = arith.xori %parallel_loop3A_704, %parallel_loop3A_706 : i1
      %parallel_loop3A_708 = arith.andi %parallel_loop3A_707, %parallel_loop3A_702 : i1
      %parallel_loop3A_709 = arith.addi %parallel_loop3A_700, %parallel_loop3A_699 : i32
      %parallel_loop3A_710 = arith.select %parallel_loop3A_708, %parallel_loop3A_709, %parallel_loop3A_700 : i32
      %parallel_loop3A_711 = arith.index_cast %parallel_loop3A_694 : i32 to index
      %parallel_loop3A_712 = arith.index_cast %parallel_loop3A_710 : i32 to index
      %parallel_loop3A_713 = tpu.vector_load %arg8[%parallel_loop3A_711, %parallel_loop3A_712] {strides = array<i32>} : memref<16x1024xf32, #tpu.memory_space<vmem>>, vector<1x16xf32>,
      %parallel_loop3A_714 = vector.shape_cast %parallel_loop3A_713 : vector<1x16xf32> to vector<16xf32>
      %parallel_loop3A_715 = arith.index_cast %parallel_loop3A_694 : i32 to index
      %parallel_loop3A_716 = arith.index_cast %parallel_loop3A_710 : i32 to index
      %parallel_loop3A_717 = tpu.vector_load %arg5[%parallel_loop3A_715, %parallel_loop3A_716] {strides = array<i32>} : memref<16x1024xf32, #tpu.memory_space<vmem>>, vector<1x16xf32>,
      %parallel_loop3A_718 = vector.shape_cast %parallel_loop3A_717 : vector<1x16xf32> to vector<16xf32>
      %parallel_loop3A_719 = arith.addf %parallel_loop3A_714, %parallel_loop3A_718 : vector<16xf32>
      %parallel_loop3A_720 = arith.index_cast %parallel_loop3A_694 : i32 to index
      %parallel_loop3A_721 = arith.index_cast %parallel_loop3A_710 : i32 to index
      %parallel_loop3A_722 = tpu.vector_load %arg8[%parallel_loop3A_720, %parallel_loop3A_721] {strides = array<i32>} : memref<16x1024xf32, #tpu.memory_space<vmem>>, vector<1x16xf32>,
      %parallel_loop3A_723 = vector.shape_cast %parallel_loop3A_722 : vector<1x16xf32> to vector<16xf32>
      %parallel_loop3A_724 = vector.shape_cast %parallel_loop3A_719 : vector<16xf32> to vector<1x16xf32>
      tpu.vector_store %arg8[%parallel_loop3A_720, %parallel_loop3A_721], %parallel_loop3A_724 {strides = array<i32>} : memref<16x1024xf32, #tpu.memory_space<vmem>>, vector<1x16xf32>,
    } {sc.loop_unroll_factor = 8 : i64, sc.parallel_access}
    %mul3A_429 = arith.constant 64 : i32
    %mul3A_430 = arith.muli %add3A, %mul3A_429 : i32
    %add3A_431 = arith.constant 32 : i32
    %add3A_432 = arith.addi %mul3A_430, %add3A_431 : i32
    %dma_start3A_433 = arith.constant 1 : i32
    %dma_start3A_434 = arith.constant 0 : i32
    %dma_start3A_435 = tpu.memref_slice %arg4[%dma_start3A_433, %add3A_432, %dma_start3A_434] : memref<4x2048x1024xf32, #tpu.memory_space<hbm>> -> memref<1x16x1024xf32, #tpu.memory_space<hbm>>
    %dma_start3A_436 = tpu.memref_squeeze %dma_start3A_435 : memref<1x16x1024xf32, #tpu.memory_space<hbm>> -> memref<16x1024xf32, #tpu.memory_space<hbm>>
    %dma_start3A_437 = arith.constant 0 : i32
    %dma_start3A_438 = tpu.memref_slice %arg4[%dma_start3A_433, %add3A_432, %dma_start3A_437] : memref<4x2048x1024xf32, #tpu.memory_space<hbm>> -> memref<1x16x1024xf32, #tpu.memory_space<hbm>>
    %dma_start3A_439 = tpu.memref_squeeze %dma_start3A_438 : memref<1x16x1024xf32, #tpu.memory_space<hbm>> -> memref<16x1024xf32, #tpu.memory_space<hbm>>
    tpu.enqueue_dma source(%arg8 : memref<16x1024xf32, #tpu.memory_space<vmem>>) target(%dma_start3A_439 : memref<16x1024xf32, #tpu.memory_space<hbm>>) target_semaphore(%arg18 : memref<!tpu.dma_semaphore, #tpu.memory_space<semaphore_mem>>)
    %dma_wait3A_440 = arith.constant 0 : i32
    %dma_wait3A_441 = arith.constant 0 : i32
    %dma_wait3A_442 = tpu.memref_slice %arg4[%dma_wait3A_440, %add3A_393, %dma_wait3A_441] : memref<4x2048x1024xf32, #tpu.memory_space<hbm>> -> memref<1x16x1024xf32, #tpu.memory_space<hbm>>
    %dma_wait3A_443 = tpu.memref_squeeze %dma_wait3A_442 : memref<1x16x1024xf32, #tpu.memory_space<hbm>> -> memref<16x1024xf32, #tpu.memory_space<hbm>>
    %dma_wait3A_444 = arith.constant 0 : i32
    %dma_wait3A_445 = tpu.memref_slice %arg4[%dma_wait3A_440, %add3A_393, %dma_wait3A_444] : memref<4x2048x1024xf32, #tpu.memory_space<hbm>> -> memref<1x16x1024xf32, #tpu.memory_space<hbm>>
    %dma_wait3A_446 = tpu.memref_squeeze %dma_wait3A_445 : memref<1x16x1024xf32, #tpu.memory_space<hbm>> -> memref<16x1024xf32, #tpu.memory_space<hbm>>
    tpu.wait_dma2 semaphore(%arg17 : memref<!tpu.dma_semaphore, #tpu.memory_space<semaphore_mem>>) src(%arg7 : memref<16x1024xf32, #tpu.memory_space<vmem>>) dst(%dma_wait3A_446 : memref<16x1024xf32, #tpu.memory_space<hbm>>)
    %mul3A_447 = arith.constant 64 : i32
    %mul3A_448 = arith.muli %add3A, %mul3A_447 : i32
    %add3A_449 = arith.constant 48 : i32
    %add3A_450 = arith.addi %mul3A_448, %add3A_449 : i32
    %dma_start3A_451 = arith.constant 0 : i32
    %dma_start3A_452 = arith.constant 0 : i32
    %dma_start3A_453 = tpu.memref_slice %arg2[%dma_start3A_451, %add3A_450, %dma_start3A_452] : memref<4x2048x1024xf32, #tpu.memory_space<hbm>> -> memref<1x16x1024xf32, #tpu.memory_space<hbm>>
    %dma_start3A_454 = tpu.memref_squeeze %dma_start3A_453 : memref<1x16x1024xf32, #tpu.memory_space<hbm>> -> memref<16x1024xf32, #tpu.memory_space<hbm>>
    %dma_start3A_455 = arith.constant 0 : i32
    %dma_start3A_456 = tpu.memref_slice %arg2[%dma_start3A_451, %add3A_450, %dma_start3A_455] : memref<4x2048x1024xf32, #tpu.memory_space<hbm>> -> memref<1x16x1024xf32, #tpu.memory_space<hbm>>
    %dma_start3A_457 = tpu.memref_squeeze %dma_start3A_456 : memref<1x16x1024xf32, #tpu.memory_space<hbm>> -> memref<16x1024xf32, #tpu.memory_space<hbm>>
    tpu.enqueue_dma source(%dma_start3A_457 : memref<16x1024xf32, #tpu.memory_space<hbm>>) target(%arg7 : memref<16x1024xf32, #tpu.memory_space<vmem>>) target_semaphore(%arg13 : memref<!tpu.dma_semaphore, #tpu.memory_space<semaphore_mem>>)
    %dma_wait3A_458 = arith.constant 2 : i32
    %dma_wait3A_459 = arith.constant 0 : i32
    %dma_wait3A_460 = tpu.memref_slice %arg2[%dma_wait3A_458, %add3A_360, %dma_wait3A_459] : memref<4x2048x1024xf32, #tpu.memory_space<hbm>> -> memref<1x16x1024xf32, #tpu.memory_space<hbm>>
    %dma_wait3A_461 = tpu.memref_squeeze %dma_wait3A_460 : memref<1x16x1024xf32, #tpu.memory_space<hbm>> -> memref<16x1024xf32, #tpu.memory_space<hbm>>
    %dma_wait3A_462 = arith.constant 0 : i32
    %dma_wait3A_463 = tpu.memref_slice %arg2[%dma_wait3A_458, %add3A_360, %dma_wait3A_462] : memref<4x2048x1024xf32, #tpu.memory_space<hbm>> -> memref<1x16x1024xf32, #tpu.memory_space<hbm>>
    %dma_wait3A_464 = tpu.memref_squeeze %dma_wait3A_463 : memref<1x16x1024xf32, #tpu.memory_space<hbm>> -> memref<16x1024xf32, #tpu.memory_space<hbm>>
    tpu.wait_dma2 semaphore(%arg15 : memref<!tpu.dma_semaphore, #tpu.memory_space<semaphore_mem>>) src(%dma_wait3A_464 : memref<16x1024xf32, #tpu.memory_space<hbm>>) dst(%arg9 : memref<16x1024xf32, #tpu.memory_space<vmem>>)
    %parallel_loop3A_465 = arith.constant 0 : i32
    %parallel_loop3A_466 = arith.constant 16384 : i32
    %parallel_loop3A_467 = arith.constant 16 : i32
    scf.for %parallel_loop3A_670 = %parallel_loop3A_465 to %parallel_loop3A_466 step %parallel_loop3A_467  : i32 {
      %parallel_loop3A_671 = arith.constant 1024 : i32
      %parallel_loop3A_672 = arith.divsi %parallel_loop3A_670, %parallel_loop3A_671 : i32
      %parallel_loop3A_673 = arith.constant 0 : i32
      %parallel_loop3A_674 = arith.cmpi sgt, %parallel_loop3A_670, %parallel_loop3A_673 : i32
      %parallel_loop3A_675 = arith.extui %parallel_loop3A_674 : i1 to i32
      %parallel_loop3A_676 = arith.constant 0 : i32
      %parallel_loop3A_677 = arith.cmpi slt, %parallel_loop3A_670, %parallel_loop3A_676 : i32
      %parallel_loop3A_678 = arith.extui %parallel_loop3A_677 : i1 to i32
      %parallel_loop3A_679 = arith.subi %parallel_loop3A_675, %parallel_loop3A_678 : i32
      %parallel_loop3A_680 = arith.constant 0 : i32
      %parallel_loop3A_681 = arith.cmpi sgt, %parallel_loop3A_671, %parallel_loop3A_680 : i32
      %parallel_loop3A_682 = arith.extui %parallel_loop3A_681 : i1 to i32
      %parallel_loop3A_683 = arith.constant 0 : i32
      %parallel_loop3A_684 = arith.cmpi slt, %parallel_loop3A_671, %parallel_loop3A_683 : i32
      %parallel_loop3A_685 = arith.extui %parallel_loop3A_684 : i1 to i32
      %parallel_loop3A_686 = arith.subi %parallel_loop3A_682, %parallel_loop3A_685 : i32
      %parallel_loop3A_687 = arith.cmpi ne, %parallel_loop3A_679, %parallel_loop3A_686 : i32
      %parallel_loop3A_688 = arith.remsi %parallel_loop3A_670, %parallel_loop3A_671 : i32
      %parallel_loop3A_689 = arith.constant 0 : i32
      %parallel_loop3A_690 = arith.cmpi ne, %parallel_loop3A_688, %parallel_loop3A_689 : i32
      %parallel_loop3A_691 = arith.andi %parallel_loop3A_687, %parallel_loop3A_690 : i1
      %parallel_loop3A_692 = arith.constant 1 : i32
      %parallel_loop3A_693 = arith.subi %parallel_loop3A_672, %parallel_loop3A_692 : i32
      %parallel_loop3A_694 = arith.select %parallel_loop3A_691, %parallel_loop3A_693, %parallel_loop3A_672 : i32
      %parallel_loop3A_695 = arith.constant 1024 : i32
      %parallel_loop3A_696 = arith.constant 0 : i32
      %parallel_loop3A_697 = arith.cmpi eq, %parallel_loop3A_695, %parallel_loop3A_696 : i32
      %parallel_loop3A_698 = arith.constant 1 : i32
      %parallel_loop3A_699 = arith.select %parallel_loop3A_697, %parallel_loop3A_698, %parallel_loop3A_695 : i32
      %parallel_loop3A_700 = arith.remsi %parallel_loop3A_670, %parallel_loop3A_699 : i32
      %parallel_loop3A_701 = arith.constant 0 : i32
      %parallel_loop3A_702 = arith.cmpi ne, %parallel_loop3A_700, %parallel_loop3A_701 : i32
      %parallel_loop3A_703 = arith.constant 0 : i32
      %parallel_loop3A_704 = arith.cmpi slt, %parallel_loop3A_700, %parallel_loop3A_703 : i32
      %parallel_loop3A_705 = arith.constant 0 : i32
      %parallel_loop3A_706 = arith.cmpi slt, %parallel_loop3A_699, %parallel_loop3A_705 : i32
      %parallel_loop3A_707 = arith.xori %parallel_loop3A_704, %parallel_loop3A_706 : i1
      %parallel_loop3A_708 = arith.andi %parallel_loop3A_707, %parallel_loop3A_702 : i1
      %parallel_loop3A_709 = arith.addi %parallel_loop3A_700, %parallel_loop3A_699 : i32
      %parallel_loop3A_710 = arith.select %parallel_loop3A_708, %parallel_loop3A_709, %parallel_loop3A_700 : i32
      %parallel_loop3A_711 = arith.index_cast %parallel_loop3A_694 : i32 to index
      %parallel_loop3A_712 = arith.index_cast %parallel_loop3A_710 : i32 to index
      %parallel_loop3A_713 = tpu.vector_load %arg9[%parallel_loop3A_711, %parallel_loop3A_712] {strides = array<i32>} : memref<16x1024xf32, #tpu.memory_space<vmem>>, vector<1x16xf32>,
      %parallel_loop3A_714 = vector.shape_cast %parallel_loop3A_713 : vector<1x16xf32> to vector<16xf32>
      %parallel_loop3A_715 = arith.index_cast %parallel_loop3A_694 : i32 to index
      %parallel_loop3A_716 = arith.index_cast %parallel_loop3A_710 : i32 to index
      %parallel_loop3A_717 = tpu.vector_load %arg5[%parallel_loop3A_715, %parallel_loop3A_716] {strides = array<i32>} : memref<16x1024xf32, #tpu.memory_space<vmem>>, vector<1x16xf32>,
      %parallel_loop3A_718 = vector.shape_cast %parallel_loop3A_717 : vector<1x16xf32> to vector<16xf32>
      %parallel_loop3A_719 = arith.addf %parallel_loop3A_714, %parallel_loop3A_718 : vector<16xf32>
      %parallel_loop3A_720 = arith.index_cast %parallel_loop3A_694 : i32 to index
      %parallel_loop3A_721 = arith.index_cast %parallel_loop3A_710 : i32 to index
      %parallel_loop3A_722 = tpu.vector_load %arg9[%parallel_loop3A_720, %parallel_loop3A_721] {strides = array<i32>} : memref<16x1024xf32, #tpu.memory_space<vmem>>, vector<1x16xf32>,
      %parallel_loop3A_723 = vector.shape_cast %parallel_loop3A_722 : vector<1x16xf32> to vector<16xf32>
      %parallel_loop3A_724 = vector.shape_cast %parallel_loop3A_719 : vector<16xf32> to vector<1x16xf32>
      tpu.vector_store %arg9[%parallel_loop3A_720, %parallel_loop3A_721], %parallel_loop3A_724 {strides = array<i32>} : memref<16x1024xf32, #tpu.memory_space<vmem>>, vector<1x16xf32>,
    } {sc.loop_unroll_factor = 8 : i64, sc.parallel_access}
    %mul3A_468 = arith.constant 64 : i32
    %mul3A_469 = arith.muli %add3A, %mul3A_468 : i32
    %add3A_470 = arith.constant 32 : i32
    %add3A_471 = arith.addi %mul3A_469, %add3A_470 : i32
    %dma_start3A_472 = arith.constant 2 : i32
    %dma_start3A_473 = arith.constant 0 : i32
    %dma_start3A_474 = tpu.memref_slice %arg4[%dma_start3A_472, %add3A_471, %dma_start3A_473] : memref<4x2048x1024xf32, #tpu.memory_space<hbm>> -> memref<1x16x1024xf32, #tpu.memory_space<hbm>>
    %dma_start3A_475 = tpu.memref_squeeze %dma_start3A_474 : memref<1x16x1024xf32, #tpu.memory_space<hbm>> -> memref<16x1024xf32, #tpu.memory_space<hbm>>
    %dma_start3A_476 = arith.constant 0 : i32
    %dma_start3A_477 = tpu.memref_slice %arg4[%dma_start3A_472, %add3A_471, %dma_start3A_476] : memref<4x2048x1024xf32, #tpu.memory_space<hbm>> -> memref<1x16x1024xf32, #tpu.memory_space<hbm>>
    %dma_start3A_478 = tpu.memref_squeeze %dma_start3A_477 : memref<1x16x1024xf32, #tpu.memory_space<hbm>> -> memref<16x1024xf32, #tpu.memory_space<hbm>>
    tpu.enqueue_dma source(%arg9 : memref<16x1024xf32, #tpu.memory_space<vmem>>) target(%dma_start3A_478 : memref<16x1024xf32, #tpu.memory_space<hbm>>) target_semaphore(%arg19 : memref<!tpu.dma_semaphore, #tpu.memory_space<semaphore_mem>>)
    %dma_wait3A_479 = arith.constant 1 : i32
    %dma_wait3A_480 = arith.constant 0 : i32
    %dma_wait3A_481 = tpu.memref_slice %arg4[%dma_wait3A_479, %add3A_432, %dma_wait3A_480] : memref<4x2048x1024xf32, #tpu.memory_space<hbm>> -> memref<1x16x1024xf32, #tpu.memory_space<hbm>>
    %dma_wait3A_482 = tpu.memref_squeeze %dma_wait3A_481 : memref<1x16x1024xf32, #tpu.memory_space<hbm>> -> memref<16x1024xf32, #tpu.memory_space<hbm>>
    %dma_wait3A_483 = arith.constant 0 : i32
    %dma_wait3A_484 = tpu.memref_slice %arg4[%dma_wait3A_479, %add3A_432, %dma_wait3A_483] : memref<4x2048x1024xf32, #tpu.memory_space<hbm>> -> memref<1x16x1024xf32, #tpu.memory_space<hbm>>
    %dma_wait3A_485 = tpu.memref_squeeze %dma_wait3A_484 : memref<1x16x1024xf32, #tpu.memory_space<hbm>> -> memref<16x1024xf32, #tpu.memory_space<hbm>>
    tpu.wait_dma2 semaphore(%arg18 : memref<!tpu.dma_semaphore, #tpu.memory_space<semaphore_mem>>) src(%arg8 : memref<16x1024xf32, #tpu.memory_space<vmem>>) dst(%dma_wait3A_485 : memref<16x1024xf32, #tpu.memory_space<hbm>>)
    %mul3A_486 = arith.constant 64 : i32
    %mul3A_487 = arith.muli %add3A, %mul3A_486 : i32
    %add3A_488 = arith.constant 48 : i32
    %add3A_489 = arith.addi %mul3A_487, %add3A_488 : i32
    %dma_start3A_490 = arith.constant 1 : i32
    %dma_start3A_491 = arith.constant 0 : i32
    %dma_start3A_492 = tpu.memref_slice %arg2[%dma_start3A_490, %add3A_489, %dma_start3A_491] : memref<4x2048x1024xf32, #tpu.memory_space<hbm>> -> memref<1x16x1024xf32, #tpu.memory_space<hbm>>
    %dma_start3A_493 = tpu.memref_squeeze %dma_start3A_492 : memref<1x16x1024xf32, #tpu.memory_space<hbm>> -> memref<16x1024xf32, #tpu.memory_space<hbm>>
    %dma_start3A_494 = arith.constant 0 : i32
    %dma_start3A_495 = tpu.memref_slice %arg2[%dma_start3A_490, %add3A_489, %dma_start3A_494] : memref<4x2048x1024xf32, #tpu.memory_space<hbm>> -> memref<1x16x1024xf32, #tpu.memory_space<hbm>>
    %dma_start3A_496 = tpu.memref_squeeze %dma_start3A_495 : memref<1x16x1024xf32, #tpu.memory_space<hbm>> -> memref<16x1024xf32, #tpu.memory_space<hbm>>
    tpu.enqueue_dma source(%dma_start3A_496 : memref<16x1024xf32, #tpu.memory_space<hbm>>) target(%arg8 : memref<16x1024xf32, #tpu.memory_space<vmem>>) target_semaphore(%arg14 : memref<!tpu.dma_semaphore, #tpu.memory_space<semaphore_mem>>)
    %dma_wait3A_497 = arith.constant 3 : i32
    %dma_wait3A_498 = arith.constant 0 : i32
    %dma_wait3A_499 = tpu.memref_slice %arg2[%dma_wait3A_497, %add3A_411, %dma_wait3A_498] : memref<4x2048x1024xf32, #tpu.memory_space<hbm>> -> memref<1x16x1024xf32, #tpu.memory_space<hbm>>
    %dma_wait3A_500 = tpu.memref_squeeze %dma_wait3A_499 : memref<1x16x1024xf32, #tpu.memory_space<hbm>> -> memref<16x1024xf32, #tpu.memory_space<hbm>>
    %dma_wait3A_501 = arith.constant 0 : i32
    %dma_wait3A_502 = tpu.memref_slice %arg2[%dma_wait3A_497, %add3A_411, %dma_wait3A_501] : memref<4x2048x1024xf32, #tpu.memory_space<hbm>> -> memref<1x16x1024xf32, #tpu.memory_space<hbm>>
    %dma_wait3A_503 = tpu.memref_squeeze %dma_wait3A_502 : memref<1x16x1024xf32, #tpu.memory_space<hbm>> -> memref<16x1024xf32, #tpu.memory_space<hbm>>
    tpu.wait_dma2 semaphore(%arg16 : memref<!tpu.dma_semaphore, #tpu.memory_space<semaphore_mem>>) src(%dma_wait3A_503 : memref<16x1024xf32, #tpu.memory_space<hbm>>) dst(%arg10 : memref<16x1024xf32, #tpu.memory_space<vmem>>)
    %parallel_loop3A_504 = arith.constant 0 : i32
    %parallel_loop3A_505 = arith.constant 16384 : i32
    %parallel_loop3A_506 = arith.constant 16 : i32
    scf.for %parallel_loop3A_670 = %parallel_loop3A_504 to %parallel_loop3A_505 step %parallel_loop3A_506  : i32 {
      %parallel_loop3A_671 = arith.constant 1024 : i32
      %parallel_loop3A_672 = arith.divsi %parallel_loop3A_670, %parallel_loop3A_671 : i32
      %parallel_loop3A_673 = arith.constant 0 : i32
      %parallel_loop3A_674 = arith.cmpi sgt, %parallel_loop3A_670, %parallel_loop3A_673 : i32
      %parallel_loop3A_675 = arith.extui %parallel_loop3A_674 : i1 to i32
      %parallel_loop3A_676 = arith.constant 0 : i32
      %parallel_loop3A_677 = arith.cmpi slt, %parallel_loop3A_670, %parallel_loop3A_676 : i32
      %parallel_loop3A_678 = arith.extui %parallel_loop3A_677 : i1 to i32
      %parallel_loop3A_679 = arith.subi %parallel_loop3A_675, %parallel_loop3A_678 : i32
      %parallel_loop3A_680 = arith.constant 0 : i32
      %parallel_loop3A_681 = arith.cmpi sgt, %parallel_loop3A_671, %parallel_loop3A_680 : i32
      %parallel_loop3A_682 = arith.extui %parallel_loop3A_681 : i1 to i32
      %parallel_loop3A_683 = arith.constant 0 : i32
      %parallel_loop3A_684 = arith.cmpi slt, %parallel_loop3A_671, %parallel_loop3A_683 : i32
      %parallel_loop3A_685 = arith.extui %parallel_loop3A_684 : i1 to i32
      %parallel_loop3A_686 = arith.subi %parallel_loop3A_682, %parallel_loop3A_685 : i32
      %parallel_loop3A_687 = arith.cmpi ne, %parallel_loop3A_679, %parallel_loop3A_686 : i32
      %parallel_loop3A_688 = arith.remsi %parallel_loop3A_670, %parallel_loop3A_671 : i32
      %parallel_loop3A_689 = arith.constant 0 : i32
      %parallel_loop3A_690 = arith.cmpi ne, %parallel_loop3A_688, %parallel_loop3A_689 : i32
      %parallel_loop3A_691 = arith.andi %parallel_loop3A_687, %parallel_loop3A_690 : i1
      %parallel_loop3A_692 = arith.constant 1 : i32
      %parallel_loop3A_693 = arith.subi %parallel_loop3A_672, %parallel_loop3A_692 : i32
      %parallel_loop3A_694 = arith.select %parallel_loop3A_691, %parallel_loop3A_693, %parallel_loop3A_672 : i32
      %parallel_loop3A_695 = arith.constant 1024 : i32
      %parallel_loop3A_696 = arith.constant 0 : i32
      %parallel_loop3A_697 = arith.cmpi eq, %parallel_loop3A_695, %parallel_loop3A_696 : i32
      %parallel_loop3A_698 = arith.constant 1 : i32
      %parallel_loop3A_699 = arith.select %parallel_loop3A_697, %parallel_loop3A_698, %parallel_loop3A_695 : i32
      %parallel_loop3A_700 = arith.remsi %parallel_loop3A_670, %parallel_loop3A_699 : i32
      %parallel_loop3A_701 = arith.constant 0 : i32
      %parallel_loop3A_702 = arith.cmpi ne, %parallel_loop3A_700, %parallel_loop3A_701 : i32
      %parallel_loop3A_703 = arith.constant 0 : i32
      %parallel_loop3A_704 = arith.cmpi slt, %parallel_loop3A_700, %parallel_loop3A_703 : i32
      %parallel_loop3A_705 = arith.constant 0 : i32
      %parallel_loop3A_706 = arith.cmpi slt, %parallel_loop3A_699, %parallel_loop3A_705 : i32
      %parallel_loop3A_707 = arith.xori %parallel_loop3A_704, %parallel_loop3A_706 : i1
      %parallel_loop3A_708 = arith.andi %parallel_loop3A_707, %parallel_loop3A_702 : i1
      %parallel_loop3A_709 = arith.addi %parallel_loop3A_700, %parallel_loop3A_699 : i32
      %parallel_loop3A_710 = arith.select %parallel_loop3A_708, %parallel_loop3A_709, %parallel_loop3A_700 : i32
      %parallel_loop3A_711 = arith.index_cast %parallel_loop3A_694 : i32 to index
      %parallel_loop3A_712 = arith.index_cast %parallel_loop3A_710 : i32 to index
      %parallel_loop3A_713 = tpu.vector_load %arg10[%parallel_loop3A_711, %parallel_loop3A_712] {strides = array<i32>} : memref<16x1024xf32, #tpu.memory_space<vmem>>, vector<1x16xf32>,
      %parallel_loop3A_714 = vector.shape_cast %parallel_loop3A_713 : vector<1x16xf32> to vector<16xf32>
      %parallel_loop3A_715 = arith.index_cast %parallel_loop3A_694 : i32 to index
      %parallel_loop3A_716 = arith.index_cast %parallel_loop3A_710 : i32 to index
      %parallel_loop3A_717 = tpu.vector_load %arg5[%parallel_loop3A_715, %parallel_loop3A_716] {strides = array<i32>} : memref<16x1024xf32, #tpu.memory_space<vmem>>, vector<1x16xf32>,
      %parallel_loop3A_718 = vector.shape_cast %parallel_loop3A_717 : vector<1x16xf32> to vector<16xf32>
      %parallel_loop3A_719 = arith.addf %parallel_loop3A_714, %parallel_loop3A_718 : vector<16xf32>
      %parallel_loop3A_720 = arith.index_cast %parallel_loop3A_694 : i32 to index
      %parallel_loop3A_721 = arith.index_cast %parallel_loop3A_710 : i32 to index
      %parallel_loop3A_722 = tpu.vector_load %arg10[%parallel_loop3A_720, %parallel_loop3A_721] {strides = array<i32>} : memref<16x1024xf32, #tpu.memory_space<vmem>>, vector<1x16xf32>,
      %parallel_loop3A_723 = vector.shape_cast %parallel_loop3A_722 : vector<1x16xf32> to vector<16xf32>
      %parallel_loop3A_724 = vector.shape_cast %parallel_loop3A_719 : vector<16xf32> to vector<1x16xf32>
      tpu.vector_store %arg10[%parallel_loop3A_720, %parallel_loop3A_721], %parallel_loop3A_724 {strides = array<i32>} : memref<16x1024xf32, #tpu.memory_space<vmem>>, vector<1x16xf32>,
    } {sc.loop_unroll_factor = 8 : i64, sc.parallel_access}
    %mul3A_507 = arith.constant 64 : i32
    %mul3A_508 = arith.muli %add3A, %mul3A_507 : i32
    %add3A_509 = arith.constant 32 : i32
    %add3A_510 = arith.addi %mul3A_508, %add3A_509 : i32
    %dma_start3A_511 = arith.constant 3 : i32
    %dma_start3A_512 = arith.constant 0 : i32
    %dma_start3A_513 = tpu.memref_slice %arg4[%dma_start3A_511, %add3A_510, %dma_start3A_512] : memref<4x2048x1024xf32, #tpu.memory_space<hbm>> -> memref<1x16x1024xf32, #tpu.memory_space<hbm>>
    %dma_start3A_514 = tpu.memref_squeeze %dma_start3A_513 : memref<1x16x1024xf32, #tpu.memory_space<hbm>> -> memref<16x1024xf32, #tpu.memory_space<hbm>>
    %dma_start3A_515 = arith.constant 0 : i32
    %dma_start3A_516 = tpu.memref_slice %arg4[%dma_start3A_511, %add3A_510, %dma_start3A_515] : memref<4x2048x1024xf32, #tpu.memory_space<hbm>> -> memref<1x16x1024xf32, #tpu.memory_space<hbm>>
    %dma_start3A_517 = tpu.memref_squeeze %dma_start3A_516 : memref<1x16x1024xf32, #tpu.memory_space<hbm>> -> memref<16x1024xf32, #tpu.memory_space<hbm>>
    tpu.enqueue_dma source(%arg10 : memref<16x1024xf32, #tpu.memory_space<vmem>>) target(%dma_start3A_517 : memref<16x1024xf32, #tpu.memory_space<hbm>>) target_semaphore(%arg20 : memref<!tpu.dma_semaphore, #tpu.memory_space<semaphore_mem>>)
    %dma_wait3A_518 = arith.constant 2 : i32
    %dma_wait3A_519 = arith.constant 0 : i32
    %dma_wait3A_520 = tpu.memref_slice %arg4[%dma_wait3A_518, %add3A_471, %dma_wait3A_519] : memref<4x2048x1024xf32, #tpu.memory_space<hbm>> -> memref<1x16x1024xf32, #tpu.memory_space<hbm>>
    %dma_wait3A_521 = tpu.memref_squeeze %dma_wait3A_520 : memref<1x16x1024xf32, #tpu.memory_space<hbm>> -> memref<16x1024xf32, #tpu.memory_space<hbm>>
    %dma_wait3A_522 = arith.constant 0 : i32
    %dma_wait3A_523 = tpu.memref_slice %arg4[%dma_wait3A_518, %add3A_471, %dma_wait3A_522] : memref<4x2048x1024xf32, #tpu.memory_space<hbm>> -> memref<1x16x1024xf32, #tpu.memory_space<hbm>>
    %dma_wait3A_524 = tpu.memref_squeeze %dma_wait3A_523 : memref<1x16x1024xf32, #tpu.memory_space<hbm>> -> memref<16x1024xf32, #tpu.memory_space<hbm>>
    tpu.wait_dma2 semaphore(%arg19 : memref<!tpu.dma_semaphore, #tpu.memory_space<semaphore_mem>>) src(%arg9 : memref<16x1024xf32, #tpu.memory_space<vmem>>) dst(%dma_wait3A_524 : memref<16x1024xf32, #tpu.memory_space<hbm>>)
    %mul3A_525 = arith.constant 64 : i32
    %mul3A_526 = arith.muli %add3A, %mul3A_525 : i32
    %add3A_527 = arith.constant 48 : i32
    %add3A_528 = arith.addi %mul3A_526, %add3A_527 : i32
    %dma_start3A_529 = arith.constant 2 : i32
    %dma_start3A_530 = arith.constant 0 : i32
    %dma_start3A_531 = tpu.memref_slice %arg2[%dma_start3A_529, %add3A_528, %dma_start3A_530] : memref<4x2048x1024xf32, #tpu.memory_space<hbm>> -> memref<1x16x1024xf32, #tpu.memory_space<hbm>>
    %dma_start3A_532 = tpu.memref_squeeze %dma_start3A_531 : memref<1x16x1024xf32, #tpu.memory_space<hbm>> -> memref<16x1024xf32, #tpu.memory_space<hbm>>
    %dma_start3A_533 = arith.constant 0 : i32
    %dma_start3A_534 = tpu.memref_slice %arg2[%dma_start3A_529, %add3A_528, %dma_start3A_533] : memref<4x2048x1024xf32, #tpu.memory_space<hbm>> -> memref<1x16x1024xf32, #tpu.memory_space<hbm>>
    %dma_start3A_535 = tpu.memref_squeeze %dma_start3A_534 : memref<1x16x1024xf32, #tpu.memory_space<hbm>> -> memref<16x1024xf32, #tpu.memory_space<hbm>>
    tpu.enqueue_dma source(%dma_start3A_535 : memref<16x1024xf32, #tpu.memory_space<hbm>>) target(%arg9 : memref<16x1024xf32, #tpu.memory_space<vmem>>) target_semaphore(%arg15 : memref<!tpu.dma_semaphore, #tpu.memory_space<semaphore_mem>>)
    %dma_wait3A_536 = arith.constant 0 : i32
    %dma_wait3A_537 = tpu.memref_slice %arg3[%add3A_371, %dma_wait3A_536] : memref<2048x1024xf32, #tpu.memory_space<hbm>> -> memref<16x1024xf32, #tpu.memory_space<hbm>>
    %dma_wait3A_538 = arith.constant 0 : i32
    %dma_wait3A_539 = tpu.memref_slice %arg3[%add3A_371, %dma_wait3A_538] : memref<2048x1024xf32, #tpu.memory_space<hbm>> -> memref<16x1024xf32, #tpu.memory_space<hbm>>
    tpu.wait_dma2 semaphore(%arg12 : memref<!tpu.dma_semaphore, #tpu.memory_space<semaphore_mem>>) src(%dma_wait3A_539 : memref<16x1024xf32, #tpu.memory_space<hbm>>) dst(%arg6 : memref<16x1024xf32, #tpu.memory_space<vmem>>)
    %dma_wait3A_540 = arith.constant 0 : i32
    %dma_wait3A_541 = arith.constant 0 : i32
    %dma_wait3A_542 = tpu.memref_slice %arg2[%dma_wait3A_540, %add3A_450, %dma_wait3A_541] : memref<4x2048x1024xf32, #tpu.memory_space<hbm>> -> memref<1x16x1024xf32, #tpu.memory_space<hbm>>
    %dma_wait3A_543 = tpu.memref_squeeze %dma_wait3A_542 : memref<1x16x1024xf32, #tpu.memory_space<hbm>> -> memref<16x1024xf32, #tpu.memory_space<hbm>>
    %dma_wait3A_544 = arith.constant 0 : i32
    %dma_wait3A_545 = tpu.memref_slice %arg2[%dma_wait3A_540, %add3A_450, %dma_wait3A_544] : memref<4x2048x1024xf32, #tpu.memory_space<hbm>> -> memref<1x16x1024xf32, #tpu.memory_space<hbm>>
    %dma_wait3A_546 = tpu.memref_squeeze %dma_wait3A_545 : memref<1x16x1024xf32, #tpu.memory_space<hbm>> -> memref<16x1024xf32, #tpu.memory_space<hbm>>
    tpu.wait_dma2 semaphore(%arg13 : memref<!tpu.dma_semaphore, #tpu.memory_space<semaphore_mem>>) src(%dma_wait3A_546 : memref<16x1024xf32, #tpu.memory_space<hbm>>) dst(%arg7 : memref<16x1024xf32, #tpu.memory_space<vmem>>)
    %parallel_loop3A_547 = arith.constant 0 : i32
    %parallel_loop3A_548 = arith.constant 16384 : i32
    %parallel_loop3A_549 = arith.constant 16 : i32
    scf.for %parallel_loop3A_670 = %parallel_loop3A_547 to %parallel_loop3A_548 step %parallel_loop3A_549  : i32 {
      %parallel_loop3A_671 = arith.constant 1024 : i32
      %parallel_loop3A_672 = arith.divsi %parallel_loop3A_670, %parallel_loop3A_671 : i32
      %parallel_loop3A_673 = arith.constant 0 : i32
      %parallel_loop3A_674 = arith.cmpi sgt, %parallel_loop3A_670, %parallel_loop3A_673 : i32
      %parallel_loop3A_675 = arith.extui %parallel_loop3A_674 : i1 to i32
      %parallel_loop3A_676 = arith.constant 0 : i32
      %parallel_loop3A_677 = arith.cmpi slt, %parallel_loop3A_670, %parallel_loop3A_676 : i32
      %parallel_loop3A_678 = arith.extui %parallel_loop3A_677 : i1 to i32
      %parallel_loop3A_679 = arith.subi %parallel_loop3A_675, %parallel_loop3A_678 : i32
      %parallel_loop3A_680 = arith.constant 0 : i32
      %parallel_loop3A_681 = arith.cmpi sgt, %parallel_loop3A_671, %parallel_loop3A_680 : i32
      %parallel_loop3A_682 = arith.extui %parallel_loop3A_681 : i1 to i32
      %parallel_loop3A_683 = arith.constant 0 : i32
      %parallel_loop3A_684 = arith.cmpi slt, %parallel_loop3A_671, %parallel_loop3A_683 : i32
      %parallel_loop3A_685 = arith.extui %parallel_loop3A_684 : i1 to i32
      %parallel_loop3A_686 = arith.subi %parallel_loop3A_682, %parallel_loop3A_685 : i32
      %parallel_loop3A_687 = arith.cmpi ne, %parallel_loop3A_679, %parallel_loop3A_686 : i32
      %parallel_loop3A_688 = arith.remsi %parallel_loop3A_670, %parallel_loop3A_671 : i32
      %parallel_loop3A_689 = arith.constant 0 : i32
      %parallel_loop3A_690 = arith.cmpi ne, %parallel_loop3A_688, %parallel_loop3A_689 : i32
      %parallel_loop3A_691 = arith.andi %parallel_loop3A_687, %parallel_loop3A_690 : i1
      %parallel_loop3A_692 = arith.constant 1 : i32
      %parallel_loop3A_693 = arith.subi %parallel_loop3A_672, %parallel_loop3A_692 : i32
      %parallel_loop3A_694 = arith.select %parallel_loop3A_691, %parallel_loop3A_693, %parallel_loop3A_672 : i32
      %parallel_loop3A_695 = arith.constant 1024 : i32
      %parallel_loop3A_696 = arith.constant 0 : i32
      %parallel_loop3A_697 = arith.cmpi eq, %parallel_loop3A_695, %parallel_loop3A_696 : i32
      %parallel_loop3A_698 = arith.constant 1 : i32
      %parallel_loop3A_699 = arith.select %parallel_loop3A_697, %parallel_loop3A_698, %parallel_loop3A_695 : i32
      %parallel_loop3A_700 = arith.remsi %parallel_loop3A_670, %parallel_loop3A_699 : i32
      %parallel_loop3A_701 = arith.constant 0 : i32
      %parallel_loop3A_702 = arith.cmpi ne, %parallel_loop3A_700, %parallel_loop3A_701 : i32
      %parallel_loop3A_703 = arith.constant 0 : i32
      %parallel_loop3A_704 = arith.cmpi slt, %parallel_loop3A_700, %parallel_loop3A_703 : i32
      %parallel_loop3A_705 = arith.constant 0 : i32
      %parallel_loop3A_706 = arith.cmpi slt, %parallel_loop3A_699, %parallel_loop3A_705 : i32
      %parallel_loop3A_707 = arith.xori %parallel_loop3A_704, %parallel_loop3A_706 : i1
      %parallel_loop3A_708 = arith.andi %parallel_loop3A_707, %parallel_loop3A_702 : i1
      %parallel_loop3A_709 = arith.addi %parallel_loop3A_700, %parallel_loop3A_699 : i32
      %parallel_loop3A_710 = arith.select %parallel_loop3A_708, %parallel_loop3A_709, %parallel_loop3A_700 : i32
      %parallel_loop3A_711 = arith.index_cast %parallel_loop3A_694 : i32 to index
      %parallel_loop3A_712 = arith.index_cast %parallel_loop3A_710 : i32 to index
      %parallel_loop3A_713 = tpu.vector_load %arg7[%parallel_loop3A_711, %parallel_loop3A_712] {strides = array<i32>} : memref<16x1024xf32, #tpu.memory_space<vmem>>, vector<1x16xf32>,
      %parallel_loop3A_714 = vector.shape_cast %parallel_loop3A_713 : vector<1x16xf32> to vector<16xf32>
      %parallel_loop3A_715 = arith.index_cast %parallel_loop3A_694 : i32 to index
      %parallel_loop3A_716 = arith.index_cast %parallel_loop3A_710 : i32 to index
      %parallel_loop3A_717 = tpu.vector_load %arg6[%parallel_loop3A_715, %parallel_loop3A_716] {strides = array<i32>} : memref<16x1024xf32, #tpu.memory_space<vmem>>, vector<1x16xf32>,
      %parallel_loop3A_718 = vector.shape_cast %parallel_loop3A_717 : vector<1x16xf32> to vector<16xf32>
      %parallel_loop3A_719 = arith.addf %parallel_loop3A_714, %parallel_loop3A_718 : vector<16xf32>
      %parallel_loop3A_720 = arith.index_cast %parallel_loop3A_694 : i32 to index
      %parallel_loop3A_721 = arith.index_cast %parallel_loop3A_710 : i32 to index
      %parallel_loop3A_722 = tpu.vector_load %arg7[%parallel_loop3A_720, %parallel_loop3A_721] {strides = array<i32>} : memref<16x1024xf32, #tpu.memory_space<vmem>>, vector<1x16xf32>,
      %parallel_loop3A_723 = vector.shape_cast %parallel_loop3A_722 : vector<1x16xf32> to vector<16xf32>
      %parallel_loop3A_724 = vector.shape_cast %parallel_loop3A_719 : vector<16xf32> to vector<1x16xf32>
      tpu.vector_store %arg7[%parallel_loop3A_720, %parallel_loop3A_721], %parallel_loop3A_724 {strides = array<i32>} : memref<16x1024xf32, #tpu.memory_space<vmem>>, vector<1x16xf32>,
    } {sc.loop_unroll_factor = 8 : i64, sc.parallel_access}
    %mul3A_550 = arith.constant 64 : i32
    %mul3A_551 = arith.muli %add3A, %mul3A_550 : i32
    %add3A_552 = arith.constant 48 : i32
    %add3A_553 = arith.addi %mul3A_551, %add3A_552 : i32
    %dma_start3A_554 = arith.constant 0 : i32
    %dma_start3A_555 = arith.constant 0 : i32
    %dma_start3A_556 = tpu.memref_slice %arg4[%dma_start3A_554, %add3A_553, %dma_start3A_555] : memref<4x2048x1024xf32, #tpu.memory_space<hbm>> -> memref<1x16x1024xf32, #tpu.memory_space<hbm>>
    %dma_start3A_557 = tpu.memref_squeeze %dma_start3A_556 : memref<1x16x1024xf32, #tpu.memory_space<hbm>> -> memref<16x1024xf32, #tpu.memory_space<hbm>>
    %dma_start3A_558 = arith.constant 0 : i32
    %dma_start3A_559 = tpu.memref_slice %arg4[%dma_start3A_554, %add3A_553, %dma_start3A_558] : memref<4x2048x1024xf32, #tpu.memory_space<hbm>> -> memref<1x16x1024xf32, #tpu.memory_space<hbm>>
    %dma_start3A_560 = tpu.memref_squeeze %dma_start3A_559 : memref<1x16x1024xf32, #tpu.memory_space<hbm>> -> memref<16x1024xf32, #tpu.memory_space<hbm>>
    tpu.enqueue_dma source(%arg7 : memref<16x1024xf32, #tpu.memory_space<vmem>>) target(%dma_start3A_560 : memref<16x1024xf32, #tpu.memory_space<hbm>>) target_semaphore(%arg17 : memref<!tpu.dma_semaphore, #tpu.memory_space<semaphore_mem>>)
    %dma_wait3A_561 = arith.constant 3 : i32
    %dma_wait3A_562 = arith.constant 0 : i32
    %dma_wait3A_563 = tpu.memref_slice %arg4[%dma_wait3A_561, %add3A_510, %dma_wait3A_562] : memref<4x2048x1024xf32, #tpu.memory_space<hbm>> -> memref<1x16x1024xf32, #tpu.memory_space<hbm>>
    %dma_wait3A_564 = tpu.memref_squeeze %dma_wait3A_563 : memref<1x16x1024xf32, #tpu.memory_space<hbm>> -> memref<16x1024xf32, #tpu.memory_space<hbm>>
    %dma_wait3A_565 = arith.constant 0 : i32
    %dma_wait3A_566 = tpu.memref_slice %arg4[%dma_wait3A_561, %add3A_510, %dma_wait3A_565] : memref<4x2048x1024xf32, #tpu.memory_space<hbm>> -> memref<1x16x1024xf32, #tpu.memory_space<hbm>>
    %dma_wait3A_567 = tpu.memref_squeeze %dma_wait3A_566 : memref<1x16x1024xf32, #tpu.memory_space<hbm>> -> memref<16x1024xf32, #tpu.memory_space<hbm>>
    tpu.wait_dma2 semaphore(%arg20 : memref<!tpu.dma_semaphore, #tpu.memory_space<semaphore_mem>>) src(%arg10 : memref<16x1024xf32, #tpu.memory_space<vmem>>) dst(%dma_wait3A_567 : memref<16x1024xf32, #tpu.memory_space<hbm>>)
    %mul3A_568 = arith.constant 64 : i32
    %mul3A_569 = arith.muli %add3A, %mul3A_568 : i32
    %add3A_570 = arith.constant 48 : i32
    %add3A_571 = arith.addi %mul3A_569, %add3A_570 : i32
    %dma_start3A_572 = arith.constant 3 : i32
    %dma_start3A_573 = arith.constant 0 : i32
    %dma_start3A_574 = tpu.memref_slice %arg2[%dma_start3A_572, %add3A_571, %dma_start3A_573] : memref<4x2048x1024xf32, #tpu.memory_space<hbm>> -> memref<1x16x1024xf32, #tpu.memory_space<hbm>>
    %dma_start3A_575 = tpu.memref_squeeze %dma_start3A_574 : memref<1x16x1024xf32, #tpu.memory_space<hbm>> -> memref<16x1024xf32, #tpu.memory_space<hbm>>
    %dma_start3A_576 = arith.constant 0 : i32
    %dma_start3A_577 = tpu.memref_slice %arg2[%dma_start3A_572, %add3A_571, %dma_start3A_576] : memref<4x2048x1024xf32, #tpu.memory_space<hbm>> -> memref<1x16x1024xf32, #tpu.memory_space<hbm>>
    %dma_start3A_578 = tpu.memref_squeeze %dma_start3A_577 : memref<1x16x1024xf32, #tpu.memory_space<hbm>> -> memref<16x1024xf32, #tpu.memory_space<hbm>>
    tpu.enqueue_dma source(%dma_start3A_578 : memref<16x1024xf32, #tpu.memory_space<hbm>>) target(%arg10 : memref<16x1024xf32, #tpu.memory_space<vmem>>) target_semaphore(%arg16 : memref<!tpu.dma_semaphore, #tpu.memory_space<semaphore_mem>>)
    %dma_wait3A_579 = arith.constant 1 : i32
    %dma_wait3A_580 = arith.constant 0 : i32
    %dma_wait3A_581 = tpu.memref_slice %arg2[%dma_wait3A_579, %add3A_489, %dma_wait3A_580] : memref<4x2048x1024xf32, #tpu.memory_space<hbm>> -> memref<1x16x1024xf32, #tpu.memory_space<hbm>>
    %dma_wait3A_582 = tpu.memref_squeeze %dma_wait3A_581 : memref<1x16x1024xf32, #tpu.memory_space<hbm>> -> memref<16x1024xf32, #tpu.memory_space<hbm>>
    %dma_wait3A_583 = arith.constant 0 : i32
    %dma_wait3A_584 = tpu.memref_slice %arg2[%dma_wait3A_579, %add3A_489, %dma_wait3A_583] : memref<4x2048x1024xf32, #tpu.memory_space<hbm>> -> memref<1x16x1024xf32, #tpu.memory_space<hbm>>
    %dma_wait3A_585 = tpu.memref_squeeze %dma_wait3A_584 : memref<1x16x1024xf32, #tpu.memory_space<hbm>> -> memref<16x1024xf32, #tpu.memory_space<hbm>>
    tpu.wait_dma2 semaphore(%arg14 : memref<!tpu.dma_semaphore, #tpu.memory_space<semaphore_mem>>) src(%dma_wait3A_585 : memref<16x1024xf32, #tpu.memory_space<hbm>>) dst(%arg8 : memref<16x1024xf32, #tpu.memory_space<vmem>>)
    %parallel_loop3A_586 = arith.constant 0 : i32
    %parallel_loop3A_587 = arith.constant 16384 : i32
    %parallel_loop3A_588 = arith.constant 16 : i32
    scf.for %parallel_loop3A_670 = %parallel_loop3A_586 to %parallel_loop3A_587 step %parallel_loop3A_588  : i32 {
      %parallel_loop3A_671 = arith.constant 1024 : i32
      %parallel_loop3A_672 = arith.divsi %parallel_loop3A_670, %parallel_loop3A_671 : i32
      %parallel_loop3A_673 = arith.constant 0 : i32
      %parallel_loop3A_674 = arith.cmpi sgt, %parallel_loop3A_670, %parallel_loop3A_673 : i32
      %parallel_loop3A_675 = arith.extui %parallel_loop3A_674 : i1 to i32
      %parallel_loop3A_676 = arith.constant 0 : i32
      %parallel_loop3A_677 = arith.cmpi slt, %parallel_loop3A_670, %parallel_loop3A_676 : i32
      %parallel_loop3A_678 = arith.extui %parallel_loop3A_677 : i1 to i32
      %parallel_loop3A_679 = arith.subi %parallel_loop3A_675, %parallel_loop3A_678 : i32
      %parallel_loop3A_680 = arith.constant 0 : i32
      %parallel_loop3A_681 = arith.cmpi sgt, %parallel_loop3A_671, %parallel_loop3A_680 : i32
      %parallel_loop3A_682 = arith.extui %parallel_loop3A_681 : i1 to i32
      %parallel_loop3A_683 = arith.constant 0 : i32
      %parallel_loop3A_684 = arith.cmpi slt, %parallel_loop3A_671, %parallel_loop3A_683 : i32
      %parallel_loop3A_685 = arith.extui %parallel_loop3A_684 : i1 to i32
      %parallel_loop3A_686 = arith.subi %parallel_loop3A_682, %parallel_loop3A_685 : i32
      %parallel_loop3A_687 = arith.cmpi ne, %parallel_loop3A_679, %parallel_loop3A_686 : i32
      %parallel_loop3A_688 = arith.remsi %parallel_loop3A_670, %parallel_loop3A_671 : i32
      %parallel_loop3A_689 = arith.constant 0 : i32
      %parallel_loop3A_690 = arith.cmpi ne, %parallel_loop3A_688, %parallel_loop3A_689 : i32
      %parallel_loop3A_691 = arith.andi %parallel_loop3A_687, %parallel_loop3A_690 : i1
      %parallel_loop3A_692 = arith.constant 1 : i32
      %parallel_loop3A_693 = arith.subi %parallel_loop3A_672, %parallel_loop3A_692 : i32
      %parallel_loop3A_694 = arith.select %parallel_loop3A_691, %parallel_loop3A_693, %parallel_loop3A_672 : i32
      %parallel_loop3A_695 = arith.constant 1024 : i32
      %parallel_loop3A_696 = arith.constant 0 : i32
      %parallel_loop3A_697 = arith.cmpi eq, %parallel_loop3A_695, %parallel_loop3A_696 : i32
      %parallel_loop3A_698 = arith.constant 1 : i32
      %parallel_loop3A_699 = arith.select %parallel_loop3A_697, %parallel_loop3A_698, %parallel_loop3A_695 : i32
      %parallel_loop3A_700 = arith.remsi %parallel_loop3A_670, %parallel_loop3A_699 : i32
      %parallel_loop3A_701 = arith.constant 0 : i32
      %parallel_loop3A_702 = arith.cmpi ne, %parallel_loop3A_700, %parallel_loop3A_701 : i32
      %parallel_loop3A_703 = arith.constant 0 : i32
      %parallel_loop3A_704 = arith.cmpi slt, %parallel_loop3A_700, %parallel_loop3A_703 : i32
      %parallel_loop3A_705 = arith.constant 0 : i32
      %parallel_loop3A_706 = arith.cmpi slt, %parallel_loop3A_699, %parallel_loop3A_705 : i32
      %parallel_loop3A_707 = arith.xori %parallel_loop3A_704, %parallel_loop3A_706 : i1
      %parallel_loop3A_708 = arith.andi %parallel_loop3A_707, %parallel_loop3A_702 : i1
      %parallel_loop3A_709 = arith.addi %parallel_loop3A_700, %parallel_loop3A_699 : i32
      %parallel_loop3A_710 = arith.select %parallel_loop3A_708, %parallel_loop3A_709, %parallel_loop3A_700 : i32
      %parallel_loop3A_711 = arith.index_cast %parallel_loop3A_694 : i32 to index
      %parallel_loop3A_712 = arith.index_cast %parallel_loop3A_710 : i32 to index
      %parallel_loop3A_713 = tpu.vector_load %arg8[%parallel_loop3A_711, %parallel_loop3A_712] {strides = array<i32>} : memref<16x1024xf32, #tpu.memory_space<vmem>>, vector<1x16xf32>,
      %parallel_loop3A_714 = vector.shape_cast %parallel_loop3A_713 : vector<1x16xf32> to vector<16xf32>
      %parallel_loop3A_715 = arith.index_cast %parallel_loop3A_694 : i32 to index
      %parallel_loop3A_716 = arith.index_cast %parallel_loop3A_710 : i32 to index
      %parallel_loop3A_717 = tpu.vector_load %arg6[%parallel_loop3A_715, %parallel_loop3A_716] {strides = array<i32>} : memref<16x1024xf32, #tpu.memory_space<vmem>>, vector<1x16xf32>,
      %parallel_loop3A_718 = vector.shape_cast %parallel_loop3A_717 : vector<1x16xf32> to vector<16xf32>
      %parallel_loop3A_719 = arith.addf %parallel_loop3A_714, %parallel_loop3A_718 : vector<16xf32>
      %parallel_loop3A_720 = arith.index_cast %parallel_loop3A_694 : i32 to index
      %parallel_loop3A_721 = arith.index_cast %parallel_loop3A_710 : i32 to index
      %parallel_loop3A_722 = tpu.vector_load %arg8[%parallel_loop3A_720, %parallel_loop3A_721] {strides = array<i32>} : memref<16x1024xf32, #tpu.memory_space<vmem>>, vector<1x16xf32>,
      %parallel_loop3A_723 = vector.shape_cast %parallel_loop3A_722 : vector<1x16xf32> to vector<16xf32>
      %parallel_loop3A_724 = vector.shape_cast %parallel_loop3A_719 : vector<16xf32> to vector<1x16xf32>
      tpu.vector_store %arg8[%parallel_loop3A_720, %parallel_loop3A_721], %parallel_loop3A_724 {strides = array<i32>} : memref<16x1024xf32, #tpu.memory_space<vmem>>, vector<1x16xf32>,
    } {sc.loop_unroll_factor = 8 : i64, sc.parallel_access}
    %mul3A_589 = arith.constant 64 : i32
    %mul3A_590 = arith.muli %add3A, %mul3A_589 : i32
    %add3A_591 = arith.constant 48 : i32
    %add3A_592 = arith.addi %mul3A_590, %add3A_591 : i32
    %dma_start3A_593 = arith.constant 1 : i32
    %dma_start3A_594 = arith.constant 0 : i32
    %dma_start3A_595 = tpu.memref_slice %arg4[%dma_start3A_593, %add3A_592, %dma_start3A_594] : memref<4x2048x1024xf32, #tpu.memory_space<hbm>> -> memref<1x16x1024xf32, #tpu.memory_space<hbm>>
    %dma_start3A_596 = tpu.memref_squeeze %dma_start3A_595 : memref<1x16x1024xf32, #tpu.memory_space<hbm>> -> memref<16x1024xf32, #tpu.memory_space<hbm>>
    %dma_start3A_597 = arith.constant 0 : i32
    %dma_start3A_598 = tpu.memref_slice %arg4[%dma_start3A_593, %add3A_592, %dma_start3A_597] : memref<4x2048x1024xf32, #tpu.memory_space<hbm>> -> memref<1x16x1024xf32, #tpu.memory_space<hbm>>
    %dma_start3A_599 = tpu.memref_squeeze %dma_start3A_598 : memref<1x16x1024xf32, #tpu.memory_space<hbm>> -> memref<16x1024xf32, #tpu.memory_space<hbm>>
    tpu.enqueue_dma source(%arg8 : memref<16x1024xf32, #tpu.memory_space<vmem>>) target(%dma_start3A_599 : memref<16x1024xf32, #tpu.memory_space<hbm>>) target_semaphore(%arg18 : memref<!tpu.dma_semaphore, #tpu.memory_space<semaphore_mem>>)
    %dma_wait3A_600 = arith.constant 2 : i32
    %dma_wait3A_601 = arith.constant 0 : i32
    %dma_wait3A_602 = tpu.memref_slice %arg2[%dma_wait3A_600, %add3A_528, %dma_wait3A_601] : memref<4x2048x1024xf32, #tpu.memory_space<hbm>> -> memref<1x16x1024xf32, #tpu.memory_space<hbm>>
    %dma_wait3A_603 = tpu.memref_squeeze %dma_wait3A_602 : memref<1x16x1024xf32, #tpu.memory_space<hbm>> -> memref<16x1024xf32, #tpu.memory_space<hbm>>
    %dma_wait3A_604 = arith.constant 0 : i32
    %dma_wait3A_605 = tpu.memref_slice %arg2[%dma_wait3A_600, %add3A_528, %dma_wait3A_604] : memref<4x2048x1024xf32, #tpu.memory_space<hbm>> -> memref<1x16x1024xf32, #tpu.memory_space<hbm>>
    %dma_wait3A_606 = tpu.memref_squeeze %dma_wait3A_605 : memref<1x16x1024xf32, #tpu.memory_space<hbm>> -> memref<16x1024xf32, #tpu.memory_space<hbm>>
    tpu.wait_dma2 semaphore(%arg15 : memref<!tpu.dma_semaphore, #tpu.memory_space<semaphore_mem>>) src(%dma_wait3A_606 : memref<16x1024xf32, #tpu.memory_space<hbm>>) dst(%arg9 : memref<16x1024xf32, #tpu.memory_space<vmem>>)
    %parallel_loop3A_607 = arith.constant 0 : i32
    %parallel_loop3A_608 = arith.constant 16384 : i32
    %parallel_loop3A_609 = arith.constant 16 : i32
    scf.for %parallel_loop3A_670 = %parallel_loop3A_607 to %parallel_loop3A_608 step %parallel_loop3A_609  : i32 {
      %parallel_loop3A_671 = arith.constant 1024 : i32
      %parallel_loop3A_672 = arith.divsi %parallel_loop3A_670, %parallel_loop3A_671 : i32
      %parallel_loop3A_673 = arith.constant 0 : i32
      %parallel_loop3A_674 = arith.cmpi sgt, %parallel_loop3A_670, %parallel_loop3A_673 : i32
      %parallel_loop3A_675 = arith.extui %parallel_loop3A_674 : i1 to i32
      %parallel_loop3A_676 = arith.constant 0 : i32
      %parallel_loop3A_677 = arith.cmpi slt, %parallel_loop3A_670, %parallel_loop3A_676 : i32
      %parallel_loop3A_678 = arith.extui %parallel_loop3A_677 : i1 to i32
      %parallel_loop3A_679 = arith.subi %parallel_loop3A_675, %parallel_loop3A_678 : i32
      %parallel_loop3A_680 = arith.constant 0 : i32
      %parallel_loop3A_681 = arith.cmpi sgt, %parallel_loop3A_671, %parallel_loop3A_680 : i32
      %parallel_loop3A_682 = arith.extui %parallel_loop3A_681 : i1 to i32
      %parallel_loop3A_683 = arith.constant 0 : i32
      %parallel_loop3A_684 = arith.cmpi slt, %parallel_loop3A_671, %parallel_loop3A_683 : i32
      %parallel_loop3A_685 = arith.extui %parallel_loop3A_684 : i1 to i32
      %parallel_loop3A_686 = arith.subi %parallel_loop3A_682, %parallel_loop3A_685 : i32
      %parallel_loop3A_687 = arith.cmpi ne, %parallel_loop3A_679, %parallel_loop3A_686 : i32
      %parallel_loop3A_688 = arith.remsi %parallel_loop3A_670, %parallel_loop3A_671 : i32
      %parallel_loop3A_689 = arith.constant 0 : i32
      %parallel_loop3A_690 = arith.cmpi ne, %parallel_loop3A_688, %parallel_loop3A_689 : i32
      %parallel_loop3A_691 = arith.andi %parallel_loop3A_687, %parallel_loop3A_690 : i1
      %parallel_loop3A_692 = arith.constant 1 : i32
      %parallel_loop3A_693 = arith.subi %parallel_loop3A_672, %parallel_loop3A_692 : i32
      %parallel_loop3A_694 = arith.select %parallel_loop3A_691, %parallel_loop3A_693, %parallel_loop3A_672 : i32
      %parallel_loop3A_695 = arith.constant 1024 : i32
      %parallel_loop3A_696 = arith.constant 0 : i32
      %parallel_loop3A_697 = arith.cmpi eq, %parallel_loop3A_695, %parallel_loop3A_696 : i32
      %parallel_loop3A_698 = arith.constant 1 : i32
      %parallel_loop3A_699 = arith.select %parallel_loop3A_697, %parallel_loop3A_698, %parallel_loop3A_695 : i32
      %parallel_loop3A_700 = arith.remsi %parallel_loop3A_670, %parallel_loop3A_699 : i32
      %parallel_loop3A_701 = arith.constant 0 : i32
      %parallel_loop3A_702 = arith.cmpi ne, %parallel_loop3A_700, %parallel_loop3A_701 : i32
      %parallel_loop3A_703 = arith.constant 0 : i32
      %parallel_loop3A_704 = arith.cmpi slt, %parallel_loop3A_700, %parallel_loop3A_703 : i32
      %parallel_loop3A_705 = arith.constant 0 : i32
      %parallel_loop3A_706 = arith.cmpi slt, %parallel_loop3A_699, %parallel_loop3A_705 : i32
      %parallel_loop3A_707 = arith.xori %parallel_loop3A_704, %parallel_loop3A_706 : i1
      %parallel_loop3A_708 = arith.andi %parallel_loop3A_707, %parallel_loop3A_702 : i1
      %parallel_loop3A_709 = arith.addi %parallel_loop3A_700, %parallel_loop3A_699 : i32
      %parallel_loop3A_710 = arith.select %parallel_loop3A_708, %parallel_loop3A_709, %parallel_loop3A_700 : i32
      %parallel_loop3A_711 = arith.index_cast %parallel_loop3A_694 : i32 to index
      %parallel_loop3A_712 = arith.index_cast %parallel_loop3A_710 : i32 to index
      %parallel_loop3A_713 = tpu.vector_load %arg9[%parallel_loop3A_711, %parallel_loop3A_712] {strides = array<i32>} : memref<16x1024xf32, #tpu.memory_space<vmem>>, vector<1x16xf32>,
      %parallel_loop3A_714 = vector.shape_cast %parallel_loop3A_713 : vector<1x16xf32> to vector<16xf32>
      %parallel_loop3A_715 = arith.index_cast %parallel_loop3A_694 : i32 to index
      %parallel_loop3A_716 = arith.index_cast %parallel_loop3A_710 : i32 to index
      %parallel_loop3A_717 = tpu.vector_load %arg6[%parallel_loop3A_715, %parallel_loop3A_716] {strides = array<i32>} : memref<16x1024xf32, #tpu.memory_space<vmem>>, vector<1x16xf32>,
      %parallel_loop3A_718 = vector.shape_cast %parallel_loop3A_717 : vector<1x16xf32> to vector<16xf32>
      %parallel_loop3A_719 = arith.addf %parallel_loop3A_714, %parallel_loop3A_718 : vector<16xf32>
      %parallel_loop3A_720 = arith.index_cast %parallel_loop3A_694 : i32 to index
      %parallel_loop3A_721 = arith.index_cast %parallel_loop3A_710 : i32 to index
      %parallel_loop3A_722 = tpu.vector_load %arg9[%parallel_loop3A_720, %parallel_loop3A_721] {strides = array<i32>} : memref<16x1024xf32, #tpu.memory_space<vmem>>, vector<1x16xf32>,
      %parallel_loop3A_723 = vector.shape_cast %parallel_loop3A_722 : vector<1x16xf32> to vector<16xf32>
      %parallel_loop3A_724 = vector.shape_cast %parallel_loop3A_719 : vector<16xf32> to vector<1x16xf32>
      tpu.vector_store %arg9[%parallel_loop3A_720, %parallel_loop3A_721], %parallel_loop3A_724 {strides = array<i32>} : memref<16x1024xf32, #tpu.memory_space<vmem>>, vector<1x16xf32>,
    } {sc.loop_unroll_factor = 8 : i64, sc.parallel_access}
    %mul3A_610 = arith.constant 64 : i32
    %mul3A_611 = arith.muli %add3A, %mul3A_610 : i32
    %add3A_612 = arith.constant 48 : i32
    %add3A_613 = arith.addi %mul3A_611, %add3A_612 : i32
    %dma_start3A_614 = arith.constant 2 : i32
    %dma_start3A_615 = arith.constant 0 : i32
    %dma_start3A_616 = tpu.memref_slice %arg4[%dma_start3A_614, %add3A_613, %dma_start3A_615] : memref<4x2048x1024xf32, #tpu.memory_space<hbm>> -> memref<1x16x1024xf32, #tpu.memory_space<hbm>>
    %dma_start3A_617 = tpu.memref_squeeze %dma_start3A_616 : memref<1x16x1024xf32, #tpu.memory_space<hbm>> -> memref<16x1024xf32, #tpu.memory_space<hbm>>
    %dma_start3A_618 = arith.constant 0 : i32
    %dma_start3A_619 = tpu.memref_slice %arg4[%dma_start3A_614, %add3A_613, %dma_start3A_618] : memref<4x2048x1024xf32, #tpu.memory_space<hbm>> -> memref<1x16x1024xf32, #tpu.memory_space<hbm>>
    %dma_start3A_620 = tpu.memref_squeeze %dma_start3A_619 : memref<1x16x1024xf32, #tpu.memory_space<hbm>> -> memref<16x1024xf32, #tpu.memory_space<hbm>>
    tpu.enqueue_dma source(%arg9 : memref<16x1024xf32, #tpu.memory_space<vmem>>) target(%dma_start3A_620 : memref<16x1024xf32, #tpu.memory_space<hbm>>) target_semaphore(%arg19 : memref<!tpu.dma_semaphore, #tpu.memory_space<semaphore_mem>>)
    %dma_wait3A_621 = arith.constant 3 : i32
    %dma_wait3A_622 = arith.constant 0 : i32
    %dma_wait3A_623 = tpu.memref_slice %arg2[%dma_wait3A_621, %add3A_571, %dma_wait3A_622] : memref<4x2048x1024xf32, #tpu.memory_space<hbm>> -> memref<1x16x1024xf32, #tpu.memory_space<hbm>>
    %dma_wait3A_624 = tpu.memref_squeeze %dma_wait3A_623 : memref<1x16x1024xf32, #tpu.memory_space<hbm>> -> memref<16x1024xf32, #tpu.memory_space<hbm>>
    %dma_wait3A_625 = arith.constant 0 : i32
    %dma_wait3A_626 = tpu.memref_slice %arg2[%dma_wait3A_621, %add3A_571, %dma_wait3A_625] : memref<4x2048x1024xf32, #tpu.memory_space<hbm>> -> memref<1x16x1024xf32, #tpu.memory_space<hbm>>
    %dma_wait3A_627 = tpu.memref_squeeze %dma_wait3A_626 : memref<1x16x1024xf32, #tpu.memory_space<hbm>> -> memref<16x1024xf32, #tpu.memory_space<hbm>>
    tpu.wait_dma2 semaphore(%arg16 : memref<!tpu.dma_semaphore, #tpu.memory_space<semaphore_mem>>) src(%dma_wait3A_627 : memref<16x1024xf32, #tpu.memory_space<hbm>>) dst(%arg10 : memref<16x1024xf32, #tpu.memory_space<vmem>>)
    %parallel_loop3A_628 = arith.constant 0 : i32
    %parallel_loop3A_629 = arith.constant 16384 : i32
    %parallel_loop3A_630 = arith.constant 16 : i32
    scf.for %parallel_loop3A_670 = %parallel_loop3A_628 to %parallel_loop3A_629 step %parallel_loop3A_630  : i32 {
      %parallel_loop3A_671 = arith.constant 1024 : i32
      %parallel_loop3A_672 = arith.divsi %parallel_loop3A_670, %parallel_loop3A_671 : i32
      %parallel_loop3A_673 = arith.constant 0 : i32
      %parallel_loop3A_674 = arith.cmpi sgt, %parallel_loop3A_670, %parallel_loop3A_673 : i32
      %parallel_loop3A_675 = arith.extui %parallel_loop3A_674 : i1 to i32
      %parallel_loop3A_676 = arith.constant 0 : i32
      %parallel_loop3A_677 = arith.cmpi slt, %parallel_loop3A_670, %parallel_loop3A_676 : i32
      %parallel_loop3A_678 = arith.extui %parallel_loop3A_677 : i1 to i32
      %parallel_loop3A_679 = arith.subi %parallel_loop3A_675, %parallel_loop3A_678 : i32
      %parallel_loop3A_680 = arith.constant 0 : i32
      %parallel_loop3A_681 = arith.cmpi sgt, %parallel_loop3A_671, %parallel_loop3A_680 : i32
      %parallel_loop3A_682 = arith.extui %parallel_loop3A_681 : i1 to i32
      %parallel_loop3A_683 = arith.constant 0 : i32
      %parallel_loop3A_684 = arith.cmpi slt, %parallel_loop3A_671, %parallel_loop3A_683 : i32
      %parallel_loop3A_685 = arith.extui %parallel_loop3A_684 : i1 to i32
      %parallel_loop3A_686 = arith.subi %parallel_loop3A_682, %parallel_loop3A_685 : i32
      %parallel_loop3A_687 = arith.cmpi ne, %parallel_loop3A_679, %parallel_loop3A_686 : i32
      %parallel_loop3A_688 = arith.remsi %parallel_loop3A_670, %parallel_loop3A_671 : i32
      %parallel_loop3A_689 = arith.constant 0 : i32
      %parallel_loop3A_690 = arith.cmpi ne, %parallel_loop3A_688, %parallel_loop3A_689 : i32
      %parallel_loop3A_691 = arith.andi %parallel_loop3A_687, %parallel_loop3A_690 : i1
      %parallel_loop3A_692 = arith.constant 1 : i32
      %parallel_loop3A_693 = arith.subi %parallel_loop3A_672, %parallel_loop3A_692 : i32
      %parallel_loop3A_694 = arith.select %parallel_loop3A_691, %parallel_loop3A_693, %parallel_loop3A_672 : i32
      %parallel_loop3A_695 = arith.constant 1024 : i32
      %parallel_loop3A_696 = arith.constant 0 : i32
      %parallel_loop3A_697 = arith.cmpi eq, %parallel_loop3A_695, %parallel_loop3A_696 : i32
      %parallel_loop3A_698 = arith.constant 1 : i32
      %parallel_loop3A_699 = arith.select %parallel_loop3A_697, %parallel_loop3A_698, %parallel_loop3A_695 : i32
      %parallel_loop3A_700 = arith.remsi %parallel_loop3A_670, %parallel_loop3A_699 : i32
      %parallel_loop3A_701 = arith.constant 0 : i32
      %parallel_loop3A_702 = arith.cmpi ne, %parallel_loop3A_700, %parallel_loop3A_701 : i32
      %parallel_loop3A_703 = arith.constant 0 : i32
      %parallel_loop3A_704 = arith.cmpi slt, %parallel_loop3A_700, %parallel_loop3A_703 : i32
      %parallel_loop3A_705 = arith.constant 0 : i32
      %parallel_loop3A_706 = arith.cmpi slt, %parallel_loop3A_699, %parallel_loop3A_705 : i32
      %parallel_loop3A_707 = arith.xori %parallel_loop3A_704, %parallel_loop3A_706 : i1
      %parallel_loop3A_708 = arith.andi %parallel_loop3A_707, %parallel_loop3A_702 : i1
      %parallel_loop3A_709 = arith.addi %parallel_loop3A_700, %parallel_loop3A_699 : i32
      %parallel_loop3A_710 = arith.select %parallel_loop3A_708, %parallel_loop3A_709, %parallel_loop3A_700 : i32
      %parallel_loop3A_711 = arith.index_cast %parallel_loop3A_694 : i32 to index
      %parallel_loop3A_712 = arith.index_cast %parallel_loop3A_710 : i32 to index
      %parallel_loop3A_713 = tpu.vector_load %arg10[%parallel_loop3A_711, %parallel_loop3A_712] {strides = array<i32>} : memref<16x1024xf32, #tpu.memory_space<vmem>>, vector<1x16xf32>,
      %parallel_loop3A_714 = vector.shape_cast %parallel_loop3A_713 : vector<1x16xf32> to vector<16xf32>
      %parallel_loop3A_715 = arith.index_cast %parallel_loop3A_694 : i32 to index
      %parallel_loop3A_716 = arith.index_cast %parallel_loop3A_710 : i32 to index
      %parallel_loop3A_717 = tpu.vector_load %arg6[%parallel_loop3A_715, %parallel_loop3A_716] {strides = array<i32>} : memref<16x1024xf32, #tpu.memory_space<vmem>>, vector<1x16xf32>,
      %parallel_loop3A_718 = vector.shape_cast %parallel_loop3A_717 : vector<1x16xf32> to vector<16xf32>
      %parallel_loop3A_719 = arith.addf %parallel_loop3A_714, %parallel_loop3A_718 : vector<16xf32>
      %parallel_loop3A_720 = arith.index_cast %parallel_loop3A_694 : i32 to index
      %parallel_loop3A_721 = arith.index_cast %parallel_loop3A_710 : i32 to index
      %parallel_loop3A_722 = tpu.vector_load %arg10[%parallel_loop3A_720, %parallel_loop3A_721] {strides = array<i32>} : memref<16x1024xf32, #tpu.memory_space<vmem>>, vector<1x16xf32>,
      %parallel_loop3A_723 = vector.shape_cast %parallel_loop3A_722 : vector<1x16xf32> to vector<16xf32>
      %parallel_loop3A_724 = vector.shape_cast %parallel_loop3A_719 : vector<16xf32> to vector<1x16xf32>
      tpu.vector_store %arg10[%parallel_loop3A_720, %parallel_loop3A_721], %parallel_loop3A_724 {strides = array<i32>} : memref<16x1024xf32, #tpu.memory_space<vmem>>, vector<1x16xf32>,
    } {sc.loop_unroll_factor = 8 : i64, sc.parallel_access}
    %mul3A_631 = arith.constant 64 : i32
    %mul3A_632 = arith.muli %add3A, %mul3A_631 : i32
    %add3A_633 = arith.constant 48 : i32
    %add3A_634 = arith.addi %mul3A_632, %add3A_633 : i32
    %dma_start3A_635 = arith.constant 3 : i32
    %dma_start3A_636 = arith.constant 0 : i32
    %dma_start3A_637 = tpu.memref_slice %arg4[%dma_start3A_635, %add3A_634, %dma_start3A_636] : memref<4x2048x1024xf32, #tpu.memory_space<hbm>> -> memref<1x16x1024xf32, #tpu.memory_space<hbm>>
    %dma_start3A_638 = tpu.memref_squeeze %dma_start3A_637 : memref<1x16x1024xf32, #tpu.memory_space<hbm>> -> memref<16x1024xf32, #tpu.memory_space<hbm>>
    %dma_start3A_639 = arith.constant 0 : i32
    %dma_start3A_640 = tpu.memref_slice %arg4[%dma_start3A_635, %add3A_634, %dma_start3A_639] : memref<4x2048x1024xf32, #tpu.memory_space<hbm>> -> memref<1x16x1024xf32, #tpu.memory_space<hbm>>
    %dma_start3A_641 = tpu.memref_squeeze %dma_start3A_640 : memref<1x16x1024xf32, #tpu.memory_space<hbm>> -> memref<16x1024xf32, #tpu.memory_space<hbm>>
    tpu.enqueue_dma source(%arg10 : memref<16x1024xf32, #tpu.memory_space<vmem>>) target(%dma_start3A_641 : memref<16x1024xf32, #tpu.memory_space<hbm>>) target_semaphore(%arg20 : memref<!tpu.dma_semaphore, #tpu.memory_space<semaphore_mem>>)
    %dma_wait3A_642 = arith.constant 0 : i32
    %dma_wait3A_643 = arith.constant 0 : i32
    %dma_wait3A_644 = tpu.memref_slice %arg4[%dma_wait3A_642, %add3A_553, %dma_wait3A_643] : memref<4x2048x1024xf32, #tpu.memory_space<hbm>> -> memref<1x16x1024xf32, #tpu.memory_space<hbm>>
    %dma_wait3A_645 = tpu.memref_squeeze %dma_wait3A_644 : memref<1x16x1024xf32, #tpu.memory_space<hbm>> -> memref<16x1024xf32, #tpu.memory_space<hbm>>
    %dma_wait3A_646 = arith.constant 0 : i32
    %dma_wait3A_647 = tpu.memref_slice %arg4[%dma_wait3A_642, %add3A_553, %dma_wait3A_646] : memref<4x2048x1024xf32, #tpu.memory_space<hbm>> -> memref<1x16x1024xf32, #tpu.memory_space<hbm>>
    %dma_wait3A_648 = tpu.memref_squeeze %dma_wait3A_647 : memref<1x16x1024xf32, #tpu.memory_space<hbm>> -> memref<16x1024xf32, #tpu.memory_space<hbm>>
    tpu.wait_dma2 semaphore(%arg17 : memref<!tpu.dma_semaphore, #tpu.memory_space<semaphore_mem>>) src(%arg7 : memref<16x1024xf32, #tpu.memory_space<vmem>>) dst(%dma_wait3A_648 : memref<16x1024xf32, #tpu.memory_space<hbm>>)
    %dma_wait3A_649 = arith.constant 1 : i32
    %dma_wait3A_650 = arith.constant 0 : i32
    %dma_wait3A_651 = tpu.memref_slice %arg4[%dma_wait3A_649, %add3A_592, %dma_wait3A_650] : memref<4x2048x1024xf32, #tpu.memory_space<hbm>> -> memref<1x16x1024xf32, #tpu.memory_space<hbm>>
    %dma_wait3A_652 = tpu.memref_squeeze %dma_wait3A_651 : memref<1x16x1024xf32, #tpu.memory_space<hbm>> -> memref<16x1024xf32, #tpu.memory_space<hbm>>
    %dma_wait3A_653 = arith.constant 0 : i32
    %dma_wait3A_654 = tpu.memref_slice %arg4[%dma_wait3A_649, %add3A_592, %dma_wait3A_653] : memref<4x2048x1024xf32, #tpu.memory_space<hbm>> -> memref<1x16x1024xf32, #tpu.memory_space<hbm>>
    %dma_wait3A_655 = tpu.memref_squeeze %dma_wait3A_654 : memref<1x16x1024xf32, #tpu.memory_space<hbm>> -> memref<16x1024xf32, #tpu.memory_space<hbm>>
    tpu.wait_dma2 semaphore(%arg18 : memref<!tpu.dma_semaphore, #tpu.memory_space<semaphore_mem>>) src(%arg8 : memref<16x1024xf32, #tpu.memory_space<vmem>>) dst(%dma_wait3A_655 : memref<16x1024xf32, #tpu.memory_space<hbm>>)
    %dma_wait3A_656 = arith.constant 2 : i32
    %dma_wait3A_657 = arith.constant 0 : i32
    %dma_wait3A_658 = tpu.memref_slice %arg4[%dma_wait3A_656, %add3A_613, %dma_wait3A_657] : memref<4x2048x1024xf32, #tpu.memory_space<hbm>> -> memref<1x16x1024xf32, #tpu.memory_space<hbm>>
    %dma_wait3A_659 = tpu.memref_squeeze %dma_wait3A_658 : memref<1x16x1024xf32, #tpu.memory_space<hbm>> -> memref<16x1024xf32, #tpu.memory_space<hbm>>
    %dma_wait3A_660 = arith.constant 0 : i32
    %dma_wait3A_661 = tpu.memref_slice %arg4[%dma_wait3A_656, %add3A_613, %dma_wait3A_660] : memref<4x2048x1024xf32, #tpu.memory_space<hbm>> -> memref<1x16x1024xf32, #tpu.memory_space<hbm>>
    %dma_wait3A_662 = tpu.memref_squeeze %dma_wait3A_661 : memref<1x16x1024xf32, #tpu.memory_space<hbm>> -> memref<16x1024xf32, #tpu.memory_space<hbm>>
    tpu.wait_dma2 semaphore(%arg19 : memref<!tpu.dma_semaphore, #tpu.memory_space<semaphore_mem>>) src(%arg9 : memref<16x1024xf32, #tpu.memory_space<vmem>>) dst(%dma_wait3A_662 : memref<16x1024xf32, #tpu.memory_space<hbm>>)
    %dma_wait3A_663 = arith.constant 3 : i32
    %dma_wait3A_664 = arith.constant 0 : i32
    %dma_wait3A_665 = tpu.memref_slice %arg4[%dma_wait3A_663, %add3A_634, %dma_wait3A_664] : memref<4x2048x1024xf32, #tpu.memory_space<hbm>> -> memref<1x16x1024xf32, #tpu.memory_space<hbm>>
    %dma_wait3A_666 = tpu.memref_squeeze %dma_wait3A_665 : memref<1x16x1024xf32, #tpu.memory_space<hbm>> -> memref<16x1024xf32, #tpu.memory_space<hbm>>
    %dma_wait3A_667 = arith.constant 0 : i32
    %dma_wait3A_668 = tpu.memref_slice %arg4[%dma_wait3A_663, %add3A_634, %dma_wait3A_667] : memref<4x2048x1024xf32, #tpu.memory_space<hbm>> -> memref<1x16x1024xf32, #tpu.memory_space<hbm>>
    %dma_wait3A_669 = tpu.memref_squeeze %dma_wait3A_668 : memref<1x16x1024xf32, #tpu.memory_space<hbm>> -> memref<16x1024xf32, #tpu.memory_space<hbm>>
    tpu.wait_dma2 semaphore(%arg20 : memref<!tpu.dma_semaphore, #tpu.memory_space<semaphore_mem>>) src(%arg10 : memref<16x1024xf32, #tpu.memory_space<vmem>>) dst(%dma_wait3A_669 : memref<16x1024xf32, #tpu.memory_space<hbm>>)
    return
  }
}

</mosaic_0001>

<sc_bundles>
// kernel: kernel.3.cloned.1.call-start
scs
__scs_entry_jumppad:
0x0: {  	(pc) =	sbr.rel $0x88, $3  }
0x1: {  	(tag) =	ssettag $0x0;
	lr =	simm.s32 $0x1  }
0x2: {  	[smem:$0x3F9F] =	sst lr;
	_ =	strace $0xD0000000  }
0x3: {  	_ = 	snop  }
0x4: {  	_ = 	snop  }
0x5: {  	_ = 	snop  }
0x6: {  	_ = 	snop  }
0x7: {  	_ = 	snop  }
__scs_overlays_trampoline_lowered:
0x8: {  	[smem:$0x3FAE] =	sst s0  }
0x9: {  	[smem:$0x3FAF] =	sst s1  }
0xa: {  	[smem:$0x3FB0] =	sst s2  }
0xb: {  	[smem:$0x3FB1] =	sst s3  }
0xc: {  	[smem:$0x3FB2] =	sst s4  }
0xd: {  	[smem:$0x3FB3] =	sst s5  }
0xe: {  	[smem:$0x3FB4] =	sst s6  }
0xf: {  	[smem:$0x3FB5] =	sst s7  }
0x10: {  	[smem:$0x3FB6] =	sst s8  }
0x11: {  	[smem:$0x3FB7] =	sst s9;
	s0 =	simm.s32 @!p0 $0x0  }
0x12: {  	s1 =	sld [smem:$0x3F9D];
	s0 =	simm.s32 @p0 $0x1  }
0x13: {  	[smem:$0x3FB8] =	sst s0;
	s0 =	simm.s32 @!p1 $0x0  }
0x14: {  	s2 =	sld [smem:$0x3F9C];
	s0 =	simm.s32 @p1 $0x1  }
0x15: {  	[smem:$0x3FB9] =	sst s0;
	s0 =	simm.s32 @!p2 $0x0  }
0x16: {  	s3 =	sld [smem:$0x3FDB];
	s0 =	simm.s32 @p2 $0x1  }
0x17: {  	s4 =	simm.s32 $0x1BF5;
	[smem:$0x3FBB] =	sst s0  }
0x18: {  	s0 =	sld [smem:$0x3F9E];
	_ =	swait.ge [sflag:s4], $0x0  }
0x19: {  	s7 =	sld [smem:$0x3F9F]  }
0x1a: {  	s8 =	sadd.s32 $0xFFFFE003, lr  }
0x1b: {  	s9 =	sadd.s32 $0xFFFFFEF7, lr;
	s5 =	simm.s32 $0xFFFFFFFF;
	p2 =	slt.u32 s8, $0xFFFFF086  }
0x1c: {  	p1 =	slt.u32 s9, $0xF7A;
	s5 =	simm.s32 @!p2 $0x0  }
0x1d: {  	s5 =	simm.s32 @p1 $0x1;
	p0 =	seq.s32 s7, s2  }
0x1e: {  	s7 =	smul.u32 @!p0 $0xF7A, s2;
	p2 =	seq.s32 @!p0 s5, $0x0  }
0x1f: {  	s9 =	smul.u32 $0xF7A, s1;
	s8 =	simm.s32 @!p0 $0x1BF5;
	p2 =	por !p2, p0  }
0x20: {  	[sflag:s8] =	ssyncset.s32 @!p0 $0xFFFFF086;
	s6 =	sadd.s32 @!p0 s3, s7;
	s7 =	simm.s32 @!p0 $0x108  }
0x21: {  	s3 =	sadd.s32 s3, s9;
	s6 =	sadd.s32 @!p0 $0x88, s6;
	s7 =	simm.s32 @p2 $0x1082  }
0x22: {  	[simem:s7], [sflag:s8] =	dma.local @!p0 [hbm:s6], $0xF7A  }
0x23: {  	s9 =	sor.u32 $0xD0000000, s2;
	s6 =	simm.s32 $0x108;
	_ =	swait.ge @!p0 [sflag:s8], $0x0  }
0x24: {  	s3 =	sadd.s32 $0x88, s3;
	s6 =	simm.s32 @!p1 $0x1082;
	[sflag:s4] =	ssyncset.s32 $0xFFFFF086  }
0x25: {  	[simem:s6], [sflag:s4] =	dma.local [hbm:s3], $0xF7A  }
0x26: {  	[smem:$0x3F9F] =	sst s1;
	(tag) =	ssettag s2;
	_ =	strace s9  }
0x27: {  	s1 =	sld [smem:$0x3FAF]  }
0x28: {  	s2 =	sld [smem:$0x3FB0]  }
0x29: {  	s4 =	sld [smem:$0x3FB2]  }
0x2a: {  	p0 =	seq.s32 s5, $0x0;
	s5 =	sld [smem:$0x3FB3]  }
0x2b: {  	s6 =	sld [smem:$0x3FB4]  }
0x2c: {  	s7 =	sld [smem:$0x3FB5]  }
0x2d: {  	s3 =	simm.s32 $0x108;
	s8 =	sld [smem:$0x3FB6]  }
0x2e: {  	s3 =	simm.s32 @!p0 $0x1082;
	s9 =	sld [smem:$0x3FB7]  }
0x2f: {  	lr =	sadd.s32 s0, s3;
	s0 =	sld [smem:$0x3FAE]  }
0x30: {  	s3 =	sld [smem:$0x3FB1]  }
0x31: {  	[smem:$0x3FBA] =	sst s10  }
0x32: {  	s10 =	sld [smem:$0x3FB8];
	_ =	sdelay $0x3  }
0x33: {  	p0 =	seq.s32 s10, $0x1;
	s10 =	sld [smem:$0x3FBA];
	_ =	sdelay $0x3  }
0x34: {  	[smem:$0x3FBA] =	sst s10  }
0x35: {  	s10 =	sld [smem:$0x3FB9];
	_ =	sdelay $0x3  }
0x36: {  	p1 =	seq.s32 s10, $0x1;
	s10 =	sld [smem:$0x3FBA];
	_ =	sdelay $0x3  }
0x37: {  	[smem:$0x3FBA] =	sst s10  }
0x38: {  	s10 =	sld [smem:$0x3FBB]  }
0x39: {  	_ = 	snop;
	(pc) =	sbr.ind lr, $3  }
0x3a: {  	_ = 	snop  }
0x3b: {  	_ = 	snop  }
0x3c: {  	p2 =	seq.s32 s10, $0x1;
	s10 =	sld [smem:$0x3FBA]  }
0x3d: {  	_ =	shalt  }
0x3e: {  	_ =	shalt  }
0x3f: {  	_ =	shalt  }
0x40: {  	_ =	shalt  }
0x41: {  	_ =	shalt  }
0x42: {  	_ =	shalt  }
0x43: {  	_ =	shalt  }
0x44: {  	_ =	shalt  }
0x45: {  	_ =	shalt  }
0x46: {  	_ =	shalt  }
0x47: {  	_ =	shalt  }
0x48: {  	_ =	shalt  }
0x49: {  	_ =	shalt  }
0x4a: {  	_ =	shalt  }
0x4b: {  	_ =	shalt  }
0x4c: {  	_ =	shalt  }
0x4d: {  	_ =	shalt  }
0x4e: {  	_ =	shalt  }
0x4f: {  	_ =	shalt  }
0x50: {  	_ =	shalt  }
0x51: {  	_ =	shalt  }
0x52: {  	_ =	shalt  }
0x53: {  	_ =	shalt  }
0x54: {  	_ =	shalt  }
0x55: {  	_ =	shalt  }
0x56: {  	_ =	shalt  }
0x57: {  	_ =	shalt  }
0x58: {  	_ =	shalt  }
0x59: {  	_ =	shalt  }
0x5a: {  	_ =	shalt  }
0x5b: {  	_ =	shalt  }
0x5c: {  	_ =	shalt  }
0x5d: {  	_ =	shalt  }
0x5e: {  	_ =	shalt  }
0x5f: {  	_ =	shalt  }
0x60: {  	_ =	shalt  }
0x61: {  	_ =	shalt  }
0x62: {  	_ =	shalt  }
0x63: {  	_ =	shalt  }
0x64: {  	_ =	shalt  }
0x65: {  	_ =	shalt  }
0x66: {  	_ =	shalt  }
0x67: {  	_ =	shalt  }
0x68: {  	_ =	shalt  }
0x69: {  	_ =	shalt  }
0x6a: {  	_ =	shalt  }
0x6b: {  	_ =	shalt  }
0x6c: {  	_ =	shalt  }
0x6d: {  	_ =	shalt  }
0x6e: {  	_ =	shalt  }
0x6f: {  	_ =	shalt  }
0x70: {  	_ =	shalt  }
0x71: {  	_ =	shalt  }
0x72: {  	_ =	shalt  }
0x73: {  	_ =	shalt  }
0x74: {  	_ =	shalt  }
0x75: {  	_ =	shalt  }
0x76: {  	_ =	shalt  }
0x77: {  	_ =	shalt  }
0x78: {  	_ =	shalt  }
0x79: {  	_ =	shalt  }
0x7a: {  	_ =	shalt  }
0x7b: {  	_ =	shalt  }
0x7c: {  	_ =	shalt  }
0x7d: {  	_ =	shalt  }
0x7e: {  	_ =	shalt  }
0x7f: {  	_ =	shalt  }
0x80: {  	_ =	shalt  }
0x81: {  	_ =	shalt  }
0x82: {  	_ =	shalt  }
0x83: {  	_ =	shalt  }
0x84: {  	_ =	shalt  }
0x85: {  	_ =	shalt  }
0x86: {  	_ =	shalt  }
0x87: {  	_ =	shalt  }
.Lfunc_end0:
.L_simem_size_0:
called_computation_lowered:
.L_overlay_start_0:
0x88: {  	s2 =	sld [smem:$0x3FD9]  }
0x89: {  	s3 =	sld [smem:$0x3FFE];
	_ =	sdelay $0x1  }
0x8a: {  	s1 =	srdreg.scid  }
0x8b: {  	s0 =	sand.u32 $0x1, s1  }
0x8c: {  	s18 =	sshll.u32 s0, $0xA;
	s2 =	sadd.s32 s3, s2  }
0x8d: {  	s2 =	sadd.s32 s2, s18  }
0x8e: {  	[smem:$0x3FC6] =	sst s2  }
0x8f: {  	_ = 	snop  }
0x90: {  	s2 =	sld [smem:$0x3FC9]  }
0x91: {  	s19 =	sld [smem:$0x3FC8]  }
0x92: {  	s4 =	sld [smem:$0x3FD0];
	(tm) =	ssettm $0x1  }
0x93: {  	s5 =	sld [smem:$0x3FFB];
	_ =	sdelay $0x3  }
0x94: {  	_ =	strace s5  }
0x95: {  	s5 =	sld [smem:$0x3FFC];
	_ =	sdelay $0x3  }
0x96: {  	_ =	strace s5  }
0x97: {  	s5 =	sld [smem:$0x3FFD];
	_ =	sdelay $0x3  }
0x98: {  	_ =	strace s5  }
0x99: {  	_ =	strace $0x8FFFFFFF  }
0x9a: {  	s20 =	sld [smem:$0x3FDB];
	_ =	sdelay $0x1  }
0x9b: {  	s6 =	simm.s32 $_scs_section_size  }
0x9c: {  	s7 =	simm.s32 $_size__tile_overlayer_lowered;
	s8 =	simm.s32 $_tile_overlayer_lowered  }
0x9d: {  	s23 =	simm.s32 $0x1BFF;
	s22 =	sshll.u32 s8, $0x1;
	s5 =	sadd.s32 s6, s20  }
0x9e: {  	s9 =	simm.s32 $0x0;
	s21 =	sshll.u32 s7, $0x1;
	s7 =	sadd.s32 s22, s5  }
0x9f: {  	[timem:s9], [sflag:s23] =	dma.local [hbm:s7], s21  }
0xa0: {  	_ =	swait.ge [sflag:s23], s21  }
0xa1: {  	s6 =	ssub.s32 $0x0, s21;
	[sflag:s23] =	ssyncset.done $0x0  }
0xa2: {  	[sflag:s23] =	ssyncadd.s32 s6;
	_ =	sdelay $0x1  }
0xa3: {  	s24 =	simm.s32 $0x1B8B  }
0xa4: {  	_ =	swait.ge [sflag:s24], $0x1  }
0xa5: {  	[sflag:s24] =	ssyncset.done $0x0  }
0xa6: {  	s25 =	simm.s32 $0x1B8E;
	[sflag:s24] =	ssyncadd.s32 $0xFFFFFFFF  }
0xa7: {  	s26 =	simm.s32 $execute0_lowered;
	[smem:$0x3FD2] =	sst s25  }
0xa8: {  	s6 =	sshll.u32 s26, $0x1;
	_ =	strace $0x80000046;
	[dreg:$0x1] =	wrdreg $0xFFFFFFFF  }
0xa9: {  	s28 =	simm.s32 $_size_execute0_lowered;
	s5 =	sadd.s32 s5, s6;
	[dreg:$0x0] =	wrdreg $0x0  }
0xaa: {  	s6 =	sshll.u32 s28, $0x1;
	[dreg:$0x2] =	wrdreg s5  }
0xab: {  	[dreg:$0x3] =	wrdreg s6  }
0xac: {  	[dreg:$0x4] =	wrdreg $0xC0  }
0xad: {  	_ =	task [dreg:s9], $0x5FFFF  }
0xae: {  	[dreg:$0x1] =	wrdreg $0xFFFFFFFF  }
0xaf: {  	[dreg:$0x0] =	wrdreg $0x60  }
0xb0: {  	[dreg:$0x2] =	wrdreg s2  }
0xb1: {  	[dreg:$0x3] =	wrdreg s19  }
0xb2: {  	[dreg:$0x4] =	wrdreg s4  }
0xb3: {  	[dreg:$0x5] =	wrdreg $0x9  }
0xb4: {  	_ =	task.clear_ibuf [dreg:s9], $0x6FFFF;
	_ =	strace $0x90000046  }
0xb5: {  	s29 =	simm.s32 $0x9;
	_ =	strace $0x80000048  }
0xb6: {  	_ =	swait.ge [sflag:s29], $0x1  }
0xb7: {  	[sflag:s29] =	ssyncadd.s32 $0xFFFFFFFF  }
0xb8: {  	_ =	strace $0x90000048  }
0xb9: {  	_ =	sfence  }
0xba: {  	s30 =	sld [smem:$0x0];
	_ =	sdelay $0x2  }
0xbb: {  	s31 =	sshll.u32 s1, $0xD;
	s1 =	sshrl.u32 s1, $0x2  }
0xbc: {  	s3 =	sand.u32 $0x4000, s31;
	s1 =	sadd.s32 s1, s30  }
0xbd: {  	s0 =	sor.u32 s3, s0;
	s1 =	sshll.u32 s1, $0x11  }
0xbe: {  	s0 =	sor.u32 s1, s0  }
0xbf: {  	s0 =	sadd.s32 $0x8F2B, s0  }
0xc0: {  	[sflag:s0] =	ssyncadd.remote.s32 $0x1  }
0xc1: {  	_ =	sfence.sel $0xFFFF  }
0xc2: {  	[dreg:$0x0] =	wrdreg $0xFFFFFFFF;
	(pc) =	sbr.abs _section_cstart, $3  }
0xc3: {  	[dreg:$0x1] =	wrdreg $0xFFFFFFFF  }
0xc4: {  	_ =	task.clear_ibuf [dreg:s9], $0x2FFFF;
	_ =	strace $0x9FFFFFFF  }
0xc5: {  	(tm) =	ssettm $0x7FFFFFFF  }
tec
execute0_lowered:
.L_overlay_start_1:
0x0: {  	(tag) =	ssettag $0x1  }
0x1: {  	s4 =	rddreg [dreg:$0x0];
	s1 =	srdreg.scid  }
0x2: {  	s0 =	rddreg [dreg:$0x1];
	s3 =	stileid.u32;
	s1 =	sand.u32 $0x1, s1  }
0x3: {  	s7 =	rddreg [dreg:$0x2];
	s3 =	sshll.u32 s3, $0xE;
	s5 =	sshll.u32 s1, $0xD  }
0x4: {  	s2 =	ssub.s32 $0x2, s1;
	s1 =	simm.s32 $0x0;
	s3 =	sor.u32 s5, s3  }
0x5: {  	[smem:$0x7FF] =	sst s1;
	s15 =	sor.u32 $0x40000, s3;
	s5 =	sadd.s32 s0, s3  }
0x6: {  	s17 =	sor.u32 $0x80000, s3;
	[dreg:$0x4] =	wrdreg s5;
	s16 =	sadd.s32 s4, s15  }
0x7: {  	s19 =	sor.u32 $0x800, s3;
	s18 =	sadd.s32 s4, s17;
	[dreg:$0x5] =	wrdreg s16  }
0x8: {  	s9 =	sor.u32 $0xC0000, s3;
	s10 =	sadd.s32 s0, s19;
	[dreg:$0x6] =	wrdreg s18  }
0x9: {  	s6 =	sshrl.u32 s2, $0x1;
	s20 =	sadd.s32 s4, s9;
	[dreg:$0x7] =	wrdreg s10  }
0xa: {  	s8 =	ssub.s32 s2, s6;
	s2 =	sadd.s32 s7, s15;
	[dreg:$0x8] =	wrdreg s20  }
0xb: {  	s23 =	sor.u32 $0x40800, s3;
	s21 =	sadd.s32 s4, s19;
	[dreg:$0x9] =	wrdreg s2  }
0xc: {  	s26 =	sor.u32 $0x80800, s3;
	s22 =	sadd.s32 s7, s17;
	[dreg:$0xa] =	wrdreg s21  }
0xd: {  	s29 =	sor.u32 $0x1000, s3;
	s24 =	sadd.s32 s4, s23;
	[dreg:$0xb] =	wrdreg s22  }
0xe: {  	s30 =	sor.u32 $0xC0800, s3;
	s25 =	sadd.s32 s7, s9;
	[dreg:$0xc] =	wrdreg s24  }
0xf: {  	s14 =	sor.u32 $0x1800, s3;
	s28 =	sadd.s32 s4, s26;
	[dreg:$0xd] =	wrdreg s25  }
0x10: {  	s31 =	sadd.s32 s4, s3;
	s11 =	sadd.s32 s0, s29;
	[dreg:$0xe] =	wrdreg s28  }
0x11: {  	s6 =	sadd.s32 s7, s19;
	s12 =	sadd.s32 s4, s30;
	[dreg:$0xf] =	wrdreg s11  }
0x12: {  	s13 =	sadd.s32 s7, s26;
	s15 =	sadd.s32 s7, s30;
	[dreg:$0x10] =	wrdreg s6  }
0x13: {  	s0 =	sadd.s32 s0, s14;
	s17 =	sadd.s32 s4, s29;
	[dreg:$0x11] =	wrdreg s12  }
0x14: {  	s26 =	sadd.s32 s7, s14;
	s30 =	sor.u32 $0xC1800, s3;
	[dreg:$0x13] =	wrdreg s13  }
0x15: {  	s8 =	smax.u32 s8, $0x1;
	s9 =	simm.s32 $0x8000;
	[dreg:$0x14] =	wrdreg s15  }
0x16: {  	s2 =	sadd.s32 s7, s23;
	[dreg:$0x15] =	wrdreg s0;
	s16 =	sor.u32 $0x41000, s3  }
0x17: {  	[dreg:$0x16] =	wrdreg s17;
	s18 =	sadd.s32 s7, s29;
	s20 =	sor.u32 $0x81000, s3  }
0x18: {  	s21 =	sor.u32 $0xC1000, s3;
	s25 =	sadd.s32 s4, s14;
	[dreg:$0x1f] =	wrdreg s26  }
0x19: {  	s28 =	sor.u32 $0x41800, s3;
	s29 =	sor.u32 $0x81800, s3;
	s10 =	simm.s32 $0xC000  }
0x1a: {  	s11 =	simm.s32 $0x10000;
	s13 =	simm.s32 $0x1;
	s14 =	simm.s32 $0x3  }
0x1b: {  	s15 =	simm.s32 $0x14000;
	s17 =	simm.s32 $0x7;
	[dreg:$0x12] =	wrdreg s2  }
0x1c: {  	s12 =	simm.s32 $0x2;
	[dreg:$0x17] =	wrdreg s18;
	s19 =	sadd.s32 s4, s16  }
0x1d: {  	s0 =	sadd.s32 s7, s16;
	s22 =	sadd.s32 s4, s20;
	[dreg:$0x1e] =	wrdreg s25  }
0x1e: {  	s23 =	sadd.s32 s4, s21;
	s24 =	sadd.s32 s7, s21;
	[dreg:$0x18] =	wrdreg s19  }
0x1f: {  	s2 =	sadd.s32 s4, s28;
	s5 =	sadd.s32 s7, s28;
	[dreg:$0x19] =	wrdreg s0  }
0x20: {  	s6 =	sadd.s32 s7, s29;
	s16 =	simm.s32 $0x4;
	[dreg:$0x1a] =	wrdreg s22  }
0x21: {  	s18 =	simm.s32 $0x5;
	s21 =	simm.s32 $0x9;
	[dreg:$0x1c] =	wrdreg s23  }
0x22: {  	s0 =	sadd.s32 s7, s20;
	[dreg:$0x1d] =	wrdreg s24;
	s19 =	simm.s32 $0x8  }
0x23: {  	s20 =	simm.s32 $0x6;
	s22 =	simm.s32 $0xA;
	s23 =	simm.s32 $0x0  }
0x24: {  	[dreg:$0x1b] =	wrdreg s0;
	s0 =	sadd.s32 s7, s3;
	s3 =	sadd.s32 s4, s29  }
0x25: {  	s4 =	sadd.s32 s4, s30;
	s7 =	sadd.s32 s7, s30;
	_ =	strace $0x80000047  }
.LBB2_1:
0x26: {  	s24 =	rddreg [dreg:$0x4]  }
0x27: {  	[tilespmem:s1], [sflag:$0x1] =	stream.linear.gather [hbm4b:s24+s1], $0x4000, $0x38;
	[tilespmem:$0x18000] =	vst v63  }
0x28: {  	_ = 	snop  }
0x29: {  	[tilespmem:s9], [sflag:$0x3] =	stream.linear.gather [hbm4b:s31+s1], $0x4000, $0x38;
	[tilespmem:$0x18000] =	vst v63  }
0x2a: {  	s30 =	rddreg [dreg:$0x5]  }
0x2b: {  	[tilespmem:s10], [sflag:$0x4] =	stream.linear.gather [hbm4b:s30+s1], $0x4000, $0x38;
	[tilespmem:$0x18000] =	vst v63  }
0x2c: {  	s25 =	rddreg [dreg:$0x6]  }
0x2d: {  	[tilespmem:s11], [sflag:$0x5] =	stream.linear.gather [hbm4b:s25+s1], $0x4000, $0x38;
	[tilespmem:$0x18000] =	vst v63  }
0x2e: {  	s26 =	rddreg [dreg:$0x7];
	s25 =	simm.s32 $0x4000  }
0x2f: {  	[tilespmem:s25], [sflag:$0x2] =	stream.linear.gather [hbm4b:s26+s1], $0x4000, $0x38;
	[tilespmem:$0x18000] =	vst v63  }
0x30: {  	_ =	swait.ge [sflag:s13], $0x4000  }
0x31: {  	[sflag:s13] =	ssyncset.done $0x0  }
0x32: {  	s25 =	simm.s32 $0x0;
	[sflag:s13] =	ssyncadd.s32 $0xFFFFC000  }
0x33: {  	s26 =	sand.u32 $0x1C00, s1;
	s29 =	sand.u32 $0x2000, s25;
	_ =	swait.ge [sflag:s14], $0x4000  }
0x34: {  	s30 =	sand.u32 $0x380, s1;
	s24 =	sor.u32 s29, s26;
	[sflag:s14] =	ssyncset.done $0x0  }
0x35: {  	s24 =	sor.u32 s30, s24;
	[sflag:s14] =	ssyncadd.s32 $0xFFFFC000  }
0x36: {  	v0 =	vld [tilespmem:s24+$0x8070]  }
0x37: {  	v1 =	vld [tilespmem:s24+$0x70]  }
0x38: {  	v3 =	vld [tilespmem:s24+$0x8000]  }
0x39: {  	v4 =	vld [tilespmem:s24+$0x0]  }
0x3a: {  	v6 =	vld [tilespmem:s24+$0x8010]  }
0x3b: {  	v7 =	vld [tilespmem:s24+$0x10]  }
0x3c: {  	v2 =	vld [tilespmem:s24+$0x8020]  }
0x3d: {  	v5 =	vld [tilespmem:s24+$0x20]  }
0x3e: {  	v1 =	vadd.f32 v1, v0;
	v0 =	vld [tilespmem:s24+$0x8030]  }
0x3f: {  	v4 =	vadd.f32 v4, v3;
	v3 =	vld [tilespmem:s24+$0x30]  }
0x40: {  	v6 =	vadd.f32 v7, v6;
	[tilespmem:s24+$0x8070] =	vst v1;
	v1 =	vld [tilespmem:s24+$0x8040]  }
0x41: {  	s28 =	simm.s32 $0x0;
	s26 =	simm.s32 $0x0;
	[tilespmem:s24+$0x8000] =	vst v4;
	v4 =	vld [tilespmem:s24+$0x40]  }
.LBB2_2:
0x42: {  	s25 =	sadd.s32 $0x80, s25;
	[tilespmem:s24+$0x8010] =	vst v6;
	v2 =	vadd.f32 v5, v2;
	v5 =	vld [tilespmem:s24+$0x8050];
	s26 =	sadd.s32 $0x400, s26  }
0x43: {  	s28 =	sadd.s32 $0x10, s28;
	s29 =	sand.u32 $0x2000, s25;
	s30 =	sand.u32 $0x1C00, s26;
	v6 =	vld [tilespmem:s24+$0x50]  }
0x44: {  	p0 =	slt.u32 s25, $0x3F80;
	s29 =	sor.u32 s29, s30;
	s30 =	sand.u32 $0x380, s28;
	[tilespmem:s24+$0x8020] =	vst v2;
	v0 =	vadd.f32 v3, v0;
	v2 =	vld [tilespmem:s24+$0x8060]  }
0x45: {  	s29 =	sor.u32 s30, s29;
	v3 =	vld [tilespmem:s24+$0x60]  }
0x46: {  	v7 =	vld [tilespmem:s29+$0x8070];
	[tilespmem:s24+$0x8030] =	vst v0;
	v0 =	vadd.f32 v4, v1  }
0x47: {  	v1 =	vld [tilespmem:s29+$0x70]  }
0x48: {  	v4 =	vld [tilespmem:s29+$0x8000];
	[tilespmem:s24+$0x8040] =	vst v0;
	v0 =	vadd.f32 v6, v5  }
0x49: {  	v6 =	vld [tilespmem:s29+$0x0]  }
0x4a: {  	v8 =	vld [tilespmem:s29+$0x8010];
	[tilespmem:s24+$0x8050] =	vst v0;
	v0 =	vadd.f32 v3, v2  }
0x4b: {  	v9 =	vld [tilespmem:s29+$0x10]  }
0x4c: {  	v2 =	vld [tilespmem:s29+$0x8020];
	v1 =	vadd.f32 v1, v7;
	[tilespmem:s24+$0x8060] =	vst v0;
	s24 =	smov.u32 s29  }
.Ltmp0:
0x4d: {  	v5 =	vld [tilespmem:s24+$0x20];
	(pc) =	sbr.rel @p0 .LBB2_2-.Ltmp0, $4  }
0x4e: {  	v4 =	vadd.f32 v6, v4;
	v0 =	vld [tilespmem:s24+$0x8030];
	[tilespmem:s24+$0x8070] =	vst v1  }
0x4f: {  	v3 =	vld [tilespmem:s24+$0x30]  }
0x50: {  	[tilespmem:s24+$0x8000] =	vst v4;
	v6 =	vadd.f32 v9, v8;
	v1 =	vld [tilespmem:s24+$0x8040]  }
0x51: {  	v4 =	vld [tilespmem:s24+$0x40]  }
0x52: {  	v7 =	vld [tilespmem:s24+$0x8050]  }
0x53: {  	v8 =	vld [tilespmem:s24+$0x50]  }
0x54: {  	v9 =	vld [tilespmem:s24+$0x8060]  }
0x55: {  	v10 =	vld [tilespmem:s24+$0x60]  }
0x56: {  	v2 =	vadd.f32 v5, v2  }
0x57: {  	[tilespmem:s24+$0x8010] =	vst v6;
	v0 =	vadd.f32 v3, v0  }
0x58: {  	[tilespmem:s24+$0x8020] =	vst v2;
	v1 =	vadd.f32 v4, v1  }
0x59: {  	[tilespmem:s24+$0x8030] =	vst v0;
	v0 =	vadd.f32 v8, v7  }
0x5a: {  	[tilespmem:s24+$0x8040] =	vst v1;
	v1 =	vadd.f32 v10, v9  }
0x5b: {  	[tilespmem:s24+$0x8050] =	vst v0  }
0x5c: {  	s25 =	simm.s32 $0x0;
	[tilespmem:s24+$0x8060] =	vst v1  }
0x5d: {  	[hbm4b:s0+s25] =	stream.linear.scatter [tilespmem:s9], [sflag:$0x7], $0x4000, $0x38;
	[tilespmem:$0x18000] =	vst v63  }
0x5e: {  	s26 =	simm.s32 $0x0;
	s24 =	rddreg [dreg:$0x8]  }
0x5f: {  	[tilespmem:s15], [sflag:$0x6] =	stream.linear.gather [hbm4b:s24+s25], $0x4000, $0x38;
	[tilespmem:$0x18000] =	vst v63  }
0x60: {  	s30 =	sand.u32 $0x2000, s26;
	s28 =	sand.u32 $0x1C00, s25;
	_ =	swait.ge [sflag:s16], $0x4000  }
0x61: {  	s24 =	sor.u32 s30, s28;
	s28 =	sand.u32 $0x380, s25;
	[sflag:s16] =	ssyncset.done $0x0  }
0x62: {  	s24 =	sor.u32 s28, s24;
	[sflag:s16] =	ssyncadd.s32 $0xFFFFC000  }
0x63: {  	v0 =	vld [tilespmem:s24+$0xC070]  }
0x64: {  	v1 =	vld [tilespmem:s24+$0x70]  }
0x65: {  	v3 =	vld [tilespmem:s24+$0xC000]  }
0x66: {  	v4 =	vld [tilespmem:s24+$0x0]  }
0x67: {  	v6 =	vld [tilespmem:s24+$0xC010]  }
0x68: {  	v7 =	vld [tilespmem:s24+$0x10]  }
0x69: {  	v2 =	vld [tilespmem:s24+$0xC020]  }
0x6a: {  	v5 =	vld [tilespmem:s24+$0x20]  }
0x6b: {  	v1 =	vadd.f32 v1, v0;
	v0 =	vld [tilespmem:s24+$0xC030]  }
0x6c: {  	v4 =	vadd.f32 v4, v3;
	v3 =	vld [tilespmem:s24+$0x30]  }
0x6d: {  	v6 =	vadd.f32 v7, v6;
	[tilespmem:s24+$0xC070] =	vst v1;
	v1 =	vld [tilespmem:s24+$0xC040]  }
0x6e: {  	s28 =	simm.s32 $0x0;
	[tilespmem:s24+$0xC000] =	vst v4;
	v4 =	vld [tilespmem:s24+$0x40]  }
.LBB2_4:
0x6f: {  	s26 =	sadd.s32 $0x80, s26;
	[tilespmem:s24+$0xC010] =	vst v6;
	v2 =	vadd.f32 v5, v2;
	v5 =	vld [tilespmem:s24+$0xC050];
	s25 =	sadd.s32 $0x400, s25  }
0x70: {  	s28 =	sadd.s32 $0x10, s28;
	s29 =	sand.u32 $0x2000, s26;
	s30 =	sand.u32 $0x1C00, s25;
	v6 =	vld [tilespmem:s24+$0x50]  }
0x71: {  	p0 =	slt.u32 s26, $0x3F80;
	s29 =	sor.u32 s29, s30;
	s30 =	sand.u32 $0x380, s28;
	[tilespmem:s24+$0xC020] =	vst v2;
	v0 =	vadd.f32 v3, v0;
	v2 =	vld [tilespmem:s24+$0xC060]  }
0x72: {  	s29 =	sor.u32 s30, s29;
	v3 =	vld [tilespmem:s24+$0x60]  }
0x73: {  	v7 =	vld [tilespmem:s29+$0xC070];
	[tilespmem:s24+$0xC030] =	vst v0;
	v0 =	vadd.f32 v4, v1  }
0x74: {  	v1 =	vld [tilespmem:s29+$0x70]  }
0x75: {  	v4 =	vld [tilespmem:s29+$0xC000];
	[tilespmem:s24+$0xC040] =	vst v0;
	v0 =	vadd.f32 v6, v5  }
0x76: {  	v6 =	vld [tilespmem:s29+$0x0]  }
0x77: {  	v8 =	vld [tilespmem:s29+$0xC010];
	[tilespmem:s24+$0xC050] =	vst v0;
	v0 =	vadd.f32 v3, v2  }
0x78: {  	v9 =	vld [tilespmem:s29+$0x10]  }
0x79: {  	v2 =	vld [tilespmem:s29+$0xC020];
	v1 =	vadd.f32 v1, v7;
	[tilespmem:s24+$0xC060] =	vst v0;
	s24 =	smov.u32 s29  }
.Ltmp1:
0x7a: {  	v5 =	vld [tilespmem:s24+$0x20];
	(pc) =	sbr.rel @p0 .LBB2_4-.Ltmp1, $4  }
0x7b: {  	v4 =	vadd.f32 v6, v4;
	v0 =	vld [tilespmem:s24+$0xC030];
	[tilespmem:s24+$0xC070] =	vst v1  }
0x7c: {  	v3 =	vld [tilespmem:s24+$0x30]  }
0x7d: {  	[tilespmem:s24+$0xC000] =	vst v4;
	v6 =	vadd.f32 v9, v8;
	v1 =	vld [tilespmem:s24+$0xC040]  }
0x7e: {  	v4 =	vld [tilespmem:s24+$0x40]  }
0x7f: {  	v7 =	vld [tilespmem:s24+$0xC050]  }
0x80: {  	v8 =	vld [tilespmem:s24+$0x50]  }
0x81: {  	v9 =	vld [tilespmem:s24+$0xC060]  }
0x82: {  	v10 =	vld [tilespmem:s24+$0x60]  }
0x83: {  	v2 =	vadd.f32 v5, v2  }
0x84: {  	[tilespmem:s24+$0xC010] =	vst v6;
	v0 =	vadd.f32 v3, v0  }
0x85: {  	[tilespmem:s24+$0xC020] =	vst v2;
	v1 =	vadd.f32 v4, v1  }
0x86: {  	[tilespmem:s24+$0xC030] =	vst v0;
	v0 =	vadd.f32 v8, v7  }
0x87: {  	[tilespmem:s24+$0xC040] =	vst v1;
	v1 =	vadd.f32 v10, v9  }
0x88: {  	[tilespmem:s24+$0xC050] =	vst v0  }
0x89: {  	[tilespmem:s24+$0xC060] =	vst v1  }
0x8a: {  	s25 =	simm.s32 $0x0;
	s24 =	rddreg [dreg:$0x9]  }
0x8b: {  	[hbm4b:s24+s25] =	stream.linear.scatter [tilespmem:s10], [sflag:$0x8], $0x4000, $0x38;
	[tilespmem:$0x18000] =	vst v63  }
0x8c: {  	_ =	swait.ge [sflag:s17], $0x4000  }
0x8d: {  	[sflag:s17] =	ssyncset.done $0x0  }
0x8e: {  	s26 =	simm.s32 $0x0;
	s29 =	rddreg [dreg:$0xa];
	[sflag:s17] =	ssyncadd.s32 $0xFFFFC000  }
0x8f: {  	[tilespmem:s9], [sflag:$0x3] =	stream.linear.gather [hbm4b:s29+s25], $0x4000, $0x38;
	[tilespmem:$0x18000] =	vst v63  }
0x90: {  	s30 =	sand.u32 $0x2000, s26;
	s28 =	sand.u32 $0x1C00, s25;
	_ =	swait.ge [sflag:s18], $0x4000  }
0x91: {  	s24 =	sor.u32 s30, s28;
	s28 =	sand.u32 $0x380, s25;
	[sflag:s18] =	ssyncset.done $0x0  }
0x92: {  	s24 =	sor.u32 s28, s24;
	[sflag:s18] =	ssyncadd.s32 $0xFFFFC000  }
0x93: {  	v0 =	vld [tilespmem:s24+$0x10070]  }
0x94: {  	v1 =	vld [tilespmem:s24+$0x70]  }
0x95: {  	v3 =	vld [tilespmem:s24+$0x10000]  }
0x96: {  	v4 =	vld [tilespmem:s24+$0x0]  }
0x97: {  	v6 =	vld [tilespmem:s24+$0x10010]  }
0x98: {  	v7 =	vld [tilespmem:s24+$0x10]  }
0x99: {  	v2 =	vld [tilespmem:s24+$0x10020]  }
0x9a: {  	v5 =	vld [tilespmem:s24+$0x20]  }
0x9b: {  	v1 =	vadd.f32 v1, v0;
	v0 =	vld [tilespmem:s24+$0x10030]  }
0x9c: {  	v4 =	vadd.f32 v4, v3;
	v3 =	vld [tilespmem:s24+$0x30]  }
0x9d: {  	v6 =	vadd.f32 v7, v6;
	[tilespmem:s24+$0x10070] =	vst v1;
	v1 =	vld [tilespmem:s24+$0x10040]  }
0x9e: {  	s28 =	simm.s32 $0x0;
	[tilespmem:s24+$0x10000] =	vst v4;
	v4 =	vld [tilespmem:s24+$0x40]  }
.LBB2_6:
0x9f: {  	s26 =	sadd.s32 $0x80, s26;
	[tilespmem:s24+$0x10010] =	vst v6;
	v2 =	vadd.f32 v5, v2;
	v5 =	vld [tilespmem:s24+$0x10050];
	s25 =	sadd.s32 $0x400, s25  }
0xa0: {  	s28 =	sadd.s32 $0x10, s28;
	s29 =	sand.u32 $0x2000, s26;
	s30 =	sand.u32 $0x1C00, s25;
	v6 =	vld [tilespmem:s24+$0x50]  }
0xa1: {  	p0 =	slt.u32 s26, $0x3F80;
	s29 =	sor.u32 s29, s30;
	s30 =	sand.u32 $0x380, s28;
	[tilespmem:s24+$0x10020] =	vst v2;
	v0 =	vadd.f32 v3, v0;
	v2 =	vld [tilespmem:s24+$0x10060]  }
0xa2: {  	s29 =	sor.u32 s30, s29;
	v3 =	vld [tilespmem:s24+$0x60]  }
0xa3: {  	v7 =	vld [tilespmem:s29+$0x10070];
	[tilespmem:s24+$0x10030] =	vst v0;
	v0 =	vadd.f32 v4, v1  }
0xa4: {  	v1 =	vld [tilespmem:s29+$0x70]  }
0xa5: {  	v4 =	vld [tilespmem:s29+$0x10000];
	[tilespmem:s24+$0x10040] =	vst v0;
	v0 =	vadd.f32 v6, v5  }
0xa6: {  	v6 =	vld [tilespmem:s29+$0x0]  }
0xa7: {  	v8 =	vld [tilespmem:s29+$0x10010];
	[tilespmem:s24+$0x10050] =	vst v0;
	v0 =	vadd.f32 v3, v2  }
0xa8: {  	v9 =	vld [tilespmem:s29+$0x10]  }
0xa9: {  	v2 =	vld [tilespmem:s29+$0x10020];
	v1 =	vadd.f32 v1, v7;
	[tilespmem:s24+$0x10060] =	vst v0;
	s24 =	smov.u32 s29  }
.Ltmp2:
0xaa: {  	v5 =	vld [tilespmem:s24+$0x20];
	(pc) =	sbr.rel @p0 .LBB2_6-.Ltmp2, $4  }
0xab: {  	v4 =	vadd.f32 v6, v4;
	v0 =	vld [tilespmem:s24+$0x10030];
	[tilespmem:s24+$0x10070] =	vst v1  }
0xac: {  	v3 =	vld [tilespmem:s24+$0x30]  }
0xad: {  	[tilespmem:s24+$0x10000] =	vst v4;
	v6 =	vadd.f32 v9, v8;
	v1 =	vld [tilespmem:s24+$0x10040]  }
0xae: {  	v4 =	vld [tilespmem:s24+$0x40]  }
0xaf: {  	v7 =	vld [tilespmem:s24+$0x10050]  }
0xb0: {  	v8 =	vld [tilespmem:s24+$0x50]  }
0xb1: {  	v9 =	vld [tilespmem:s24+$0x10060]  }
0xb2: {  	v10 =	vld [tilespmem:s24+$0x60]  }
0xb3: {  	v2 =	vadd.f32 v5, v2  }
0xb4: {  	[tilespmem:s24+$0x10010] =	vst v6;
	v0 =	vadd.f32 v3, v0  }
0xb5: {  	[tilespmem:s24+$0x10020] =	vst v2;
	v1 =	vadd.f32 v4, v1  }
0xb6: {  	[tilespmem:s24+$0x10030] =	vst v0;
	v0 =	vadd.f32 v8, v7  }
0xb7: {  	[tilespmem:s24+$0x10040] =	vst v1;
	v1 =	vadd.f32 v10, v9  }
0xb8: {  	[tilespmem:s24+$0x10050] =	vst v0  }
0xb9: {  	[tilespmem:s24+$0x10060] =	vst v1  }
0xba: {  	s25 =	simm.s32 $0x0;
	s24 =	rddreg [dreg:$0xb]  }
0xbb: {  	[hbm4b:s24+s25] =	stream.linear.scatter [tilespmem:s11], [sflag:$0x9], $0x4000, $0x38;
	[tilespmem:$0x18000] =	vst v63  }
0xbc: {  	_ =	swait.ge [sflag:s19], $0x4000  }
0xbd: {  	[sflag:s19] =	ssyncset.done $0x0  }
0xbe: {  	s26 =	simm.s32 $0x0;
	s29 =	rddreg [dreg:$0xc];
	[sflag:s19] =	ssyncadd.s32 $0xFFFFC000  }
0xbf: {  	[tilespmem:s10], [sflag:$0x4] =	stream.linear.gather [hbm4b:s29+s25], $0x4000, $0x38;
	[tilespmem:$0x18000] =	vst v63  }
0xc0: {  	s30 =	sand.u32 $0x2000, s26;
	s28 =	sand.u32 $0x1C00, s25;
	_ =	swait.ge [sflag:s20], $0x4000  }
0xc1: {  	s24 =	sor.u32 s30, s28;
	s28 =	sand.u32 $0x380, s25;
	[sflag:s20] =	ssyncset.done $0x0  }
0xc2: {  	s24 =	sor.u32 s28, s24;
	[sflag:s20] =	ssyncadd.s32 $0xFFFFC000  }
0xc3: {  	v0 =	vld [tilespmem:s24+$0x14070]  }
0xc4: {  	v1 =	vld [tilespmem:s24+$0x70]  }
0xc5: {  	v3 =	vld [tilespmem:s24+$0x14000]  }
0xc6: {  	v4 =	vld [tilespmem:s24+$0x0]  }
0xc7: {  	v6 =	vld [tilespmem:s24+$0x14010]  }
0xc8: {  	v7 =	vld [tilespmem:s24+$0x10]  }
0xc9: {  	v2 =	vld [tilespmem:s24+$0x14020]  }
0xca: {  	v5 =	vld [tilespmem:s24+$0x20]  }
0xcb: {  	v1 =	vadd.f32 v1, v0;
	v0 =	vld [tilespmem:s24+$0x14030]  }
0xcc: {  	v4 =	vadd.f32 v4, v3;
	v3 =	vld [tilespmem:s24+$0x30]  }
0xcd: {  	v6 =	vadd.f32 v7, v6;
	[tilespmem:s24+$0x14070] =	vst v1;
	v1 =	vld [tilespmem:s24+$0x14040]  }
0xce: {  	s28 =	simm.s32 $0x0;
	[tilespmem:s24+$0x14000] =	vst v4;
	v4 =	vld [tilespmem:s24+$0x40]  }
.LBB2_8:
0xcf: {  	s26 =	sadd.s32 $0x80, s26;
	[tilespmem:s24+$0x14010] =	vst v6;
	v2 =	vadd.f32 v5, v2;
	v5 =	vld [tilespmem:s24+$0x14050];
	s25 =	sadd.s32 $0x400, s25  }
0xd0: {  	s28 =	sadd.s32 $0x10, s28;
	s29 =	sand.u32 $0x2000, s26;
	s30 =	sand.u32 $0x1C00, s25;
	v6 =	vld [tilespmem:s24+$0x50]  }
0xd1: {  	p0 =	slt.u32 s26, $0x3F80;
	s29 =	sor.u32 s29, s30;
	s30 =	sand.u32 $0x380, s28;
	[tilespmem:s24+$0x14020] =	vst v2;
	v0 =	vadd.f32 v3, v0;
	v2 =	vld [tilespmem:s24+$0x14060]  }
0xd2: {  	s29 =	sor.u32 s30, s29;
	v3 =	vld [tilespmem:s24+$0x60]  }
0xd3: {  	v7 =	vld [tilespmem:s29+$0x14070];
	[tilespmem:s24+$0x14030] =	vst v0;
	v0 =	vadd.f32 v4, v1  }
0xd4: {  	v1 =	vld [tilespmem:s29+$0x70]  }
0xd5: {  	v4 =	vld [tilespmem:s29+$0x14000];
	[tilespmem:s24+$0x14040] =	vst v0;
	v0 =	vadd.f32 v6, v5  }
0xd6: {  	v6 =	vld [tilespmem:s29+$0x0]  }
0xd7: {  	v8 =	vld [tilespmem:s29+$0x14010];
	[tilespmem:s24+$0x14050] =	vst v0;
	v0 =	vadd.f32 v3, v2  }
0xd8: {  	v9 =	vld [tilespmem:s29+$0x10]  }
0xd9: {  	v2 =	vld [tilespmem:s29+$0x14020];
	v1 =	vadd.f32 v1, v7;
	[tilespmem:s24+$0x14060] =	vst v0;
	s24 =	smov.u32 s29  }
.Ltmp3:
0xda: {  	v5 =	vld [tilespmem:s24+$0x20];
	(pc) =	sbr.rel @p0 .LBB2_8-.Ltmp3, $4  }
0xdb: {  	v4 =	vadd.f32 v6, v4;
	v0 =	vld [tilespmem:s24+$0x14030];
	[tilespmem:s24+$0x14070] =	vst v1  }
0xdc: {  	v3 =	vld [tilespmem:s24+$0x30]  }
0xdd: {  	[tilespmem:s24+$0x14000] =	vst v4;
	v6 =	vadd.f32 v9, v8;
	v1 =	vld [tilespmem:s24+$0x14040]  }
0xde: {  	v4 =	vld [tilespmem:s24+$0x40]  }
0xdf: {  	v7 =	vld [tilespmem:s24+$0x14050]  }
0xe0: {  	v8 =	vld [tilespmem:s24+$0x50]  }
0xe1: {  	v9 =	vld [tilespmem:s24+$0x14060]  }
0xe2: {  	v10 =	vld [tilespmem:s24+$0x60]  }
0xe3: {  	v2 =	vadd.f32 v5, v2  }
0xe4: {  	[tilespmem:s24+$0x14010] =	vst v6;
	v0 =	vadd.f32 v3, v0  }
0xe5: {  	[tilespmem:s24+$0x14020] =	vst v2;
	v1 =	vadd.f32 v4, v1  }
0xe6: {  	[tilespmem:s24+$0x14030] =	vst v0;
	v0 =	vadd.f32 v8, v7  }
0xe7: {  	[tilespmem:s24+$0x14040] =	vst v1;
	v1 =	vadd.f32 v10, v9  }
0xe8: {  	[tilespmem:s24+$0x14050] =	vst v0  }
0xe9: {  	[tilespmem:s24+$0x14060] =	vst v1  }
0xea: {  	s24 =	simm.s32 $0x0;
	s25 =	rddreg [dreg:$0xd]  }
0xeb: {  	[hbm4b:s25+s24] =	stream.linear.scatter [tilespmem:s15], [sflag:$0xA], $0x4000, $0x38;
	[tilespmem:$0x18000] =	vst v63  }
0xec: {  	_ =	swait.ge [sflag:s21], $0x4000  }
0xed: {  	[sflag:s21] =	ssyncset.done $0x0  }
0xee: {  	s26 =	rddreg [dreg:$0xe];
	[sflag:s21] =	ssyncadd.s32 $0xFFFFC000  }
0xef: {  	[tilespmem:s11], [sflag:$0x5] =	stream.linear.gather [hbm4b:s26+s24], $0x4000, $0x38;
	[tilespmem:$0x18000] =	vst v63  }
0xf0: {  	s29 =	rddreg [dreg:$0xf]  }
0xf1: {  	[tilespmem:s24], [sflag:$0x1] =	stream.linear.gather [hbm4b:s29+s24], $0x4000, $0x38;
	[tilespmem:$0x18000] =	vst v63  }
0xf2: {  	_ =	swait.ge [sflag:s12], $0x4000  }
0xf3: {  	[sflag:s12] =	ssyncset.done $0x0  }
0xf4: {  	s26 =	simm.s32 $0x0;
	[sflag:s12] =	ssyncadd.s32 $0xFFFFC000  }
0xf5: {  	s28 =	sand.u32 $0x1C00, s24;
	s30 =	sand.u32 $0x2000, s26;
	_ =	swait.ge [sflag:s14], $0x4000  }
0xf6: {  	s25 =	sor.u32 s30, s28;
	s28 =	sand.u32 $0x380, s24;
	[sflag:s14] =	ssyncset.done $0x0  }
0xf7: {  	s25 =	sor.u32 s28, s25;
	[sflag:s14] =	ssyncadd.s32 $0xFFFFC000  }
0xf8: {  	v0 =	vld [tilespmem:s25+$0x8070]  }
0xf9: {  	v1 =	vld [tilespmem:s25+$0x4070]  }
0xfa: {  	v3 =	vld [tilespmem:s25+$0x8000]  }
0xfb: {  	v4 =	vld [tilespmem:s25+$0x4000]  }
0xfc: {  	v6 =	vld [tilespmem:s25+$0x8010]  }
0xfd: {  	v7 =	vld [tilespmem:s25+$0x4010]  }
0xfe: {  	v2 =	vld [tilespmem:s25+$0x8020]  }
0xff: {  	v5 =	vld [tilespmem:s25+$0x4020]  }
0x100: {  	v1 =	vadd.f32 v1, v0;
	v0 =	vld [tilespmem:s25+$0x8030]  }
0x101: {  	v4 =	vadd.f32 v4, v3;
	v3 =	vld [tilespmem:s25+$0x4030]  }
0x102: {  	v6 =	vadd.f32 v7, v6;
	[tilespmem:s25+$0x8070] =	vst v1;
	v1 =	vld [tilespmem:s25+$0x8040]  }
0x103: {  	s28 =	simm.s32 $0x0;
	[tilespmem:s25+$0x8000] =	vst v4;
	v4 =	vld [tilespmem:s25+$0x4040]  }
.LBB2_10:
0x104: {  	s26 =	sadd.s32 $0x80, s26;
	[tilespmem:s25+$0x8010] =	vst v6;
	v2 =	vadd.f32 v5, v2;
	v5 =	vld [tilespmem:s25+$0x8050];
	s24 =	sadd.s32 $0x400, s24  }
0x105: {  	s28 =	sadd.s32 $0x10, s28;
	s29 =	sand.u32 $0x2000, s26;
	s30 =	sand.u32 $0x1C00, s24;
	v6 =	vld [tilespmem:s25+$0x4050]  }
0x106: {  	p0 =	slt.u32 s26, $0x3F80;
	s29 =	sor.u32 s29, s30;
	s30 =	sand.u32 $0x380, s28;
	[tilespmem:s25+$0x8020] =	vst v2;
	v0 =	vadd.f32 v3, v0;
	v2 =	vld [tilespmem:s25+$0x8060]  }
0x107: {  	s29 =	sor.u32 s30, s29;
	v3 =	vld [tilespmem:s25+$0x4060]  }
0x108: {  	v7 =	vld [tilespmem:s29+$0x8070];
	[tilespmem:s25+$0x8030] =	vst v0;
	v0 =	vadd.f32 v4, v1  }
0x109: {  	v1 =	vld [tilespmem:s29+$0x4070]  }
0x10a: {  	v4 =	vld [tilespmem:s29+$0x8000];
	[tilespmem:s25+$0x8040] =	vst v0;
	v0 =	vadd.f32 v6, v5  }
0x10b: {  	v6 =	vld [tilespmem:s29+$0x4000]  }
0x10c: {  	v8 =	vld [tilespmem:s29+$0x8010];
	[tilespmem:s25+$0x8050] =	vst v0;
	v0 =	vadd.f32 v3, v2  }
0x10d: {  	v9 =	vld [tilespmem:s29+$0x4010]  }
0x10e: {  	v2 =	vld [tilespmem:s29+$0x8020];
	v1 =	vadd.f32 v1, v7;
	[tilespmem:s25+$0x8060] =	vst v0;
	s25 =	smov.u32 s29  }
.Ltmp4:
0x10f: {  	v5 =	vld [tilespmem:s25+$0x4020];
	(pc) =	sbr.rel @p0 .LBB2_10-.Ltmp4, $4  }
0x110: {  	v4 =	vadd.f32 v6, v4;
	v0 =	vld [tilespmem:s25+$0x8030];
	[tilespmem:s25+$0x8070] =	vst v1  }
0x111: {  	v3 =	vld [tilespmem:s25+$0x4030]  }
0x112: {  	[tilespmem:s25+$0x8000] =	vst v4;
	v6 =	vadd.f32 v9, v8;
	v1 =	vld [tilespmem:s25+$0x8040]  }
0x113: {  	v4 =	vld [tilespmem:s25+$0x4040]  }
0x114: {  	v7 =	vld [tilespmem:s25+$0x8050]  }
0x115: {  	v8 =	vld [tilespmem:s25+$0x4050]  }
0x116: {  	v9 =	vld [tilespmem:s25+$0x8060]  }
0x117: {  	v10 =	vld [tilespmem:s25+$0x4060]  }
0x118: {  	v2 =	vadd.f32 v5, v2  }
0x119: {  	[tilespmem:s25+$0x8010] =	vst v6;
	v0 =	vadd.f32 v3, v0  }
0x11a: {  	[tilespmem:s25+$0x8020] =	vst v2;
	v1 =	vadd.f32 v4, v1  }
0x11b: {  	[tilespmem:s25+$0x8030] =	vst v0;
	v0 =	vadd.f32 v8, v7  }
0x11c: {  	[tilespmem:s25+$0x8040] =	vst v1;
	v1 =	vadd.f32 v10, v9  }
0x11d: {  	[tilespmem:s25+$0x8050] =	vst v0  }
0x11e: {  	[tilespmem:s25+$0x8060] =	vst v1  }
0x11f: {  	s25 =	simm.s32 $0x0;
	s24 =	rddreg [dreg:$0x10]  }
0x120: {  	[hbm4b:s24+s25] =	stream.linear.scatter [tilespmem:s9], [sflag:$0x7], $0x4000, $0x38;
	[tilespmem:$0x18000] =	vst v63  }
0x121: {  	_ =	swait.ge [sflag:s22], $0x4000  }
0x122: {  	[sflag:s22] =	ssyncset.done $0x0  }
0x123: {  	s26 =	simm.s32 $0x0;
	s29 =	rddreg [dreg:$0x11];
	[sflag:s22] =	ssyncadd.s32 $0xFFFFC000  }
0x124: {  	[tilespmem:s15], [sflag:$0x6] =	stream.linear.gather [hbm4b:s29+s25], $0x4000, $0x38;
	[tilespmem:$0x18000] =	vst v63  }
0x125: {  	s30 =	sand.u32 $0x2000, s26;
	s28 =	sand.u32 $0x1C00, s25;
	_ =	swait.ge [sflag:s16], $0x4000  }
0x126: {  	s24 =	sor.u32 s30, s28;
	s28 =	sand.u32 $0x380, s25;
	[sflag:s16] =	ssyncset.done $0x0  }
0x127: {  	s24 =	sor.u32 s28, s24;
	[sflag:s16] =	ssyncadd.s32 $0xFFFFC000  }
0x128: {  	v0 =	vld [tilespmem:s24+$0xC070]  }
0x129: {  	v1 =	vld [tilespmem:s24+$0x4070]  }
0x12a: {  	v3 =	vld [tilespmem:s24+$0xC000]  }
0x12b: {  	v4 =	vld [tilespmem:s24+$0x4000]  }
0x12c: {  	v6 =	vld [tilespmem:s24+$0xC010]  }
0x12d: {  	v7 =	vld [tilespmem:s24+$0x4010]  }
0x12e: {  	v2 =	vld [tilespmem:s24+$0xC020]  }
0x12f: {  	v5 =	vld [tilespmem:s24+$0x4020]  }
0x130: {  	v1 =	vadd.f32 v1, v0;
	v0 =	vld [tilespmem:s24+$0xC030]  }
0x131: {  	v4 =	vadd.f32 v4, v3;
	v3 =	vld [tilespmem:s24+$0x4030]  }
0x132: {  	v6 =	vadd.f32 v7, v6;
	[tilespmem:s24+$0xC070] =	vst v1;
	v1 =	vld [tilespmem:s24+$0xC040]  }
0x133: {  	s28 =	simm.s32 $0x0;
	[tilespmem:s24+$0xC000] =	vst v4;
	v4 =	vld [tilespmem:s24+$0x4040]  }
.LBB2_12:
0x134: {  	s26 =	sadd.s32 $0x80, s26;
	[tilespmem:s24+$0xC010] =	vst v6;
	v2 =	vadd.f32 v5, v2;
	v5 =	vld [tilespmem:s24+$0xC050];
	s25 =	sadd.s32 $0x400, s25  }
0x135: {  	s28 =	sadd.s32 $0x10, s28;
	s29 =	sand.u32 $0x2000, s26;
	s30 =	sand.u32 $0x1C00, s25;
	v6 =	vld [tilespmem:s24+$0x4050]  }
0x136: {  	p0 =	slt.u32 s26, $0x3F80;
	s29 =	sor.u32 s29, s30;
	s30 =	sand.u32 $0x380, s28;
	[tilespmem:s24+$0xC020] =	vst v2;
	v0 =	vadd.f32 v3, v0;
	v2 =	vld [tilespmem:s24+$0xC060]  }
0x137: {  	s29 =	sor.u32 s30, s29;
	v3 =	vld [tilespmem:s24+$0x4060]  }
0x138: {  	v7 =	vld [tilespmem:s29+$0xC070];
	[tilespmem:s24+$0xC030] =	vst v0;
	v0 =	vadd.f32 v4, v1  }
0x139: {  	v1 =	vld [tilespmem:s29+$0x4070]  }
0x13a: {  	v4 =	vld [tilespmem:s29+$0xC000];
	[tilespmem:s24+$0xC040] =	vst v0;
	v0 =	vadd.f32 v6, v5  }
0x13b: {  	v6 =	vld [tilespmem:s29+$0x4000]  }
0x13c: {  	v8 =	vld [tilespmem:s29+$0xC010];
	[tilespmem:s24+$0xC050] =	vst v0;
	v0 =	vadd.f32 v3, v2  }
0x13d: {  	v9 =	vld [tilespmem:s29+$0x4010]  }
0x13e: {  	v2 =	vld [tilespmem:s29+$0xC020];
	v1 =	vadd.f32 v1, v7;
	[tilespmem:s24+$0xC060] =	vst v0;
	s24 =	smov.u32 s29  }
.Ltmp5:
0x13f: {  	v5 =	vld [tilespmem:s24+$0x4020];
	(pc) =	sbr.rel @p0 .LBB2_12-.Ltmp5, $4  }
0x140: {  	v4 =	vadd.f32 v6, v4;
	v0 =	vld [tilespmem:s24+$0xC030];
	[tilespmem:s24+$0xC070] =	vst v1  }
0x141: {  	v3 =	vld [tilespmem:s24+$0x4030]  }
0x142: {  	[tilespmem:s24+$0xC000] =	vst v4;
	v6 =	vadd.f32 v9, v8;
	v1 =	vld [tilespmem:s24+$0xC040]  }
0x143: {  	v4 =	vld [tilespmem:s24+$0x4040]  }
0x144: {  	v7 =	vld [tilespmem:s24+$0xC050]  }
0x145: {  	v8 =	vld [tilespmem:s24+$0x4050]  }
0x146: {  	v9 =	vld [tilespmem:s24+$0xC060]  }
0x147: {  	v10 =	vld [tilespmem:s24+$0x4060]  }
0x148: {  	v2 =	vadd.f32 v5, v2  }
0x149: {  	[tilespmem:s24+$0xC010] =	vst v6;
	v0 =	vadd.f32 v3, v0  }
0x14a: {  	[tilespmem:s24+$0xC020] =	vst v2;
	v1 =	vadd.f32 v4, v1  }
0x14b: {  	[tilespmem:s24+$0xC030] =	vst v0;
	v0 =	vadd.f32 v8, v7  }
0x14c: {  	[tilespmem:s24+$0xC040] =	vst v1;
	v1 =	vadd.f32 v10, v9  }
0x14d: {  	[tilespmem:s24+$0xC050] =	vst v0  }
0x14e: {  	[tilespmem:s24+$0xC060] =	vst v1  }
0x14f: {  	s25 =	simm.s32 $0x0;
	s24 =	rddreg [dreg:$0x12]  }
0x150: {  	[hbm4b:s24+s25] =	stream.linear.scatter [tilespmem:s10], [sflag:$0x8], $0x4000, $0x38;
	[tilespmem:$0x18000] =	vst v63  }
0x151: {  	_ =	swait.ge [sflag:s17], $0x4000  }
0x152: {  	[sflag:s17] =	ssyncset.done $0x0  }
0x153: {  	s26 =	simm.s32 $0x0;
	s29 =	rddreg [dreg:$0x16];
	[sflag:s17] =	ssyncadd.s32 $0xFFFFC000  }
0x154: {  	[tilespmem:s9], [sflag:$0x3] =	stream.linear.gather [hbm4b:s29+s25], $0x4000, $0x38;
	[tilespmem:$0x18000] =	vst v63  }
0x155: {  	s30 =	sand.u32 $0x2000, s26;
	s28 =	sand.u32 $0x1C00, s25;
	_ =	swait.ge [sflag:s18], $0x4000  }
0x156: {  	s24 =	sor.u32 s30, s28;
	s28 =	sand.u32 $0x380, s25;
	[sflag:s18] =	ssyncset.done $0x0  }
0x157: {  	s24 =	sor.u32 s28, s24;
	[sflag:s18] =	ssyncadd.s32 $0xFFFFC000  }
0x158: {  	v0 =	vld [tilespmem:s24+$0x10070]  }
0x159: {  	v1 =	vld [tilespmem:s24+$0x4070]  }
0x15a: {  	v3 =	vld [tilespmem:s24+$0x10000]  }
0x15b: {  	v4 =	vld [tilespmem:s24+$0x4000]  }
0x15c: {  	v6 =	vld [tilespmem:s24+$0x10010]  }
0x15d: {  	v7 =	vld [tilespmem:s24+$0x4010]  }
0x15e: {  	v2 =	vld [tilespmem:s24+$0x10020]  }
0x15f: {  	v5 =	vld [tilespmem:s24+$0x4020]  }
0x160: {  	v1 =	vadd.f32 v1, v0;
	v0 =	vld [tilespmem:s24+$0x10030]  }
0x161: {  	v4 =	vadd.f32 v4, v3;
	v3 =	vld [tilespmem:s24+$0x4030]  }
0x162: {  	v6 =	vadd.f32 v7, v6;
	[tilespmem:s24+$0x10070] =	vst v1;
	v1 =	vld [tilespmem:s24+$0x10040]  }
0x163: {  	s28 =	simm.s32 $0x0;
	[tilespmem:s24+$0x10000] =	vst v4;
	v4 =	vld [tilespmem:s24+$0x4040]  }
.LBB2_14:
0x164: {  	s26 =	sadd.s32 $0x80, s26;
	[tilespmem:s24+$0x10010] =	vst v6;
	v2 =	vadd.f32 v5, v2;
	v5 =	vld [tilespmem:s24+$0x10050];
	s25 =	sadd.s32 $0x400, s25  }
0x165: {  	s28 =	sadd.s32 $0x10, s28;
	s29 =	sand.u32 $0x2000, s26;
	s30 =	sand.u32 $0x1C00, s25;
	v6 =	vld [tilespmem:s24+$0x4050]  }
0x166: {  	p0 =	slt.u32 s26, $0x3F80;
	s29 =	sor.u32 s29, s30;
	s30 =	sand.u32 $0x380, s28;
	[tilespmem:s24+$0x10020] =	vst v2;
	v0 =	vadd.f32 v3, v0;
	v2 =	vld [tilespmem:s24+$0x10060]  }
0x167: {  	s29 =	sor.u32 s30, s29;
	v3 =	vld [tilespmem:s24+$0x4060]  }
0x168: {  	v7 =	vld [tilespmem:s29+$0x10070];
	[tilespmem:s24+$0x10030] =	vst v0;
	v0 =	vadd.f32 v4, v1  }
0x169: {  	v1 =	vld [tilespmem:s29+$0x4070]  }
0x16a: {  	v4 =	vld [tilespmem:s29+$0x10000];
	[tilespmem:s24+$0x10040] =	vst v0;
	v0 =	vadd.f32 v6, v5  }
0x16b: {  	v6 =	vld [tilespmem:s29+$0x4000]  }
0x16c: {  	v8 =	vld [tilespmem:s29+$0x10010];
	[tilespmem:s24+$0x10050] =	vst v0;
	v0 =	vadd.f32 v3, v2  }
0x16d: {  	v9 =	vld [tilespmem:s29+$0x4010]  }
0x16e: {  	v2 =	vld [tilespmem:s29+$0x10020];
	v1 =	vadd.f32 v1, v7;
	[tilespmem:s24+$0x10060] =	vst v0;
	s24 =	smov.u32 s29  }
.Ltmp6:
0x16f: {  	v5 =	vld [tilespmem:s24+$0x4020];
	(pc) =	sbr.rel @p0 .LBB2_14-.Ltmp6, $4  }
0x170: {  	v4 =	vadd.f32 v6, v4;
	v0 =	vld [tilespmem:s24+$0x10030];
	[tilespmem:s24+$0x10070] =	vst v1  }
0x171: {  	v3 =	vld [tilespmem:s24+$0x4030]  }
0x172: {  	[tilespmem:s24+$0x10000] =	vst v4;
	v6 =	vadd.f32 v9, v8;
	v1 =	vld [tilespmem:s24+$0x10040]  }
0x173: {  	v4 =	vld [tilespmem:s24+$0x4040]  }
0x174: {  	v7 =	vld [tilespmem:s24+$0x10050]  }
0x175: {  	v8 =	vld [tilespmem:s24+$0x4050]  }
0x176: {  	v9 =	vld [tilespmem:s24+$0x10060]  }
0x177: {  	v10 =	vld [tilespmem:s24+$0x4060]  }
0x178: {  	v2 =	vadd.f32 v5, v2  }
0x179: {  	[tilespmem:s24+$0x10010] =	vst v6;
	v0 =	vadd.f32 v3, v0  }
0x17a: {  	[tilespmem:s24+$0x10020] =	vst v2;
	v1 =	vadd.f32 v4, v1  }
0x17b: {  	[tilespmem:s24+$0x10030] =	vst v0;
	v0 =	vadd.f32 v8, v7  }
0x17c: {  	[tilespmem:s24+$0x10040] =	vst v1;
	v1 =	vadd.f32 v10, v9  }
0x17d: {  	[tilespmem:s24+$0x10050] =	vst v0  }
0x17e: {  	[tilespmem:s24+$0x10060] =	vst v1  }
0x17f: {  	s25 =	simm.s32 $0x0;
	s24 =	rddreg [dreg:$0x13]  }
0x180: {  	[hbm4b:s24+s25] =	stream.linear.scatter [tilespmem:s11], [sflag:$0x9], $0x4000, $0x38;
	[tilespmem:$0x18000] =	vst v63  }
0x181: {  	_ =	swait.ge [sflag:s19], $0x4000  }
0x182: {  	[sflag:s19] =	ssyncset.done $0x0  }
0x183: {  	s26 =	simm.s32 $0x0;
	s29 =	rddreg [dreg:$0x18];
	[sflag:s19] =	ssyncadd.s32 $0xFFFFC000  }
0x184: {  	[tilespmem:s10], [sflag:$0x4] =	stream.linear.gather [hbm4b:s29+s25], $0x4000, $0x38;
	[tilespmem:$0x18000] =	vst v63  }
0x185: {  	s30 =	sand.u32 $0x2000, s26;
	s28 =	sand.u32 $0x1C00, s25;
	_ =	swait.ge [sflag:s20], $0x4000  }
0x186: {  	s24 =	sor.u32 s30, s28;
	s28 =	sand.u32 $0x380, s25;
	[sflag:s20] =	ssyncset.done $0x0  }
0x187: {  	s24 =	sor.u32 s28, s24;
	[sflag:s20] =	ssyncadd.s32 $0xFFFFC000  }
0x188: {  	v0 =	vld [tilespmem:s24+$0x14070]  }
0x189: {  	v1 =	vld [tilespmem:s24+$0x4070]  }
0x18a: {  	v3 =	vld [tilespmem:s24+$0x14000]  }
0x18b: {  	v4 =	vld [tilespmem:s24+$0x4000]  }
0x18c: {  	v6 =	vld [tilespmem:s24+$0x14010]  }
0x18d: {  	v7 =	vld [tilespmem:s24+$0x4010]  }
0x18e: {  	v2 =	vld [tilespmem:s24+$0x14020]  }
0x18f: {  	v5 =	vld [tilespmem:s24+$0x4020]  }
0x190: {  	v1 =	vadd.f32 v1, v0;
	v0 =	vld [tilespmem:s24+$0x14030]  }
0x191: {  	v4 =	vadd.f32 v4, v3;
	v3 =	vld [tilespmem:s24+$0x4030]  }
0x192: {  	v6 =	vadd.f32 v7, v6;
	[tilespmem:s24+$0x14070] =	vst v1;
	v1 =	vld [tilespmem:s24+$0x14040]  }
0x193: {  	s28 =	simm.s32 $0x0;
	[tilespmem:s24+$0x14000] =	vst v4;
	v4 =	vld [tilespmem:s24+$0x4040]  }
.LBB2_16:
0x194: {  	s26 =	sadd.s32 $0x80, s26;
	[tilespmem:s24+$0x14010] =	vst v6;
	v2 =	vadd.f32 v5, v2;
	v5 =	vld [tilespmem:s24+$0x14050];
	s25 =	sadd.s32 $0x400, s25  }
0x195: {  	s28 =	sadd.s32 $0x10, s28;
	s29 =	sand.u32 $0x2000, s26;
	s30 =	sand.u32 $0x1C00, s25;
	v6 =	vld [tilespmem:s24+$0x4050]  }
0x196: {  	p0 =	slt.u32 s26, $0x3F80;
	s29 =	sor.u32 s29, s30;
	s30 =	sand.u32 $0x380, s28;
	[tilespmem:s24+$0x14020] =	vst v2;
	v0 =	vadd.f32 v3, v0;
	v2 =	vld [tilespmem:s24+$0x14060]  }
0x197: {  	s29 =	sor.u32 s30, s29;
	v3 =	vld [tilespmem:s24+$0x4060]  }
0x198: {  	v7 =	vld [tilespmem:s29+$0x14070];
	[tilespmem:s24+$0x14030] =	vst v0;
	v0 =	vadd.f32 v4, v1  }
0x199: {  	v1 =	vld [tilespmem:s29+$0x4070]  }
0x19a: {  	v4 =	vld [tilespmem:s29+$0x14000];
	[tilespmem:s24+$0x14040] =	vst v0;
	v0 =	vadd.f32 v6, v5  }
0x19b: {  	v6 =	vld [tilespmem:s29+$0x4000]  }
0x19c: {  	v8 =	vld [tilespmem:s29+$0x14010];
	[tilespmem:s24+$0x14050] =	vst v0;
	v0 =	vadd.f32 v3, v2  }
0x19d: {  	v9 =	vld [tilespmem:s29+$0x4010]  }
0x19e: {  	v2 =	vld [tilespmem:s29+$0x14020];
	v1 =	vadd.f32 v1, v7;
	[tilespmem:s24+$0x14060] =	vst v0;
	s24 =	smov.u32 s29  }
.Ltmp7:
0x19f: {  	v5 =	vld [tilespmem:s24+$0x4020];
	(pc) =	sbr.rel @p0 .LBB2_16-.Ltmp7, $4  }
0x1a0: {  	v4 =	vadd.f32 v6, v4;
	v0 =	vld [tilespmem:s24+$0x14030];
	[tilespmem:s24+$0x14070] =	vst v1  }
0x1a1: {  	v3 =	vld [tilespmem:s24+$0x4030]  }
0x1a2: {  	[tilespmem:s24+$0x14000] =	vst v4;
	v6 =	vadd.f32 v9, v8;
	v1 =	vld [tilespmem:s24+$0x14040]  }
0x1a3: {  	v4 =	vld [tilespmem:s24+$0x4040]  }
0x1a4: {  	v7 =	vld [tilespmem:s24+$0x14050]  }
0x1a5: {  	v8 =	vld [tilespmem:s24+$0x4050]  }
0x1a6: {  	v9 =	vld [tilespmem:s24+$0x14060]  }
0x1a7: {  	v10 =	vld [tilespmem:s24+$0x4060]  }
0x1a8: {  	v2 =	vadd.f32 v5, v2  }
0x1a9: {  	[tilespmem:s24+$0x14010] =	vst v6;
	v0 =	vadd.f32 v3, v0  }
0x1aa: {  	[tilespmem:s24+$0x14020] =	vst v2;
	v1 =	vadd.f32 v4, v1  }
0x1ab: {  	[tilespmem:s24+$0x14030] =	vst v0;
	v0 =	vadd.f32 v8, v7  }
0x1ac: {  	[tilespmem:s24+$0x14040] =	vst v1;
	v1 =	vadd.f32 v10, v9  }
0x1ad: {  	[tilespmem:s24+$0x14050] =	vst v0  }
0x1ae: {  	[tilespmem:s24+$0x14060] =	vst v1  }
0x1af: {  	s24 =	simm.s32 $0x0;
	s25 =	rddreg [dreg:$0x14]  }
0x1b0: {  	[hbm4b:s25+s24] =	stream.linear.scatter [tilespmem:s15], [sflag:$0xA], $0x4000, $0x38;
	[tilespmem:$0x18000] =	vst v63  }
0x1b1: {  	_ =	swait.ge [sflag:s21], $0x4000  }
0x1b2: {  	[sflag:s21] =	ssyncset.done $0x0  }
0x1b3: {  	s26 =	rddreg [dreg:$0x1a];
	[sflag:s21] =	ssyncadd.s32 $0xFFFFC000  }
0x1b4: {  	[tilespmem:s11], [sflag:$0x5] =	stream.linear.gather [hbm4b:s26+s24], $0x4000, $0x38;
	[tilespmem:$0x18000] =	vst v63  }
0x1b5: {  	s29 =	rddreg [dreg:$0x15];
	s26 =	simm.s32 $0x4000  }
0x1b6: {  	[tilespmem:s26], [sflag:$0x2] =	stream.linear.gather [hbm4b:s29+s24], $0x4000, $0x38;
	[tilespmem:$0x18000] =	vst v63  }
0x1b7: {  	_ =	swait.ge [sflag:s13], $0x4000  }
0x1b8: {  	[sflag:s13] =	ssyncset.done $0x0  }
0x1b9: {  	s26 =	simm.s32 $0x0;
	[sflag:s13] =	ssyncadd.s32 $0xFFFFC000  }
0x1ba: {  	s28 =	sand.u32 $0x1C00, s24;
	s30 =	sand.u32 $0x2000, s26;
	_ =	swait.ge [sflag:s14], $0x4000  }
0x1bb: {  	s25 =	sor.u32 s30, s28;
	s28 =	sand.u32 $0x380, s24;
	[sflag:s14] =	ssyncset.done $0x0  }
0x1bc: {  	s25 =	sor.u32 s28, s25;
	[sflag:s14] =	ssyncadd.s32 $0xFFFFC000  }
0x1bd: {  	v0 =	vld [tilespmem:s25+$0x8070]  }
0x1be: {  	v1 =	vld [tilespmem:s25+$0x70]  }
0x1bf: {  	v3 =	vld [tilespmem:s25+$0x8000]  }
0x1c0: {  	v4 =	vld [tilespmem:s25+$0x0]  }
0x1c1: {  	v6 =	vld [tilespmem:s25+$0x8010]  }
0x1c2: {  	v7 =	vld [tilespmem:s25+$0x10]  }
0x1c3: {  	v2 =	vld [tilespmem:s25+$0x8020]  }
0x1c4: {  	v5 =	vld [tilespmem:s25+$0x20]  }
0x1c5: {  	v1 =	vadd.f32 v1, v0;
	v0 =	vld [tilespmem:s25+$0x8030]  }
0x1c6: {  	v4 =	vadd.f32 v4, v3;
	v3 =	vld [tilespmem:s25+$0x30]  }
0x1c7: {  	v6 =	vadd.f32 v7, v6;
	[tilespmem:s25+$0x8070] =	vst v1;
	v1 =	vld [tilespmem:s25+$0x8040]  }
0x1c8: {  	s28 =	simm.s32 $0x0;
	[tilespmem:s25+$0x8000] =	vst v4;
	v4 =	vld [tilespmem:s25+$0x40]  }
.LBB2_18:
0x1c9: {  	s26 =	sadd.s32 $0x80, s26;
	[tilespmem:s25+$0x8010] =	vst v6;
	v2 =	vadd.f32 v5, v2;
	v5 =	vld [tilespmem:s25+$0x8050];
	s24 =	sadd.s32 $0x400, s24  }
0x1ca: {  	s28 =	sadd.s32 $0x10, s28;
	s29 =	sand.u32 $0x2000, s26;
	s30 =	sand.u32 $0x1C00, s24;
	v6 =	vld [tilespmem:s25+$0x50]  }
0x1cb: {  	p0 =	slt.u32 s26, $0x3F80;
	s29 =	sor.u32 s29, s30;
	s30 =	sand.u32 $0x380, s28;
	[tilespmem:s25+$0x8020] =	vst v2;
	v0 =	vadd.f32 v3, v0;
	v2 =	vld [tilespmem:s25+$0x8060]  }
0x1cc: {  	s29 =	sor.u32 s30, s29;
	v3 =	vld [tilespmem:s25+$0x60]  }
0x1cd: {  	v7 =	vld [tilespmem:s29+$0x8070];
	[tilespmem:s25+$0x8030] =	vst v0;
	v0 =	vadd.f32 v4, v1  }
0x1ce: {  	v1 =	vld [tilespmem:s29+$0x70]  }
0x1cf: {  	v4 =	vld [tilespmem:s29+$0x8000];
	[tilespmem:s25+$0x8040] =	vst v0;
	v0 =	vadd.f32 v6, v5  }
0x1d0: {  	v6 =	vld [tilespmem:s29+$0x0]  }
0x1d1: {  	v8 =	vld [tilespmem:s29+$0x8010];
	[tilespmem:s25+$0x8050] =	vst v0;
	v0 =	vadd.f32 v3, v2  }
0x1d2: {  	v9 =	vld [tilespmem:s29+$0x10]  }
0x1d3: {  	v2 =	vld [tilespmem:s29+$0x8020];
	v1 =	vadd.f32 v1, v7;
	[tilespmem:s25+$0x8060] =	vst v0;
	s25 =	smov.u32 s29  }
.Ltmp8:
0x1d4: {  	v5 =	vld [tilespmem:s25+$0x20];
	(pc) =	sbr.rel @p0 .LBB2_18-.Ltmp8, $4  }
0x1d5: {  	v4 =	vadd.f32 v6, v4;
	v0 =	vld [tilespmem:s25+$0x8030];
	[tilespmem:s25+$0x8070] =	vst v1  }
0x1d6: {  	v3 =	vld [tilespmem:s25+$0x30]  }
0x1d7: {  	[tilespmem:s25+$0x8000] =	vst v4;
	v6 =	vadd.f32 v9, v8;
	v1 =	vld [tilespmem:s25+$0x8040]  }
0x1d8: {  	v4 =	vld [tilespmem:s25+$0x40]  }
0x1d9: {  	v7 =	vld [tilespmem:s25+$0x8050]  }
0x1da: {  	v8 =	vld [tilespmem:s25+$0x50]  }
0x1db: {  	v9 =	vld [tilespmem:s25+$0x8060]  }
0x1dc: {  	v10 =	vld [tilespmem:s25+$0x60]  }
0x1dd: {  	v2 =	vadd.f32 v5, v2  }
0x1de: {  	[tilespmem:s25+$0x8010] =	vst v6;
	v0 =	vadd.f32 v3, v0  }
0x1df: {  	[tilespmem:s25+$0x8020] =	vst v2;
	v1 =	vadd.f32 v4, v1  }
0x1e0: {  	[tilespmem:s25+$0x8030] =	vst v0;
	v0 =	vadd.f32 v8, v7  }
0x1e1: {  	[tilespmem:s25+$0x8040] =	vst v1;
	v1 =	vadd.f32 v10, v9  }
0x1e2: {  	[tilespmem:s25+$0x8050] =	vst v0  }
0x1e3: {  	[tilespmem:s25+$0x8060] =	vst v1  }
0x1e4: {  	s25 =	simm.s32 $0x0;
	s24 =	rddreg [dreg:$0x17]  }
0x1e5: {  	[hbm4b:s24+s25] =	stream.linear.scatter [tilespmem:s9], [sflag:$0x7], $0x4000, $0x38;
	[tilespmem:$0x18000] =	vst v63  }
0x1e6: {  	_ =	swait.ge [sflag:s22], $0x4000  }
0x1e7: {  	[sflag:s22] =	ssyncset.done $0x0  }
0x1e8: {  	s26 =	simm.s32 $0x0;
	s29 =	rddreg [dreg:$0x1c];
	[sflag:s22] =	ssyncadd.s32 $0xFFFFC000  }
0x1e9: {  	[tilespmem:s15], [sflag:$0x6] =	stream.linear.gather [hbm4b:s29+s25], $0x4000, $0x38;
	[tilespmem:$0x18000] =	vst v63  }
0x1ea: {  	s30 =	sand.u32 $0x2000, s26;
	s28 =	sand.u32 $0x1C00, s25;
	_ =	swait.ge [sflag:s16], $0x4000  }
0x1eb: {  	s24 =	sor.u32 s30, s28;
	s28 =	sand.u32 $0x380, s25;
	[sflag:s16] =	ssyncset.done $0x0  }
0x1ec: {  	s24 =	sor.u32 s28, s24;
	[sflag:s16] =	ssyncadd.s32 $0xFFFFC000  }
0x1ed: {  	v0 =	vld [tilespmem:s24+$0xC070]  }
0x1ee: {  	v1 =	vld [tilespmem:s24+$0x70]  }
0x1ef: {  	v3 =	vld [tilespmem:s24+$0xC000]  }
0x1f0: {  	v4 =	vld [tilespmem:s24+$0x0]  }
0x1f1: {  	v6 =	vld [tilespmem:s24+$0xC010]  }
0x1f2: {  	v7 =	vld [tilespmem:s24+$0x10]  }
0x1f3: {  	v2 =	vld [tilespmem:s24+$0xC020]  }
0x1f4: {  	v5 =	vld [tilespmem:s24+$0x20]  }
0x1f5: {  	v1 =	vadd.f32 v1, v0;
	v0 =	vld [tilespmem:s24+$0xC030]  }
0x1f6: {  	v4 =	vadd.f32 v4, v3;
	v3 =	vld [tilespmem:s24+$0x30]  }
0x1f7: {  	v6 =	vadd.f32 v7, v6;
	[tilespmem:s24+$0xC070] =	vst v1;
	v1 =	vld [tilespmem:s24+$0xC040]  }
0x1f8: {  	s28 =	simm.s32 $0x0;
	[tilespmem:s24+$0xC000] =	vst v4;
	v4 =	vld [tilespmem:s24+$0x40]  }
.LBB2_20:
0x1f9: {  	s26 =	sadd.s32 $0x80, s26;
	[tilespmem:s24+$0xC010] =	vst v6;
	v2 =	vadd.f32 v5, v2;
	v5 =	vld [tilespmem:s24+$0xC050];
	s25 =	sadd.s32 $0x400, s25  }
0x1fa: {  	s28 =	sadd.s32 $0x10, s28;
	s29 =	sand.u32 $0x2000, s26;
	s30 =	sand.u32 $0x1C00, s25;
	v6 =	vld [tilespmem:s24+$0x50]  }
0x1fb: {  	p0 =	slt.u32 s26, $0x3F80;
	s29 =	sor.u32 s29, s30;
	s30 =	sand.u32 $0x380, s28;
	[tilespmem:s24+$0xC020] =	vst v2;
	v0 =	vadd.f32 v3, v0;
	v2 =	vld [tilespmem:s24+$0xC060]  }
0x1fc: {  	s29 =	sor.u32 s30, s29;
	v3 =	vld [tilespmem:s24+$0x60]  }
0x1fd: {  	v7 =	vld [tilespmem:s29+$0xC070];
	[tilespmem:s24+$0xC030] =	vst v0;
	v0 =	vadd.f32 v4, v1  }
0x1fe: {  	v1 =	vld [tilespmem:s29+$0x70]  }
0x1ff: {  	v4 =	vld [tilespmem:s29+$0xC000];
	[tilespmem:s24+$0xC040] =	vst v0;
	v0 =	vadd.f32 v6, v5  }
0x200: {  	v6 =	vld [tilespmem:s29+$0x0]  }
0x201: {  	v8 =	vld [tilespmem:s29+$0xC010];
	[tilespmem:s24+$0xC050] =	vst v0;
	v0 =	vadd.f32 v3, v2  }
0x202: {  	v9 =	vld [tilespmem:s29+$0x10]  }
0x203: {  	v2 =	vld [tilespmem:s29+$0xC020];
	v1 =	vadd.f32 v1, v7;
	[tilespmem:s24+$0xC060] =	vst v0;
	s24 =	smov.u32 s29  }
.Ltmp9:
0x204: {  	v5 =	vld [tilespmem:s24+$0x20];
	(pc) =	sbr.rel @p0 .LBB2_20-.Ltmp9, $4  }
0x205: {  	v4 =	vadd.f32 v6, v4;
	v0 =	vld [tilespmem:s24+$0xC030];
	[tilespmem:s24+$0xC070] =	vst v1  }
0x206: {  	v3 =	vld [tilespmem:s24+$0x30]  }
0x207: {  	[tilespmem:s24+$0xC000] =	vst v4;
	v6 =	vadd.f32 v9, v8;
	v1 =	vld [tilespmem:s24+$0xC040]  }
0x208: {  	v4 =	vld [tilespmem:s24+$0x40]  }
0x209: {  	v7 =	vld [tilespmem:s24+$0xC050]  }
0x20a: {  	v8 =	vld [tilespmem:s24+$0x50]  }
0x20b: {  	v9 =	vld [tilespmem:s24+$0xC060]  }
0x20c: {  	v10 =	vld [tilespmem:s24+$0x60]  }
0x20d: {  	v2 =	vadd.f32 v5, v2  }
0x20e: {  	[tilespmem:s24+$0xC010] =	vst v6;
	v0 =	vadd.f32 v3, v0  }
0x20f: {  	[tilespmem:s24+$0xC020] =	vst v2;
	v1 =	vadd.f32 v4, v1  }
0x210: {  	[tilespmem:s24+$0xC030] =	vst v0;
	v0 =	vadd.f32 v8, v7  }
0x211: {  	[tilespmem:s24+$0xC040] =	vst v1;
	v1 =	vadd.f32 v10, v9  }
0x212: {  	[tilespmem:s24+$0xC050] =	vst v0  }
0x213: {  	[tilespmem:s24+$0xC060] =	vst v1  }
0x214: {  	s25 =	simm.s32 $0x0;
	s24 =	rddreg [dreg:$0x19]  }
0x215: {  	[hbm4b:s24+s25] =	stream.linear.scatter [tilespmem:s10], [sflag:$0x8], $0x4000, $0x38;
	[tilespmem:$0x18000] =	vst v63  }
0x216: {  	_ =	swait.ge [sflag:s17], $0x4000  }
0x217: {  	[sflag:s17] =	ssyncset.done $0x0  }
0x218: {  	s26 =	simm.s32 $0x0;
	s29 =	rddreg [dreg:$0x1e];
	[sflag:s17] =	ssyncadd.s32 $0xFFFFC000  }
0x219: {  	[tilespmem:s9], [sflag:$0x3] =	stream.linear.gather [hbm4b:s29+s25], $0x4000, $0x38;
	[tilespmem:$0x18000] =	vst v63  }
0x21a: {  	s30 =	sand.u32 $0x2000, s26;
	s28 =	sand.u32 $0x1C00, s25;
	_ =	swait.ge [sflag:s18], $0x4000  }
0x21b: {  	s24 =	sor.u32 s30, s28;
	s28 =	sand.u32 $0x380, s25;
	[sflag:s18] =	ssyncset.done $0x0  }
0x21c: {  	s24 =	sor.u32 s28, s24;
	[sflag:s18] =	ssyncadd.s32 $0xFFFFC000  }
0x21d: {  	v0 =	vld [tilespmem:s24+$0x10070]  }
0x21e: {  	v1 =	vld [tilespmem:s24+$0x70]  }
0x21f: {  	v3 =	vld [tilespmem:s24+$0x10000]  }
0x220: {  	v4 =	vld [tilespmem:s24+$0x0]  }
0x221: {  	v6 =	vld [tilespmem:s24+$0x10010]  }
0x222: {  	v7 =	vld [tilespmem:s24+$0x10]  }
0x223: {  	v2 =	vld [tilespmem:s24+$0x10020]  }
0x224: {  	v5 =	vld [tilespmem:s24+$0x20]  }
0x225: {  	v1 =	vadd.f32 v1, v0;
	v0 =	vld [tilespmem:s24+$0x10030]  }
0x226: {  	v4 =	vadd.f32 v4, v3;
	v3 =	vld [tilespmem:s24+$0x30]  }
0x227: {  	v6 =	vadd.f32 v7, v6;
	[tilespmem:s24+$0x10070] =	vst v1;
	v1 =	vld [tilespmem:s24+$0x10040]  }
0x228: {  	s28 =	simm.s32 $0x0;
	[tilespmem:s24+$0x10000] =	vst v4;
	v4 =	vld [tilespmem:s24+$0x40]  }
.LBB2_22:
0x229: {  	s26 =	sadd.s32 $0x80, s26;
	[tilespmem:s24+$0x10010] =	vst v6;
	v2 =	vadd.f32 v5, v2;
	v5 =	vld [tilespmem:s24+$0x10050];
	s25 =	sadd.s32 $0x400, s25  }
0x22a: {  	s28 =	sadd.s32 $0x10, s28;
	s29 =	sand.u32 $0x2000, s26;
	s30 =	sand.u32 $0x1C00, s25;
	v6 =	vld [tilespmem:s24+$0x50]  }
0x22b: {  	p0 =	slt.u32 s26, $0x3F80;
	s29 =	sor.u32 s29, s30;
	s30 =	sand.u32 $0x380, s28;
	[tilespmem:s24+$0x10020] =	vst v2;
	v0 =	vadd.f32 v3, v0;
	v2 =	vld [tilespmem:s24+$0x10060]  }
0x22c: {  	s29 =	sor.u32 s30, s29;
	v3 =	vld [tilespmem:s24+$0x60]  }
0x22d: {  	v7 =	vld [tilespmem:s29+$0x10070];
	[tilespmem:s24+$0x10030] =	vst v0;
	v0 =	vadd.f32 v4, v1  }
0x22e: {  	v1 =	vld [tilespmem:s29+$0x70]  }
0x22f: {  	v4 =	vld [tilespmem:s29+$0x10000];
	[tilespmem:s24+$0x10040] =	vst v0;
	v0 =	vadd.f32 v6, v5  }
0x230: {  	v6 =	vld [tilespmem:s29+$0x0]  }
0x231: {  	v8 =	vld [tilespmem:s29+$0x10010];
	[tilespmem:s24+$0x10050] =	vst v0;
	v0 =	vadd.f32 v3, v2  }
0x232: {  	v9 =	vld [tilespmem:s29+$0x10]  }
0x233: {  	v2 =	vld [tilespmem:s29+$0x10020];
	v1 =	vadd.f32 v1, v7;
	[tilespmem:s24+$0x10060] =	vst v0;
	s24 =	smov.u32 s29  }
.Ltmp10:
0x234: {  	v5 =	vld [tilespmem:s24+$0x20];
	(pc) =	sbr.rel @p0 .LBB2_22-.Ltmp10, $4  }
0x235: {  	v4 =	vadd.f32 v6, v4;
	v0 =	vld [tilespmem:s24+$0x10030];
	[tilespmem:s24+$0x10070] =	vst v1  }
0x236: {  	v3 =	vld [tilespmem:s24+$0x30]  }
0x237: {  	[tilespmem:s24+$0x10000] =	vst v4;
	v6 =	vadd.f32 v9, v8;
	v1 =	vld [tilespmem:s24+$0x10040]  }
0x238: {  	v4 =	vld [tilespmem:s24+$0x40]  }
0x239: {  	v7 =	vld [tilespmem:s24+$0x10050]  }
0x23a: {  	v8 =	vld [tilespmem:s24+$0x50]  }
0x23b: {  	v9 =	vld [tilespmem:s24+$0x10060]  }
0x23c: {  	v10 =	vld [tilespmem:s24+$0x60]  }
0x23d: {  	v2 =	vadd.f32 v5, v2  }
0x23e: {  	[tilespmem:s24+$0x10010] =	vst v6;
	v0 =	vadd.f32 v3, v0  }
0x23f: {  	[tilespmem:s24+$0x10020] =	vst v2;
	v1 =	vadd.f32 v4, v1  }
0x240: {  	[tilespmem:s24+$0x10030] =	vst v0;
	v0 =	vadd.f32 v8, v7  }
0x241: {  	[tilespmem:s24+$0x10040] =	vst v1;
	v1 =	vadd.f32 v10, v9  }
0x242: {  	[tilespmem:s24+$0x10050] =	vst v0  }
0x243: {  	[tilespmem:s24+$0x10060] =	vst v1  }
0x244: {  	s25 =	simm.s32 $0x0;
	s24 =	rddreg [dreg:$0x1b]  }
0x245: {  	[hbm4b:s24+s25] =	stream.linear.scatter [tilespmem:s11], [sflag:$0x9], $0x4000, $0x38;
	[tilespmem:$0x18000] =	vst v63  }
0x246: {  	_ =	swait.ge [sflag:s19], $0x4000  }
0x247: {  	[sflag:s19] =	ssyncset.done $0x0  }
0x248: {  	s26 =	simm.s32 $0x0;
	[sflag:s19] =	ssyncadd.s32 $0xFFFFC000  }
0x249: {  	[tilespmem:s10], [sflag:$0x4] =	stream.linear.gather [hbm4b:s2+s25], $0x4000, $0x38;
	[tilespmem:$0x18000] =	vst v63  }
0x24a: {  	s30 =	sand.u32 $0x2000, s26;
	s28 =	sand.u32 $0x1C00, s25;
	_ =	swait.ge [sflag:s20], $0x4000  }
0x24b: {  	s24 =	sor.u32 s30, s28;
	s28 =	sand.u32 $0x380, s25;
	[sflag:s20] =	ssyncset.done $0x0  }
0x24c: {  	s24 =	sor.u32 s28, s24;
	[sflag:s20] =	ssyncadd.s32 $0xFFFFC000  }
0x24d: {  	v0 =	vld [tilespmem:s24+$0x14070]  }
0x24e: {  	v1 =	vld [tilespmem:s24+$0x70]  }
0x24f: {  	v3 =	vld [tilespmem:s24+$0x14000]  }
0x250: {  	v4 =	vld [tilespmem:s24+$0x0]  }
0x251: {  	v6 =	vld [tilespmem:s24+$0x14010]  }
0x252: {  	v7 =	vld [tilespmem:s24+$0x10]  }
0x253: {  	v2 =	vld [tilespmem:s24+$0x14020]  }
0x254: {  	v5 =	vld [tilespmem:s24+$0x20]  }
0x255: {  	v1 =	vadd.f32 v1, v0;
	v0 =	vld [tilespmem:s24+$0x14030]  }
0x256: {  	v4 =	vadd.f32 v4, v3;
	v3 =	vld [tilespmem:s24+$0x30]  }
0x257: {  	v6 =	vadd.f32 v7, v6;
	[tilespmem:s24+$0x14070] =	vst v1;
	v1 =	vld [tilespmem:s24+$0x14040]  }
0x258: {  	s28 =	simm.s32 $0x0;
	[tilespmem:s24+$0x14000] =	vst v4;
	v4 =	vld [tilespmem:s24+$0x40]  }
.LBB2_24:
0x259: {  	s26 =	sadd.s32 $0x80, s26;
	[tilespmem:s24+$0x14010] =	vst v6;
	v2 =	vadd.f32 v5, v2;
	v5 =	vld [tilespmem:s24+$0x14050];
	s25 =	sadd.s32 $0x400, s25  }
0x25a: {  	s28 =	sadd.s32 $0x10, s28;
	s29 =	sand.u32 $0x2000, s26;
	s30 =	sand.u32 $0x1C00, s25;
	v6 =	vld [tilespmem:s24+$0x50]  }
0x25b: {  	p0 =	slt.u32 s26, $0x3F80;
	s29 =	sor.u32 s29, s30;
	s30 =	sand.u32 $0x380, s28;
	[tilespmem:s24+$0x14020] =	vst v2;
	v0 =	vadd.f32 v3, v0;
	v2 =	vld [tilespmem:s24+$0x14060]  }
0x25c: {  	s29 =	sor.u32 s30, s29;
	v3 =	vld [tilespmem:s24+$0x60]  }
0x25d: {  	v7 =	vld [tilespmem:s29+$0x14070];
	[tilespmem:s24+$0x14030] =	vst v0;
	v0 =	vadd.f32 v4, v1  }
0x25e: {  	v1 =	vld [tilespmem:s29+$0x70]  }
0x25f: {  	v4 =	vld [tilespmem:s29+$0x14000];
	[tilespmem:s24+$0x14040] =	vst v0;
	v0 =	vadd.f32 v6, v5  }
0x260: {  	v6 =	vld [tilespmem:s29+$0x0]  }
0x261: {  	v8 =	vld [tilespmem:s29+$0x14010];
	[tilespmem:s24+$0x14050] =	vst v0;
	v0 =	vadd.f32 v3, v2  }
0x262: {  	v9 =	vld [tilespmem:s29+$0x10]  }
0x263: {  	v2 =	vld [tilespmem:s29+$0x14020];
	v1 =	vadd.f32 v1, v7;
	[tilespmem:s24+$0x14060] =	vst v0;
	s24 =	smov.u32 s29  }
.Ltmp11:
0x264: {  	v5 =	vld [tilespmem:s24+$0x20];
	(pc) =	sbr.rel @p0 .LBB2_24-.Ltmp11, $4  }
0x265: {  	v4 =	vadd.f32 v6, v4;
	v0 =	vld [tilespmem:s24+$0x14030];
	[tilespmem:s24+$0x14070] =	vst v1  }
0x266: {  	v3 =	vld [tilespmem:s24+$0x30]  }
0x267: {  	[tilespmem:s24+$0x14000] =	vst v4;
	v6 =	vadd.f32 v9, v8;
	v1 =	vld [tilespmem:s24+$0x14040]  }
0x268: {  	v4 =	vld [tilespmem:s24+$0x40]  }
0x269: {  	v7 =	vld [tilespmem:s24+$0x14050]  }
0x26a: {  	v8 =	vld [tilespmem:s24+$0x50]  }
0x26b: {  	v9 =	vld [tilespmem:s24+$0x14060]  }
0x26c: {  	v10 =	vld [tilespmem:s24+$0x60]  }
0x26d: {  	v2 =	vadd.f32 v5, v2  }
0x26e: {  	[tilespmem:s24+$0x14010] =	vst v6;
	v0 =	vadd.f32 v3, v0  }
0x26f: {  	[tilespmem:s24+$0x14020] =	vst v2;
	v1 =	vadd.f32 v4, v1  }
0x270: {  	[tilespmem:s24+$0x14030] =	vst v0;
	v0 =	vadd.f32 v8, v7  }
0x271: {  	[tilespmem:s24+$0x14040] =	vst v1;
	v1 =	vadd.f32 v10, v9  }
0x272: {  	[tilespmem:s24+$0x14050] =	vst v0  }
0x273: {  	[tilespmem:s24+$0x14060] =	vst v1  }
0x274: {  	s24 =	simm.s32 $0x0;
	s25 =	rddreg [dreg:$0x1d]  }
0x275: {  	[hbm4b:s25+s24] =	stream.linear.scatter [tilespmem:s15], [sflag:$0xA], $0x4000, $0x38;
	[tilespmem:$0x18000] =	vst v63  }
0x276: {  	_ =	swait.ge [sflag:s21], $0x4000  }
0x277: {  	[sflag:s21] =	ssyncset.done $0x0  }
0x278: {  	[sflag:s21] =	ssyncadd.s32 $0xFFFFC000  }
0x279: {  	[tilespmem:s11], [sflag:$0x5] =	stream.linear.gather [hbm4b:s3+s24], $0x4000, $0x38;
	[tilespmem:$0x18000] =	vst v63  }
0x27a: {  	_ =	swait.ge [sflag:s12], $0x4000  }
0x27b: {  	[sflag:s12] =	ssyncset.done $0x0  }
0x27c: {  	s26 =	simm.s32 $0x0;
	[sflag:s12] =	ssyncadd.s32 $0xFFFFC000  }
0x27d: {  	s30 =	sand.u32 $0x2000, s26;
	s28 =	sand.u32 $0x1C00, s24;
	_ =	swait.ge [sflag:s14], $0x4000  }
0x27e: {  	s25 =	sor.u32 s30, s28;
	s28 =	sand.u32 $0x380, s24;
	[sflag:s14] =	ssyncset.done $0x0  }
0x27f: {  	s25 =	sor.u32 s28, s25;
	[sflag:s14] =	ssyncadd.s32 $0xFFFFC000  }
0x280: {  	v0 =	vld [tilespmem:s25+$0x8070]  }
0x281: {  	v1 =	vld [tilespmem:s25+$0x4070]  }
0x282: {  	v3 =	vld [tilespmem:s25+$0x8000]  }
0x283: {  	v4 =	vld [tilespmem:s25+$0x4000]  }
0x284: {  	v6 =	vld [tilespmem:s25+$0x8010]  }
0x285: {  	v7 =	vld [tilespmem:s25+$0x4010]  }
0x286: {  	v2 =	vld [tilespmem:s25+$0x8020]  }
0x287: {  	v5 =	vld [tilespmem:s25+$0x4020]  }
0x288: {  	v1 =	vadd.f32 v1, v0;
	v0 =	vld [tilespmem:s25+$0x8030]  }
0x289: {  	v4 =	vadd.f32 v4, v3;
	v3 =	vld [tilespmem:s25+$0x4030]  }
0x28a: {  	v6 =	vadd.f32 v7, v6;
	[tilespmem:s25+$0x8070] =	vst v1;
	v1 =	vld [tilespmem:s25+$0x8040]  }
0x28b: {  	s28 =	simm.s32 $0x0;
	[tilespmem:s25+$0x8000] =	vst v4;
	v4 =	vld [tilespmem:s25+$0x4040]  }
.LBB2_26:
0x28c: {  	s26 =	sadd.s32 $0x80, s26;
	[tilespmem:s25+$0x8010] =	vst v6;
	v2 =	vadd.f32 v5, v2;
	v5 =	vld [tilespmem:s25+$0x8050];
	s24 =	sadd.s32 $0x400, s24  }
0x28d: {  	s28 =	sadd.s32 $0x10, s28;
	s29 =	sand.u32 $0x2000, s26;
	s30 =	sand.u32 $0x1C00, s24;
	v6 =	vld [tilespmem:s25+$0x4050]  }
0x28e: {  	p0 =	slt.u32 s26, $0x3F80;
	s29 =	sor.u32 s29, s30;
	s30 =	sand.u32 $0x380, s28;
	[tilespmem:s25+$0x8020] =	vst v2;
	v0 =	vadd.f32 v3, v0;
	v2 =	vld [tilespmem:s25+$0x8060]  }
0x28f: {  	s29 =	sor.u32 s30, s29;
	v3 =	vld [tilespmem:s25+$0x4060]  }
0x290: {  	v7 =	vld [tilespmem:s29+$0x8070];
	[tilespmem:s25+$0x8030] =	vst v0;
	v0 =	vadd.f32 v4, v1  }
0x291: {  	v1 =	vld [tilespmem:s29+$0x4070]  }
0x292: {  	v4 =	vld [tilespmem:s29+$0x8000];
	[tilespmem:s25+$0x8040] =	vst v0;
	v0 =	vadd.f32 v6, v5  }
0x293: {  	v6 =	vld [tilespmem:s29+$0x4000]  }
0x294: {  	v8 =	vld [tilespmem:s29+$0x8010];
	[tilespmem:s25+$0x8050] =	vst v0;
	v0 =	vadd.f32 v3, v2  }
0x295: {  	v9 =	vld [tilespmem:s29+$0x4010]  }
0x296: {  	v2 =	vld [tilespmem:s29+$0x8020];
	v1 =	vadd.f32 v1, v7;
	[tilespmem:s25+$0x8060] =	vst v0;
	s25 =	smov.u32 s29  }
.Ltmp12:
0x297: {  	v5 =	vld [tilespmem:s25+$0x4020];
	(pc) =	sbr.rel @p0 .LBB2_26-.Ltmp12, $4  }
0x298: {  	v4 =	vadd.f32 v6, v4;
	v0 =	vld [tilespmem:s25+$0x8030];
	[tilespmem:s25+$0x8070] =	vst v1  }
0x299: {  	v3 =	vld [tilespmem:s25+$0x4030]  }
0x29a: {  	[tilespmem:s25+$0x8000] =	vst v4;
	v6 =	vadd.f32 v9, v8;
	v1 =	vld [tilespmem:s25+$0x8040]  }
0x29b: {  	v4 =	vld [tilespmem:s25+$0x4040]  }
0x29c: {  	v7 =	vld [tilespmem:s25+$0x8050]  }
0x29d: {  	v8 =	vld [tilespmem:s25+$0x4050]  }
0x29e: {  	v9 =	vld [tilespmem:s25+$0x8060]  }
0x29f: {  	v10 =	vld [tilespmem:s25+$0x4060]  }
0x2a0: {  	v2 =	vadd.f32 v5, v2  }
0x2a1: {  	[tilespmem:s25+$0x8010] =	vst v6;
	v0 =	vadd.f32 v3, v0  }
0x2a2: {  	[tilespmem:s25+$0x8020] =	vst v2;
	v1 =	vadd.f32 v4, v1  }
0x2a3: {  	[tilespmem:s25+$0x8030] =	vst v0;
	v0 =	vadd.f32 v8, v7  }
0x2a4: {  	[tilespmem:s25+$0x8040] =	vst v1;
	v1 =	vadd.f32 v10, v9  }
0x2a5: {  	[tilespmem:s25+$0x8050] =	vst v0  }
0x2a6: {  	[tilespmem:s25+$0x8060] =	vst v1  }
0x2a7: {  	s25 =	simm.s32 $0x0;
	s24 =	rddreg [dreg:$0x1f]  }
0x2a8: {  	[hbm4b:s24+s25] =	stream.linear.scatter [tilespmem:s9], [sflag:$0x7], $0x4000, $0x38;
	[tilespmem:$0x18000] =	vst v63  }
0x2a9: {  	_ =	swait.ge [sflag:s22], $0x4000  }
0x2aa: {  	[sflag:s22] =	ssyncset.done $0x0  }
0x2ab: {  	s26 =	simm.s32 $0x0;
	[sflag:s22] =	ssyncadd.s32 $0xFFFFC000  }
0x2ac: {  	[tilespmem:s15], [sflag:$0x6] =	stream.linear.gather [hbm4b:s4+s25], $0x4000, $0x38;
	[tilespmem:$0x18000] =	vst v63  }
0x2ad: {  	s30 =	sand.u32 $0x2000, s26;
	s28 =	sand.u32 $0x1C00, s25;
	_ =	swait.ge [sflag:s16], $0x4000  }
0x2ae: {  	s24 =	sor.u32 s30, s28;
	s28 =	sand.u32 $0x380, s25;
	[sflag:s16] =	ssyncset.done $0x0  }
0x2af: {  	s24 =	sor.u32 s28, s24;
	[sflag:s16] =	ssyncadd.s32 $0xFFFFC000  }
0x2b0: {  	v0 =	vld [tilespmem:s24+$0xC070]  }
0x2b1: {  	v1 =	vld [tilespmem:s24+$0x4070]  }
0x2b2: {  	v3 =	vld [tilespmem:s24+$0xC000]  }
0x2b3: {  	v4 =	vld [tilespmem:s24+$0x4000]  }
0x2b4: {  	v6 =	vld [tilespmem:s24+$0xC010]  }
0x2b5: {  	v7 =	vld [tilespmem:s24+$0x4010]  }
0x2b6: {  	v2 =	vld [tilespmem:s24+$0xC020]  }
0x2b7: {  	v5 =	vld [tilespmem:s24+$0x4020]  }
0x2b8: {  	v1 =	vadd.f32 v1, v0;
	v0 =	vld [tilespmem:s24+$0xC030]  }
0x2b9: {  	v4 =	vadd.f32 v4, v3;
	v3 =	vld [tilespmem:s24+$0x4030]  }
0x2ba: {  	v6 =	vadd.f32 v7, v6;
	[tilespmem:s24+$0xC070] =	vst v1;
	v1 =	vld [tilespmem:s24+$0xC040]  }
0x2bb: {  	s28 =	simm.s32 $0x0;
	[tilespmem:s24+$0xC000] =	vst v4;
	v4 =	vld [tilespmem:s24+$0x4040]  }
.LBB2_28:
0x2bc: {  	s26 =	sadd.s32 $0x80, s26;
	[tilespmem:s24+$0xC010] =	vst v6;
	v2 =	vadd.f32 v5, v2;
	v5 =	vld [tilespmem:s24+$0xC050];
	s25 =	sadd.s32 $0x400, s25  }
0x2bd: {  	s28 =	sadd.s32 $0x10, s28;
	s29 =	sand.u32 $0x2000, s26;
	s30 =	sand.u32 $0x1C00, s25;
	v6 =	vld [tilespmem:s24+$0x4050]  }
0x2be: {  	p0 =	slt.u32 s26, $0x3F80;
	s29 =	sor.u32 s29, s30;
	s30 =	sand.u32 $0x380, s28;
	[tilespmem:s24+$0xC020] =	vst v2;
	v0 =	vadd.f32 v3, v0;
	v2 =	vld [tilespmem:s24+$0xC060]  }
0x2bf: {  	s29 =	sor.u32 s30, s29;
	v3 =	vld [tilespmem:s24+$0x4060]  }
0x2c0: {  	v7 =	vld [tilespmem:s29+$0xC070];
	[tilespmem:s24+$0xC030] =	vst v0;
	v0 =	vadd.f32 v4, v1  }
0x2c1: {  	v1 =	vld [tilespmem:s29+$0x4070]  }
0x2c2: {  	v4 =	vld [tilespmem:s29+$0xC000];
	[tilespmem:s24+$0xC040] =	vst v0;
	v0 =	vadd.f32 v6, v5  }
0x2c3: {  	v6 =	vld [tilespmem:s29+$0x4000]  }
0x2c4: {  	v8 =	vld [tilespmem:s29+$0xC010];
	[tilespmem:s24+$0xC050] =	vst v0;
	v0 =	vadd.f32 v3, v2  }
0x2c5: {  	v9 =	vld [tilespmem:s29+$0x4010]  }
0x2c6: {  	v2 =	vld [tilespmem:s29+$0xC020];
	v1 =	vadd.f32 v1, v7;
	[tilespmem:s24+$0xC060] =	vst v0;
	s24 =	smov.u32 s29  }
.Ltmp13:
0x2c7: {  	v5 =	vld [tilespmem:s24+$0x4020];
	(pc) =	sbr.rel @p0 .LBB2_28-.Ltmp13, $4  }
0x2c8: {  	v4 =	vadd.f32 v6, v4;
	v0 =	vld [tilespmem:s24+$0xC030];
	[tilespmem:s24+$0xC070] =	vst v1  }
0x2c9: {  	v3 =	vld [tilespmem:s24+$0x4030]  }
0x2ca: {  	[tilespmem:s24+$0xC000] =	vst v4;
	v6 =	vadd.f32 v9, v8;
	v1 =	vld [tilespmem:s24+$0xC040]  }
0x2cb: {  	v4 =	vld [tilespmem:s24+$0x4040]  }
0x2cc: {  	v7 =	vld [tilespmem:s24+$0xC050]  }
0x2cd: {  	v8 =	vld [tilespmem:s24+$0x4050]  }
0x2ce: {  	v9 =	vld [tilespmem:s24+$0xC060]  }
0x2cf: {  	v10 =	vld [tilespmem:s24+$0x4060]  }
0x2d0: {  	v2 =	vadd.f32 v5, v2  }
0x2d1: {  	[tilespmem:s24+$0xC010] =	vst v6;
	v0 =	vadd.f32 v3, v0  }
0x2d2: {  	[tilespmem:s24+$0xC020] =	vst v2;
	v1 =	vadd.f32 v4, v1  }
0x2d3: {  	[tilespmem:s24+$0xC030] =	vst v0;
	v0 =	vadd.f32 v8, v7  }
0x2d4: {  	[tilespmem:s24+$0xC040] =	vst v1;
	v1 =	vadd.f32 v10, v9  }
0x2d5: {  	[tilespmem:s24+$0xC050] =	vst v0  }
0x2d6: {  	s25 =	simm.s32 $0x0;
	s26 =	simm.s32 $0x0;
	[tilespmem:s24+$0xC060] =	vst v1  }
0x2d7: {  	[hbm4b:s5+s25] =	stream.linear.scatter [tilespmem:s10], [sflag:$0x8], $0x4000, $0x38;
	[tilespmem:$0x18000] =	vst v63  }
0x2d8: {  	s30 =	sand.u32 $0x2000, s26;
	s28 =	sand.u32 $0x1C00, s25;
	_ =	swait.ge [sflag:s18], $0x4000  }
0x2d9: {  	s24 =	sor.u32 s30, s28;
	s28 =	sand.u32 $0x380, s25;
	[sflag:s18] =	ssyncset.done $0x0  }
0x2da: {  	s24 =	sor.u32 s28, s24;
	[sflag:s18] =	ssyncadd.s32 $0xFFFFC000  }
0x2db: {  	v0 =	vld [tilespmem:s24+$0x10070]  }
0x2dc: {  	v1 =	vld [tilespmem:s24+$0x4070]  }
0x2dd: {  	v3 =	vld [tilespmem:s24+$0x10000]  }
0x2de: {  	v4 =	vld [tilespmem:s24+$0x4000]  }
0x2df: {  	v6 =	vld [tilespmem:s24+$0x10010]  }
0x2e0: {  	v7 =	vld [tilespmem:s24+$0x4010]  }
0x2e1: {  	v2 =	vld [tilespmem:s24+$0x10020]  }
0x2e2: {  	v5 =	vld [tilespmem:s24+$0x4020]  }
0x2e3: {  	v1 =	vadd.f32 v1, v0;
	v0 =	vld [tilespmem:s24+$0x10030]  }
0x2e4: {  	v4 =	vadd.f32 v4, v3;
	v3 =	vld [tilespmem:s24+$0x4030]  }
0x2e5: {  	v6 =	vadd.f32 v7, v6;
	[tilespmem:s24+$0x10070] =	vst v1;
	v1 =	vld [tilespmem:s24+$0x10040]  }
0x2e6: {  	s28 =	simm.s32 $0x0;
	[tilespmem:s24+$0x10000] =	vst v4;
	v4 =	vld [tilespmem:s24+$0x4040]  }
.LBB2_30:
0x2e7: {  	s26 =	sadd.s32 $0x80, s26;
	[tilespmem:s24+$0x10010] =	vst v6;
	v2 =	vadd.f32 v5, v2;
	v5 =	vld [tilespmem:s24+$0x10050];
	s25 =	sadd.s32 $0x400, s25  }
0x2e8: {  	s28 =	sadd.s32 $0x10, s28;
	s29 =	sand.u32 $0x2000, s26;
	s30 =	sand.u32 $0x1C00, s25;
	v6 =	vld [tilespmem:s24+$0x4050]  }
0x2e9: {  	p0 =	slt.u32 s26, $0x3F80;
	s29 =	sor.u32 s29, s30;
	s30 =	sand.u32 $0x380, s28;
	[tilespmem:s24+$0x10020] =	vst v2;
	v0 =	vadd.f32 v3, v0;
	v2 =	vld [tilespmem:s24+$0x10060]  }
0x2ea: {  	s29 =	sor.u32 s30, s29;
	v3 =	vld [tilespmem:s24+$0x4060]  }
0x2eb: {  	v7 =	vld [tilespmem:s29+$0x10070];
	[tilespmem:s24+$0x10030] =	vst v0;
	v0 =	vadd.f32 v4, v1  }
0x2ec: {  	v1 =	vld [tilespmem:s29+$0x4070]  }
0x2ed: {  	v4 =	vld [tilespmem:s29+$0x10000];
	[tilespmem:s24+$0x10040] =	vst v0;
	v0 =	vadd.f32 v6, v5  }
0x2ee: {  	v6 =	vld [tilespmem:s29+$0x4000]  }
0x2ef: {  	v8 =	vld [tilespmem:s29+$0x10010];
	[tilespmem:s24+$0x10050] =	vst v0;
	v0 =	vadd.f32 v3, v2  }
0x2f0: {  	v9 =	vld [tilespmem:s29+$0x4010]  }
0x2f1: {  	v2 =	vld [tilespmem:s29+$0x10020];
	v1 =	vadd.f32 v1, v7;
	[tilespmem:s24+$0x10060] =	vst v0;
	s24 =	smov.u32 s29  }
.Ltmp14:
0x2f2: {  	v5 =	vld [tilespmem:s24+$0x4020];
	(pc) =	sbr.rel @p0 .LBB2_30-.Ltmp14, $4  }
0x2f3: {  	v4 =	vadd.f32 v6, v4;
	v0 =	vld [tilespmem:s24+$0x10030];
	[tilespmem:s24+$0x10070] =	vst v1  }
0x2f4: {  	v3 =	vld [tilespmem:s24+$0x4030]  }
0x2f5: {  	[tilespmem:s24+$0x10000] =	vst v4;
	v6 =	vadd.f32 v9, v8;
	v1 =	vld [tilespmem:s24+$0x10040]  }
0x2f6: {  	v4 =	vld [tilespmem:s24+$0x4040]  }
0x2f7: {  	v7 =	vld [tilespmem:s24+$0x10050]  }
0x2f8: {  	v8 =	vld [tilespmem:s24+$0x4050]  }
0x2f9: {  	v9 =	vld [tilespmem:s24+$0x10060]  }
0x2fa: {  	v10 =	vld [tilespmem:s24+$0x4060]  }
0x2fb: {  	v2 =	vadd.f32 v5, v2  }
0x2fc: {  	[tilespmem:s24+$0x10010] =	vst v6;
	v0 =	vadd.f32 v3, v0  }
0x2fd: {  	[tilespmem:s24+$0x10020] =	vst v2;
	v1 =	vadd.f32 v4, v1  }
0x2fe: {  	[tilespmem:s24+$0x10030] =	vst v0;
	v0 =	vadd.f32 v8, v7  }
0x2ff: {  	[tilespmem:s24+$0x10040] =	vst v1;
	v1 =	vadd.f32 v10, v9  }
0x300: {  	[tilespmem:s24+$0x10050] =	vst v0  }
0x301: {  	s25 =	simm.s32 $0x0;
	s26 =	simm.s32 $0x0;
	[tilespmem:s24+$0x10060] =	vst v1  }
0x302: {  	[hbm4b:s6+s25] =	stream.linear.scatter [tilespmem:s11], [sflag:$0x9], $0x4000, $0x38;
	[tilespmem:$0x18000] =	vst v63  }
0x303: {  	s30 =	sand.u32 $0x2000, s26;
	s28 =	sand.u32 $0x1C00, s25;
	_ =	swait.ge [sflag:s20], $0x4000  }
0x304: {  	s24 =	sor.u32 s30, s28;
	s28 =	sand.u32 $0x380, s25;
	[sflag:s20] =	ssyncset.done $0x0  }
0x305: {  	s24 =	sor.u32 s28, s24;
	[sflag:s20] =	ssyncadd.s32 $0xFFFFC000  }
0x306: {  	v0 =	vld [tilespmem:s24+$0x14070]  }
0x307: {  	v1 =	vld [tilespmem:s24+$0x4070]  }
0x308: {  	v3 =	vld [tilespmem:s24+$0x14000]  }
0x309: {  	v4 =	vld [tilespmem:s24+$0x4000]  }
0x30a: {  	v6 =	vld [tilespmem:s24+$0x14010]  }
0x30b: {  	v7 =	vld [tilespmem:s24+$0x4010]  }
0x30c: {  	v2 =	vld [tilespmem:s24+$0x14020]  }
0x30d: {  	v5 =	vld [tilespmem:s24+$0x4020]  }
0x30e: {  	v1 =	vadd.f32 v1, v0;
	v0 =	vld [tilespmem:s24+$0x14030]  }
0x30f: {  	v4 =	vadd.f32 v4, v3;
	v3 =	vld [tilespmem:s24+$0x4030]  }
0x310: {  	v6 =	vadd.f32 v7, v6;
	[tilespmem:s24+$0x14070] =	vst v1;
	v1 =	vld [tilespmem:s24+$0x14040]  }
0x311: {  	s28 =	simm.s32 $0x0;
	[tilespmem:s24+$0x14000] =	vst v4;
	v4 =	vld [tilespmem:s24+$0x4040]  }
.LBB2_32:
0x312: {  	s26 =	sadd.s32 $0x80, s26;
	[tilespmem:s24+$0x14010] =	vst v6;
	v2 =	vadd.f32 v5, v2;
	v5 =	vld [tilespmem:s24+$0x14050];
	s25 =	sadd.s32 $0x400, s25  }
0x313: {  	s28 =	sadd.s32 $0x10, s28;
	s29 =	sand.u32 $0x2000, s26;
	s30 =	sand.u32 $0x1C00, s25;
	v6 =	vld [tilespmem:s24+$0x4050]  }
0x314: {  	p0 =	slt.u32 s26, $0x3F80;
	s29 =	sor.u32 s29, s30;
	s30 =	sand.u32 $0x380, s28;
	[tilespmem:s24+$0x14020] =	vst v2;
	v0 =	vadd.f32 v3, v0;
	v2 =	vld [tilespmem:s24+$0x14060]  }
0x315: {  	s29 =	sor.u32 s30, s29;
	v3 =	vld [tilespmem:s24+$0x4060]  }
0x316: {  	v7 =	vld [tilespmem:s29+$0x14070];
	[tilespmem:s24+$0x14030] =	vst v0;
	v0 =	vadd.f32 v4, v1  }
0x317: {  	v1 =	vld [tilespmem:s29+$0x4070]  }
0x318: {  	v4 =	vld [tilespmem:s29+$0x14000];
	[tilespmem:s24+$0x14040] =	vst v0;
	v0 =	vadd.f32 v6, v5  }
0x319: {  	v6 =	vld [tilespmem:s29+$0x4000]  }
0x31a: {  	v8 =	vld [tilespmem:s29+$0x14010];
	[tilespmem:s24+$0x14050] =	vst v0;
	v0 =	vadd.f32 v3, v2  }
0x31b: {  	v9 =	vld [tilespmem:s29+$0x4010]  }
0x31c: {  	v2 =	vld [tilespmem:s29+$0x14020];
	v1 =	vadd.f32 v1, v7;
	[tilespmem:s24+$0x14060] =	vst v0;
	s24 =	smov.u32 s29  }
.Ltmp15:
0x31d: {  	v5 =	vld [tilespmem:s24+$0x4020];
	(pc) =	sbr.rel @p0 .LBB2_32-.Ltmp15, $4  }
0x31e: {  	v4 =	vadd.f32 v6, v4;
	v0 =	vld [tilespmem:s24+$0x14030];
	[tilespmem:s24+$0x14070] =	vst v1  }
0x31f: {  	v3 =	vld [tilespmem:s24+$0x4030]  }
0x320: {  	[tilespmem:s24+$0x14000] =	vst v4;
	v6 =	vadd.f32 v9, v8;
	v1 =	vld [tilespmem:s24+$0x14040]  }
0x321: {  	v4 =	vld [tilespmem:s24+$0x4040]  }
0x322: {  	v7 =	vld [tilespmem:s24+$0x14050]  }
0x323: {  	v8 =	vld [tilespmem:s24+$0x4050]  }
0x324: {  	v9 =	vld [tilespmem:s24+$0x14060]  }
0x325: {  	v10 =	vld [tilespmem:s24+$0x4060]  }
0x326: {  	v2 =	vadd.f32 v5, v2  }
0x327: {  	[tilespmem:s24+$0x14010] =	vst v6;
	v0 =	vadd.f32 v3, v0  }
0x328: {  	[tilespmem:s24+$0x14020] =	vst v2;
	v1 =	vadd.f32 v4, v1  }
0x329: {  	[tilespmem:s24+$0x14030] =	vst v0;
	v62 =	vadd.f32 v8, v7  }
0x32a: {  	v63 =	vadd.f32 v10, v9;
	[tilespmem:s24+$0x14040] =	vst v1  }
0x32b: {  	[tilespmem:s24+$0x14050] =	vst v62  }
0x32c: {  	[tilespmem:s24+$0x14060] =	vst v63  }
0x32d: {  	[hbm4b:s7+s1] =	stream.linear.scatter [tilespmem:s15], [sflag:$0xA], $0x4000, $0x38;
	[tilespmem:$0x18000] =	vst v63  }
0x32e: {  	_ =	swait.ge [sflag:s17], $0x4000  }
0x32f: {  	[sflag:s17] =	ssyncset.done $0x0  }
0x330: {  	[sflag:s17] =	ssyncadd.s32 $0xFFFFC000  }
0x331: {  	_ =	swait.ge [sflag:s19], $0x4000  }
0x332: {  	[sflag:s19] =	ssyncset.done $0x0  }
0x333: {  	s23 =	sadd.s32 $0x1, s23;
	[sflag:s19] =	ssyncadd.s32 $0xFFFFC000  }
0x334: {  	p0 =	sne.s32 s23, s8;
	_ =	swait.ge [sflag:s21], $0x4000  }
.Ltmp16:
0x335: {  	[sflag:s21] =	ssyncset.done $0x0;
	(pc) =	sbr.rel @p0 .LBB2_1-.Ltmp16, $4  }
0x336: {  	[sflag:s21] =	ssyncadd.s32 $0xFFFFC000  }
0x337: {  	_ =	swait.ge [sflag:s22], $0x4000  }
0x338: {  	[sflag:s22] =	ssyncset.done $0x0  }
0x339: {  	[sflag:s22] =	ssyncadd.s32 $0xFFFFC000  }
0x33a: {  	_ =	sfence.sel $0x180000  }
0x33b: {  	[bflag:$0x0] =	sbarrier.arrive $0xFFFF  }
0x33c: {  	_ =	strace $0x90000047  }
0x33d: {  	s0 =	stileid.u32;
	[bflag:$0x2] =	sbarrier.arrive $0xFFFF  }
0x33e: {  	p0 =	sne.s32 s0, $0x0;
	s0 =	rddreg [dreg:$0x3]  }
0x33f: {  	s0 =	sadd.s32 @!p0 $0x100000, s0  }
0x340: {  	[sflag:s0] =	ssyncadd.tile.s32 @!p0 $0x1;
	_ =	shalt  }
.Lfunc_end2:
_tile_overlayer_lowered:
.L_overlay_start_2:
0x341: {  	(tag) =	ssettag $0x2  }
0x342: {  	s0 =	rddreg [dreg:$0x0];
	s2 =	stileid.u32  }
0x343: {  	s1 =	rddreg [dreg:$0x1];
	p0 =	sne.s32 s2, $0x0  }
0x344: {  	s3 =	rddreg [dreg:$0x2];
	[bflag:$0x3] =	sbarrier.arrive $0xFFFF;
	s2 =	simm.s32 @!p0 $0x1C0B  }
0x345: {  	[timem:s3], [sflag:s2] =	dma.local @!p0 [hbm:s0], s1  }
0x346: {  	s0 =	simm.s32 @!p0 $0xB  }
0x347: {  	_ =	swait.ge @!p0 [sflag:s0], s1  }
0x348: {  	s1 =	ssub.s32 @!p0 $0x0, s1;
	[sflag:s0] =	ssyncset.done @!p0 $0x0  }
0x349: {  	[sflag:s0] =	ssyncadd.s32 @!p0 s1  }
0x34a: {  	[bflag:$0x3] =	sbarrier.arrive $0xFFFF  }
0x34b: {  	_ =	shalt  }

</sc_bundles>
